<compile_context>
chip_gen: v7x
topology: tpu7x:2x2x1
jax: 0.10.2.dev20260603
libtpu: 0.0.44.dev20260713+nightly
codegen_flags: <defaults>
</compile_context>

<pallas_src>
import functools

import jax
import jax.numpy as jnp
from jax import lax
from jax.experimental import pallas as pl
from jax.experimental.pallas import tpu as pltpu
from jax.experimental.pallas import tpu_sc as plsc

_H = 8
_P = 1024
_S = 16
_D = 128
_B = 32
_BP = 256
_NPB = _P // _BP

_ROWS = _H * _P * _S
_NC = 2
_NSUB = 16
_NT = _NC * _NSUB
_TROWS = _ROWS // _NT
_CROWS = 128
_NCH = _TROWS // _CROWS
_NBUF = 6
_LAG = 3


def _tc_key_body(pages_sm, cursor_sm, hit_sm, k_in, k_new, k_out):
    j = pl.program_id(1)
    base = j * _BP

    k_out[...] = k_in[...]

    @pl.when(hit_sm[j] != 0)
    def _patch():
        row_iota = jax.lax.broadcasted_iota(jnp.int32, (_S, _D), 0)

        def body(b, _):
            p = pages_sm[b] - 1
            c = cursor_sm[b]

            @pl.when((p >= base) & (p < base + _BP))
            def _():
                mask = row_iota == c
                pl_idx = p - base
                k_page = k_out[0, pl_idx]
                k_row = k_new[0, b, :]
                k_out[0, pl_idx] = jnp.where(mask, k_row[None, :], k_page)

            return 0

        jax.lax.fori_loop(0, _B, body, 0, unroll=True)


def _sc_value_body(v_in, vnew_rows, sidx_hbm, didx_hbm, v_out,
                   bufs, gsems, ssems, rows_v, sidx_v, didx_v, psem):
    w = lax.axis_index("s") * _NC + lax.axis_index("c")
    base = w * _TROWS

    gh = [None] * _NCH
    sh = [None] * _NCH
    for i in range(_NCH + _LAG):
        if i < _NCH:
            if i >= _NBUF:
                sh[i - _NBUF].wait()
            gh[i] = pltpu.async_copy(
                v_in.at[pl.ds(base + i * _CROWS, _CROWS)],
                bufs[i % _NBUF], gsems[i % _NBUF])
        j = i - _LAG
        if 0 <= j < _NCH:
            gh[j].wait()
            sh[j] = pltpu.async_copy(
                bufs[j % _NBUF], v_out.at[pl.ds(base + j * _CROWS, _CROWS)],
                ssems[j % _NBUF])
    for j in range(max(0, _NCH - _NBUF), _NCH):
        sh[j].wait()

    h = w // 4

    @pl.when(w % 4 == 0)
    def _patch():
        pltpu.sync_copy(sidx_hbm.at[h], sidx_v)
        pltpu.sync_copy(didx_hbm.at[h], didx_v)
        pltpu.async_copy(vnew_rows.at[sidx_v], rows_v, psem).wait()
        pltpu.async_copy(rows_v, v_out.at[didx_v], psem).wait()


def kernel(key_pages, value_pages, key, value, seq_pages, seq_page_cursor):
    k_new = jnp.squeeze(key, axis=1)
    v_new = jnp.squeeze(value, axis=1)
    page_idx = seq_pages - 1
    off = page_idx * _S + seq_page_cursor
    same = off[:, None] == off[None, :]
    bidx = jnp.arange(_B, dtype=jnp.int32)
    winner = jnp.max(jnp.where(same, bidx[None, :], -1), axis=1)

    harange = jnp.arange(_H, dtype=jnp.int32)
    sidx = winner[None, :] * _H + harange[:, None]
    didx = harange[:, None] * (_P * _S) + off[None, :]

    mesh = plsc.VectorSubcoreMesh(
        core_axis_name="c", subcore_axis_name="s",
        num_cores=_NC, num_subcores=_NSUB)
    sc_fn = functools.partial(
        pl.kernel,
        out_type=jax.ShapeDtypeStruct((_ROWS, _D), jnp.float32),
        mesh=mesh,
        scratch_types=[
            [pltpu.VMEM((_CROWS, _D), jnp.float32) for _ in range(_NBUF)],
            [pltpu.SemaphoreType.DMA for _ in range(_NBUF)],
            [pltpu.SemaphoreType.DMA for _ in range(_NBUF)],
            pltpu.VMEM((_B, _D), jnp.float32),
            pltpu.VMEM((_B,), jnp.int32),
            pltpu.VMEM((_B,), jnp.int32),
            pltpu.SemaphoreType.DMA,
        ],
    )(_sc_value_body)
    out_v = sc_fn(value_pages.reshape(_ROWS, _D),
                  v_new.reshape(_B * _H, _D), sidx, didx)
    out_v = out_v.reshape(value_pages.shape)

    blk = page_idx // _BP
    hit = jnp.zeros((_NPB,), jnp.int32).at[blk].set(1, mode="drop")
    page_spec = pl.BlockSpec((1, _BP, _S, _D), lambda h, j: (h, j, 0, 0))
    new_spec = pl.BlockSpec((1, _B, _D), lambda h, j: (h, 0, 0))
    scalar_spec = pl.BlockSpec(memory_space=pltpu.SMEM)

    out_k = pl.pallas_call(
        _tc_key_body,
        grid=(_H, _NPB),
        in_specs=[scalar_spec, scalar_spec, scalar_spec, page_spec, new_spec],
        out_specs=page_spec,
        out_shape=jax.ShapeDtypeStruct(key_pages.shape, key_pages.dtype),
    )(seq_pages, seq_page_cursor, hit, key_pages,
      jnp.transpose(k_new, (1, 0, 2)))
    return (out_k, out_v)

# --- scband reference (transcript-rebuilt; emitter-appended) ---
"""Pipeline reference for scband-page-manager-3693671874796 (READ-ONLY COPY).

The authoritative reference and input builder live on the scoring server;
editing this copy changes nothing except your own understanding.
"""

import jax, jax.numpy as jnp
import numpy as np

NUM_KV_HEADS = 8
NUM_PAGES = 1024
PAGE_SIZE = 16
HEAD_DIM = 128
MAX_NUM_SEQUENCES = 32
MAX_PAGES_PER_SEQUENCE = 128


def setup_inputs(seed: int = 0) -> dict:
    key = jax.random.key(seed)
    ks = jax.random.split(key, 6)
    key_pages = jax.random.normal(ks[0], (NUM_KV_HEADS, NUM_PAGES, PAGE_SIZE, HEAD_DIM), dtype=jnp.float32)
    value_pages = jax.random.normal(ks[1], (NUM_KV_HEADS, NUM_PAGES, PAGE_SIZE, HEAD_DIM), dtype=jnp.float32)
    k_new = jax.random.normal(ks[2], (MAX_NUM_SEQUENCES, 1, NUM_KV_HEADS, HEAD_DIM), dtype=jnp.float32)
    v_new = jax.random.normal(ks[3], (MAX_NUM_SEQUENCES, 1, NUM_KV_HEADS, HEAD_DIM), dtype=jnp.float32)
    seq_pages = jax.random.randint(ks[4], (MAX_NUM_SEQUENCES,), 1, MAX_PAGES_PER_SEQUENCE).astype(jnp.int32)
    seq_page_cursor = jax.random.randint(ks[5], (MAX_NUM_SEQUENCES,), 0, PAGE_SIZE).astype(jnp.int32)
    return {
        "key_pages": key_pages,
        "value_pages": value_pages,
        "key": k_new,
        "value": v_new,
        "seq_pages": seq_pages,
        "seq_page_cursor": seq_page_cursor,
    }


def reference(key_pages, value_pages, key, value, seq_pages, seq_page_cursor):
    # PageManager.update_decode_step_pages:
    #   key/value: [B, 1, H, D] -> transpose (2,0,1,3) -> [H, B, 1, D]
    key_t = jnp.transpose(key, axes=(2, 0, 1, 3))
    value_t = jnp.transpose(value, axes=(2, 0, 1, 3))
    # decode step has q_len == 1; squeeze the seq axis so updates match target slice [H, B, D]
    key_t = jnp.squeeze(key_t, axis=2)
    value_t = jnp.squeeze(value_t, axis=2)
    assigned_page_idx = seq_pages - 1            # [B] page index per sequence slot
    assigned_page_cursor = seq_page_cursor       # [B] in-page token offset per slot
    new_key_pages = key_pages.at[:, assigned_page_idx, assigned_page_cursor, :].set(key_t)
    new_value_pages = value_pages.at[:, assigned_page_idx, assigned_page_cursor, :].set(value_t)
    return (new_key_pages, new_value_pages)

if __name__ == "__main__":
    import jax
    _d = setup_inputs()
    print(jax.jit(kernel)(*tuple(_d.values())))

</pallas_src>

<mosaic_0001>
#map = affine_map<(d0, d1) -> (0, 0)>
module attributes {stable_mosaic.version = 14 : i64} {
  func.func @_sc_value_body(%arg0: i32, %arg1: i32, %arg2: memref<131072x128xf32, #tpu.memory_space<hbm>>, %arg3: memref<256x128xf32, #tpu.memory_space<hbm>>, %arg4: memref<8x32xi32, #tpu.memory_space<hbm>>, %arg5: memref<8x32xi32, #tpu.memory_space<hbm>>, %arg6: memref<131072x128xf32, #tpu.memory_space<hbm>>, %arg7: memref<128x128xf32, #tpu.memory_space<vmem>>, %arg8: memref<128x128xf32, #tpu.memory_space<vmem>>, %arg9: memref<128x128xf32, #tpu.memory_space<vmem>>, %arg10: memref<128x128xf32, #tpu.memory_space<vmem>>, %arg11: memref<128x128xf32, #tpu.memory_space<vmem>>, %arg12: memref<128x128xf32, #tpu.memory_space<vmem>>, %arg13: memref<!tpu.dma_semaphore, #tpu.memory_space<semaphore_mem>>, %arg14: memref<!tpu.dma_semaphore, #tpu.memory_space<semaphore_mem>>, %arg15: memref<!tpu.dma_semaphore, #tpu.memory_space<semaphore_mem>>, %arg16: memref<!tpu.dma_semaphore, #tpu.memory_space<semaphore_mem>>, %arg17: memref<!tpu.dma_semaphore, #tpu.memory_space<semaphore_mem>>, %arg18: memref<!tpu.dma_semaphore, #tpu.memory_space<semaphore_mem>>, %arg19: memref<!tpu.dma_semaphore, #tpu.memory_space<semaphore_mem>>, %arg20: memref<!tpu.dma_semaphore, #tpu.memory_space<semaphore_mem>>, %arg21: memref<!tpu.dma_semaphore, #tpu.memory_space<semaphore_mem>>, %arg22: memref<!tpu.dma_semaphore, #tpu.memory_space<semaphore_mem>>, %arg23: memref<!tpu.dma_semaphore, #tpu.memory_space<semaphore_mem>>, %arg24: memref<!tpu.dma_semaphore, #tpu.memory_space<semaphore_mem>>, %arg25: memref<32x128xf32, #tpu.memory_space<vmem>>, %arg26: memref<32xi32, #tpu.memory_space<vmem>>, %arg27: memref<32xi32, #tpu.memory_space<vmem>>, %arg28: memref<!tpu.dma_semaphore, #tpu.memory_space<semaphore_mem>>) attributes {dimension_semantics = [#tpu.dimension_semantics<core_parallel>, #tpu.dimension_semantics<subcore_parallel>], iteration_bounds = array<i64: 2, 16>, scalar_prefetch = 0 : i64, scratch_operands = 22 : i64, tpu.core_type = #tpu.core_type<sc_vector_subcore>, window_params = [{transform_indices = #map}, {transform_indices = #map}, {transform_indices = #map}, {transform_indices = #map}, {transform_indices = #map}]} {
    %mul3A = arith.constant 2 : i32
    %mul3A_0 = arith.muli %arg1, %mul3A : i32
    %add3A = arith.addi %mul3A_0, %arg0 : i32
    %mul3A_1 = arith.constant 4096 : i32
    %mul3A_2 = arith.muli %add3A, %mul3A_1 : i32
    %add3A_3 = arith.constant 0 : i32
    %add3A_4 = arith.addi %mul3A_2, %add3A_3 : i32
    %dma_start3A = arith.constant 0 : i32
    %dma_start3A_5 = tpu.memref_slice %arg2[%add3A_4, %dma_start3A] : memref<131072x128xf32, #tpu.memory_space<hbm>> -> memref<128x128xf32, #tpu.memory_space<hbm>>
    %dma_start3A_6 = arith.constant 0 : i32
    %dma_start3A_7 = tpu.memref_slice %arg2[%add3A_4, %dma_start3A_6] : memref<131072x128xf32, #tpu.memory_space<hbm>> -> memref<128x128xf32, #tpu.memory_space<hbm>>
    tpu.enqueue_dma source(%dma_start3A_7 : memref<128x128xf32, #tpu.memory_space<hbm>>) target(%arg7 : memref<128x128xf32, #tpu.memory_space<vmem>>) target_semaphore(%arg13 : memref<!tpu.dma_semaphore, #tpu.memory_space<semaphore_mem>>)
    %add3A_8 = arith.constant 128 : i32
    %add3A_9 = arith.addi %mul3A_2, %add3A_8 : i32
    %dma_start3A_10 = arith.constant 0 : i32
    %dma_start3A_11 = tpu.memref_slice %arg2[%add3A_9, %dma_start3A_10] : memref<131072x128xf32, #tpu.memory_space<hbm>> -> memref<128x128xf32, #tpu.memory_space<hbm>>
    %dma_start3A_12 = arith.constant 0 : i32
    %dma_start3A_13 = tpu.memref_slice %arg2[%add3A_9, %dma_start3A_12] : memref<131072x128xf32, #tpu.memory_space<hbm>> -> memref<128x128xf32, #tpu.memory_space<hbm>>
    tpu.enqueue_dma source(%dma_start3A_13 : memref<128x128xf32, #tpu.memory_space<hbm>>) target(%arg8 : memref<128x128xf32, #tpu.memory_space<vmem>>) target_semaphore(%arg14 : memref<!tpu.dma_semaphore, #tpu.memory_space<semaphore_mem>>)
    %add3A_14 = arith.constant 256 : i32
    %add3A_15 = arith.addi %mul3A_2, %add3A_14 : i32
    %dma_start3A_16 = arith.constant 0 : i32
    %dma_start3A_17 = tpu.memref_slice %arg2[%add3A_15, %dma_start3A_16] : memref<131072x128xf32, #tpu.memory_space<hbm>> -> memref<128x128xf32, #tpu.memory_space<hbm>>
    %dma_start3A_18 = arith.constant 0 : i32
    %dma_start3A_19 = tpu.memref_slice %arg2[%add3A_15, %dma_start3A_18] : memref<131072x128xf32, #tpu.memory_space<hbm>> -> memref<128x128xf32, #tpu.memory_space<hbm>>
    tpu.enqueue_dma source(%dma_start3A_19 : memref<128x128xf32, #tpu.memory_space<hbm>>) target(%arg9 : memref<128x128xf32, #tpu.memory_space<vmem>>) target_semaphore(%arg15 : memref<!tpu.dma_semaphore, #tpu.memory_space<semaphore_mem>>)
    %add3A_20 = arith.constant 384 : i32
    %add3A_21 = arith.addi %mul3A_2, %add3A_20 : i32
    %dma_start3A_22 = arith.constant 0 : i32
    %dma_start3A_23 = tpu.memref_slice %arg2[%add3A_21, %dma_start3A_22] : memref<131072x128xf32, #tpu.memory_space<hbm>> -> memref<128x128xf32, #tpu.memory_space<hbm>>
    %dma_start3A_24 = arith.constant 0 : i32
    %dma_start3A_25 = tpu.memref_slice %arg2[%add3A_21, %dma_start3A_24] : memref<131072x128xf32, #tpu.memory_space<hbm>> -> memref<128x128xf32, #tpu.memory_space<hbm>>
    tpu.enqueue_dma source(%dma_start3A_25 : memref<128x128xf32, #tpu.memory_space<hbm>>) target(%arg10 : memref<128x128xf32, #tpu.memory_space<vmem>>) target_semaphore(%arg16 : memref<!tpu.dma_semaphore, #tpu.memory_space<semaphore_mem>>)
    %dma_wait3A = arith.constant 0 : i32
    %dma_wait3A_26 = tpu.memref_slice %arg2[%add3A_4, %dma_wait3A] : memref<131072x128xf32, #tpu.memory_space<hbm>> -> memref<128x128xf32, #tpu.memory_space<hbm>>
    %dma_wait3A_27 = arith.constant 0 : i32
    %dma_wait3A_28 = tpu.memref_slice %arg2[%add3A_4, %dma_wait3A_27] : memref<131072x128xf32, #tpu.memory_space<hbm>> -> memref<128x128xf32, #tpu.memory_space<hbm>>
    tpu.wait_dma2 semaphore(%arg13 : memref<!tpu.dma_semaphore, #tpu.memory_space<semaphore_mem>>) src(%dma_wait3A_28 : memref<128x128xf32, #tpu.memory_space<hbm>>) dst(%arg7 : memref<128x128xf32, #tpu.memory_space<vmem>>)
    %add3A_29 = arith.constant 0 : i32
    %add3A_30 = arith.addi %mul3A_2, %add3A_29 : i32
    %dma_start3A_31 = arith.constant 0 : i32
    %dma_start3A_32 = tpu.memref_slice %arg6[%add3A_30, %dma_start3A_31] : memref<131072x128xf32, #tpu.memory_space<hbm>> -> memref<128x128xf32, #tpu.memory_space<hbm>>
    %dma_start3A_33 = arith.constant 0 : i32
    %dma_start3A_34 = tpu.memref_slice %arg6[%add3A_30, %dma_start3A_33] : memref<131072x128xf32, #tpu.memory_space<hbm>> -> memref<128x128xf32, #tpu.memory_space<hbm>>
    tpu.enqueue_dma source(%arg7 : memref<128x128xf32, #tpu.memory_space<vmem>>) target(%dma_start3A_34 : memref<128x128xf32, #tpu.memory_space<hbm>>) target_semaphore(%arg19 : memref<!tpu.dma_semaphore, #tpu.memory_space<semaphore_mem>>)
    %add3A_35 = arith.constant 512 : i32
    %add3A_36 = arith.addi %mul3A_2, %add3A_35 : i32
    %dma_start3A_37 = arith.constant 0 : i32
    %dma_start3A_38 = tpu.memref_slice %arg2[%add3A_36, %dma_start3A_37] : memref<131072x128xf32, #tpu.memory_space<hbm>> -> memref<128x128xf32, #tpu.memory_space<hbm>>
    %dma_start3A_39 = arith.constant 0 : i32
    %dma_start3A_40 = tpu.memref_slice %arg2[%add3A_36, %dma_start3A_39] : memref<131072x128xf32, #tpu.memory_space<hbm>> -> memref<128x128xf32, #tpu.memory_space<hbm>>
    tpu.enqueue_dma source(%dma_start3A_40 : memref<128x128xf32, #tpu.memory_space<hbm>>) target(%arg11 : memref<128x128xf32, #tpu.memory_space<vmem>>) target_semaphore(%arg17 : memref<!tpu.dma_semaphore, #tpu.memory_space<semaphore_mem>>)
    %dma_wait3A_41 = arith.constant 0 : i32
    %dma_wait3A_42 = tpu.memref_slice %arg2[%add3A_9, %dma_wait3A_41] : memref<131072x128xf32, #tpu.memory_space<hbm>> -> memref<128x128xf32, #tpu.memory_space<hbm>>
    %dma_wait3A_43 = arith.constant 0 : i32
    %dma_wait3A_44 = tpu.memref_slice %arg2[%add3A_9, %dma_wait3A_43] : memref<131072x128xf32, #tpu.memory_space<hbm>> -> memref<128x128xf32, #tpu.memory_space<hbm>>
    tpu.wait_dma2 semaphore(%arg14 : memref<!tpu.dma_semaphore, #tpu.memory_space<semaphore_mem>>) src(%dma_wait3A_44 : memref<128x128xf32, #tpu.memory_space<hbm>>) dst(%arg8 : memref<128x128xf32, #tpu.memory_space<vmem>>)
    %add3A_45 = arith.constant 128 : i32
    %add3A_46 = arith.addi %mul3A_2, %add3A_45 : i32
    %dma_start3A_47 = arith.constant 0 : i32
    %dma_start3A_48 = tpu.memref_slice %arg6[%add3A_46, %dma_start3A_47] : memref<131072x128xf32, #tpu.memory_space<hbm>> -> memref<128x128xf32, #tpu.memory_space<hbm>>
    %dma_start3A_49 = arith.constant 0 : i32
    %dma_start3A_50 = tpu.memref_slice %arg6[%add3A_46, %dma_start3A_49] : memref<131072x128xf32, #tpu.memory_space<hbm>> -> memref<128x128xf32, #tpu.memory_space<hbm>>
    tpu.enqueue_dma source(%arg8 : memref<128x128xf32, #tpu.memory_space<vmem>>) target(%dma_start3A_50 : memref<128x128xf32, #tpu.memory_space<hbm>>) target_semaphore(%arg20 : memref<!tpu.dma_semaphore, #tpu.memory_space<semaphore_mem>>)
    %add3A_51 = arith.constant 640 : i32
    %add3A_52 = arith.addi %mul3A_2, %add3A_51 : i32
    %dma_start3A_53 = arith.constant 0 : i32
    %dma_start3A_54 = tpu.memref_slice %arg2[%add3A_52, %dma_start3A_53] : memref<131072x128xf32, #tpu.memory_space<hbm>> -> memref<128x128xf32, #tpu.memory_space<hbm>>
    %dma_start3A_55 = arith.constant 0 : i32
    %dma_start3A_56 = tpu.memref_slice %arg2[%add3A_52, %dma_start3A_55] : memref<131072x128xf32, #tpu.memory_space<hbm>> -> memref<128x128xf32, #tpu.memory_space<hbm>>
    tpu.enqueue_dma source(%dma_start3A_56 : memref<128x128xf32, #tpu.memory_space<hbm>>) target(%arg12 : memref<128x128xf32, #tpu.memory_space<vmem>>) target_semaphore(%arg18 : memref<!tpu.dma_semaphore, #tpu.memory_space<semaphore_mem>>)
    %dma_wait3A_57 = arith.constant 0 : i32
    %dma_wait3A_58 = tpu.memref_slice %arg2[%add3A_15, %dma_wait3A_57] : memref<131072x128xf32, #tpu.memory_space<hbm>> -> memref<128x128xf32, #tpu.memory_space<hbm>>
    %dma_wait3A_59 = arith.constant 0 : i32
    %dma_wait3A_60 = tpu.memref_slice %arg2[%add3A_15, %dma_wait3A_59] : memref<131072x128xf32, #tpu.memory_space<hbm>> -> memref<128x128xf32, #tpu.memory_space<hbm>>
    tpu.wait_dma2 semaphore(%arg15 : memref<!tpu.dma_semaphore, #tpu.memory_space<semaphore_mem>>) src(%dma_wait3A_60 : memref<128x128xf32, #tpu.memory_space<hbm>>) dst(%arg9 : memref<128x128xf32, #tpu.memory_space<vmem>>)
    %add3A_61 = arith.constant 256 : i32
    %add3A_62 = arith.addi %mul3A_2, %add3A_61 : i32
    %dma_start3A_63 = arith.constant 0 : i32
    %dma_start3A_64 = tpu.memref_slice %arg6[%add3A_62, %dma_start3A_63] : memref<131072x128xf32, #tpu.memory_space<hbm>> -> memref<128x128xf32, #tpu.memory_space<hbm>>
    %dma_start3A_65 = arith.constant 0 : i32
    %dma_start3A_66 = tpu.memref_slice %arg6[%add3A_62, %dma_start3A_65] : memref<131072x128xf32, #tpu.memory_space<hbm>> -> memref<128x128xf32, #tpu.memory_space<hbm>>
    tpu.enqueue_dma source(%arg9 : memref<128x128xf32, #tpu.memory_space<vmem>>) target(%dma_start3A_66 : memref<128x128xf32, #tpu.memory_space<hbm>>) target_semaphore(%arg21 : memref<!tpu.dma_semaphore, #tpu.memory_space<semaphore_mem>>)
    %dma_wait3A_67 = arith.constant 0 : i32
    %dma_wait3A_68 = tpu.memref_slice %arg6[%add3A_30, %dma_wait3A_67] : memref<131072x128xf32, #tpu.memory_space<hbm>> -> memref<128x128xf32, #tpu.memory_space<hbm>>
    %dma_wait3A_69 = arith.constant 0 : i32
    %dma_wait3A_70 = tpu.memref_slice %arg6[%add3A_30, %dma_wait3A_69] : memref<131072x128xf32, #tpu.memory_space<hbm>> -> memref<128x128xf32, #tpu.memory_space<hbm>>
    tpu.wait_dma2 semaphore(%arg19 : memref<!tpu.dma_semaphore, #tpu.memory_space<semaphore_mem>>) src(%arg7 : memref<128x128xf32, #tpu.memory_space<vmem>>) dst(%dma_wait3A_70 : memref<128x128xf32, #tpu.memory_space<hbm>>)
    %add3A_71 = arith.constant 768 : i32
    %add3A_72 = arith.addi %mul3A_2, %add3A_71 : i32
    %dma_start3A_73 = arith.constant 0 : i32
    %dma_start3A_74 = tpu.memref_slice %arg2[%add3A_72, %dma_start3A_73] : memref<131072x128xf32, #tpu.memory_space<hbm>> -> memref<128x128xf32, #tpu.memory_space<hbm>>
    %dma_start3A_75 = arith.constant 0 : i32
    %dma_start3A_76 = tpu.memref_slice %arg2[%add3A_72, %dma_start3A_75] : memref<131072x128xf32, #tpu.memory_space<hbm>> -> memref<128x128xf32, #tpu.memory_space<hbm>>
    tpu.enqueue_dma source(%dma_start3A_76 : memref<128x128xf32, #tpu.memory_space<hbm>>) target(%arg7 : memref<128x128xf32, #tpu.memory_space<vmem>>) target_semaphore(%arg13 : memref<!tpu.dma_semaphore, #tpu.memory_space<semaphore_mem>>)
    %dma_wait3A_77 = arith.constant 0 : i32
    %dma_wait3A_78 = tpu.memref_slice %arg2[%add3A_21, %dma_wait3A_77] : memref<131072x128xf32, #tpu.memory_space<hbm>> -> memref<128x128xf32, #tpu.memory_space<hbm>>
    %dma_wait3A_79 = arith.constant 0 : i32
    %dma_wait3A_80 = tpu.memref_slice %arg2[%add3A_21, %dma_wait3A_79] : memref<131072x128xf32, #tpu.memory_space<hbm>> -> memref<128x128xf32, #tpu.memory_space<hbm>>
    tpu.wait_dma2 semaphore(%arg16 : memref<!tpu.dma_semaphore, #tpu.memory_space<semaphore_mem>>) src(%dma_wait3A_80 : memref<128x128xf32, #tpu.memory_space<hbm>>) dst(%arg10 : memref<128x128xf32, #tpu.memory_space<vmem>>)
    %add3A_81 = arith.constant 384 : i32
    %add3A_82 = arith.addi %mul3A_2, %add3A_81 : i32
    %dma_start3A_83 = arith.constant 0 : i32
    %dma_start3A_84 = tpu.memref_slice %arg6[%add3A_82, %dma_start3A_83] : memref<131072x128xf32, #tpu.memory_space<hbm>> -> memref<128x128xf32, #tpu.memory_space<hbm>>
    %dma_start3A_85 = arith.constant 0 : i32
    %dma_start3A_86 = tpu.memref_slice %arg6[%add3A_82, %dma_start3A_85] : memref<131072x128xf32, #tpu.memory_space<hbm>> -> memref<128x128xf32, #tpu.memory_space<hbm>>
    tpu.enqueue_dma source(%arg10 : memref<128x128xf32, #tpu.memory_space<vmem>>) target(%dma_start3A_86 : memref<128x128xf32, #tpu.memory_space<hbm>>) target_semaphore(%arg22 : memref<!tpu.dma_semaphore, #tpu.memory_space<semaphore_mem>>)
    %dma_wait3A_87 = arith.constant 0 : i32
    %dma_wait3A_88 = tpu.memref_slice %arg6[%add3A_46, %dma_wait3A_87] : memref<131072x128xf32, #tpu.memory_space<hbm>> -> memref<128x128xf32, #tpu.memory_space<hbm>>
    %dma_wait3A_89 = arith.constant 0 : i32
    %dma_wait3A_90 = tpu.memref_slice %arg6[%add3A_46, %dma_wait3A_89] : memref<131072x128xf32, #tpu.memory_space<hbm>> -> memref<128x128xf32, #tpu.memory_space<hbm>>
    tpu.wait_dma2 semaphore(%arg20 : memref<!tpu.dma_semaphore, #tpu.memory_space<semaphore_mem>>) src(%arg8 : memref<128x128xf32, #tpu.memory_space<vmem>>) dst(%dma_wait3A_90 : memref<128x128xf32, #tpu.memory_space<hbm>>)
    %add3A_91 = arith.constant 896 : i32
    %add3A_92 = arith.addi %mul3A_2, %add3A_91 : i32
    %dma_start3A_93 = arith.constant 0 : i32
    %dma_start3A_94 = tpu.memref_slice %arg2[%add3A_92, %dma_start3A_93] : memref<131072x128xf32, #tpu.memory_space<hbm>> -> memref<128x128xf32, #tpu.memory_space<hbm>>
    %dma_start3A_95 = arith.constant 0 : i32
    %dma_start3A_96 = tpu.memref_slice %arg2[%add3A_92, %dma_start3A_95] : memref<131072x128xf32, #tpu.memory_space<hbm>> -> memref<128x128xf32, #tpu.memory_space<hbm>>
    tpu.enqueue_dma source(%dma_start3A_96 : memref<128x128xf32, #tpu.memory_space<hbm>>) target(%arg8 : memref<128x128xf32, #tpu.memory_space<vmem>>) target_semaphore(%arg14 : memref<!tpu.dma_semaphore, #tpu.memory_space<semaphore_mem>>)
    %dma_wait3A_97 = arith.constant 0 : i32
    %dma_wait3A_98 = tpu.memref_slice %arg2[%add3A_36, %dma_wait3A_97] : memref<131072x128xf32, #tpu.memory_space<hbm>> -> memref<128x128xf32, #tpu.memory_space<hbm>>
    %dma_wait3A_99 = arith.constant 0 : i32
    %dma_wait3A_100 = tpu.memref_slice %arg2[%add3A_36, %dma_wait3A_99] : memref<131072x128xf32, #tpu.memory_space<hbm>> -> memref<128x128xf32, #tpu.memory_space<hbm>>
    tpu.wait_dma2 semaphore(%arg17 : memref<!tpu.dma_semaphore, #tpu.memory_space<semaphore_mem>>) src(%dma_wait3A_100 : memref<128x128xf32, #tpu.memory_space<hbm>>) dst(%arg11 : memref<128x128xf32, #tpu.memory_space<vmem>>)
    %add3A_101 = arith.constant 512 : i32
    %add3A_102 = arith.addi %mul3A_2, %add3A_101 : i32
    %dma_start3A_103 = arith.constant 0 : i32
    %dma_start3A_104 = tpu.memref_slice %arg6[%add3A_102, %dma_start3A_103] : memref<131072x128xf32, #tpu.memory_space<hbm>> -> memref<128x128xf32, #tpu.memory_space<hbm>>
    %dma_start3A_105 = arith.constant 0 : i32
    %dma_start3A_106 = tpu.memref_slice %arg6[%add3A_102, %dma_start3A_105] : memref<131072x128xf32, #tpu.memory_space<hbm>> -> memref<128x128xf32, #tpu.memory_space<hbm>>
    tpu.enqueue_dma source(%arg11 : memref<128x128xf32, #tpu.memory_space<vmem>>) target(%dma_start3A_106 : memref<128x128xf32, #tpu.memory_space<hbm>>) target_semaphore(%arg23 : memref<!tpu.dma_semaphore, #tpu.memory_space<semaphore_mem>>)
    %dma_wait3A_107 = arith.constant 0 : i32
    %dma_wait3A_108 = tpu.memref_slice %arg6[%add3A_62, %dma_wait3A_107] : memref<131072x128xf32, #tpu.memory_space<hbm>> -> memref<128x128xf32, #tpu.memory_space<hbm>>
    %dma_wait3A_109 = arith.constant 0 : i32
    %dma_wait3A_110 = tpu.memref_slice %arg6[%add3A_62, %dma_wait3A_109] : memref<131072x128xf32, #tpu.memory_space<hbm>> -> memref<128x128xf32, #tpu.memory_space<hbm>>
    tpu.wait_dma2 semaphore(%arg21 : memref<!tpu.dma_semaphore, #tpu.memory_space<semaphore_mem>>) src(%arg9 : memref<128x128xf32, #tpu.memory_space<vmem>>) dst(%dma_wait3A_110 : memref<128x128xf32, #tpu.memory_space<hbm>>)
    %add3A_111 = arith.constant 1024 : i32
    %add3A_112 = arith.addi %mul3A_2, %add3A_111 : i32
    %dma_start3A_113 = arith.constant 0 : i32
    %dma_start3A_114 = tpu.memref_slice %arg2[%add3A_112, %dma_start3A_113] : memref<131072x128xf32, #tpu.memory_space<hbm>> -> memref<128x128xf32, #tpu.memory_space<hbm>>
    %dma_start3A_115 = arith.constant 0 : i32
    %dma_start3A_116 = tpu.memref_slice %arg2[%add3A_112, %dma_start3A_115] : memref<131072x128xf32, #tpu.memory_space<hbm>> -> memref<128x128xf32, #tpu.memory_space<hbm>>
    tpu.enqueue_dma source(%dma_start3A_116 : memref<128x128xf32, #tpu.memory_space<hbm>>) target(%arg9 : memref<128x128xf32, #tpu.memory_space<vmem>>) target_semaphore(%arg15 : memref<!tpu.dma_semaphore, #tpu.memory_space<semaphore_mem>>)
    %dma_wait3A_117 = arith.constant 0 : i32
    %dma_wait3A_118 = tpu.memref_slice %arg2[%add3A_52, %dma_wait3A_117] : memref<131072x128xf32, #tpu.memory_space<hbm>> -> memref<128x128xf32, #tpu.memory_space<hbm>>
    %dma_wait3A_119 = arith.constant 0 : i32
    %dma_wait3A_120 = tpu.memref_slice %arg2[%add3A_52, %dma_wait3A_119] : memref<131072x128xf32, #tpu.memory_space<hbm>> -> memref<128x128xf32, #tpu.memory_space<hbm>>
    tpu.wait_dma2 semaphore(%arg18 : memref<!tpu.dma_semaphore, #tpu.memory_space<semaphore_mem>>) src(%dma_wait3A_120 : memref<128x128xf32, #tpu.memory_space<hbm>>) dst(%arg12 : memref<128x128xf32, #tpu.memory_space<vmem>>)
    %add3A_121 = arith.constant 640 : i32
    %add3A_122 = arith.addi %mul3A_2, %add3A_121 : i32
    %dma_start3A_123 = arith.constant 0 : i32
    %dma_start3A_124 = tpu.memref_slice %arg6[%add3A_122, %dma_start3A_123] : memref<131072x128xf32, #tpu.memory_space<hbm>> -> memref<128x128xf32, #tpu.memory_space<hbm>>
    %dma_start3A_125 = arith.constant 0 : i32
    %dma_start3A_126 = tpu.memref_slice %arg6[%add3A_122, %dma_start3A_125] : memref<131072x128xf32, #tpu.memory_space<hbm>> -> memref<128x128xf32, #tpu.memory_space<hbm>>
    tpu.enqueue_dma source(%arg12 : memref<128x128xf32, #tpu.memory_space<vmem>>) target(%dma_start3A_126 : memref<128x128xf32, #tpu.memory_space<hbm>>) target_semaphore(%arg24 : memref<!tpu.dma_semaphore, #tpu.memory_space<semaphore_mem>>)
    %dma_wait3A_127 = arith.constant 0 : i32
    %dma_wait3A_128 = tpu.memref_slice %arg6[%add3A_82, %dma_wait3A_127] : memref<131072x128xf32, #tpu.memory_space<hbm>> -> memref<128x128xf32, #tpu.memory_space<hbm>>
    %dma_wait3A_129 = arith.constant 0 : i32
    %dma_wait3A_130 = tpu.memref_slice %arg6[%add3A_82, %dma_wait3A_129] : memref<131072x128xf32, #tpu.memory_space<hbm>> -> memref<128x128xf32, #tpu.memory_space<hbm>>
    tpu.wait_dma2 semaphore(%arg22 : memref<!tpu.dma_semaphore, #tpu.memory_space<semaphore_mem>>) src(%arg10 : memref<128x128xf32, #tpu.memory_space<vmem>>) dst(%dma_wait3A_130 : memref<128x128xf32, #tpu.memory_space<hbm>>)
    %add3A_131 = arith.constant 1152 : i32
    %add3A_132 = arith.addi %mul3A_2, %add3A_131 : i32
    %dma_start3A_133 = arith.constant 0 : i32
    %dma_start3A_134 = tpu.memref_slice %arg2[%add3A_132, %dma_start3A_133] : memref<131072x128xf32, #tpu.memory_space<hbm>> -> memref<128x128xf32, #tpu.memory_space<hbm>>
    %dma_start3A_135 = arith.constant 0 : i32
    %dma_start3A_136 = tpu.memref_slice %arg2[%add3A_132, %dma_start3A_135] : memref<131072x128xf32, #tpu.memory_space<hbm>> -> memref<128x128xf32, #tpu.memory_space<hbm>>
    tpu.enqueue_dma source(%dma_start3A_136 : memref<128x128xf32, #tpu.memory_space<hbm>>) target(%arg10 : memref<128x128xf32, #tpu.memory_space<vmem>>) target_semaphore(%arg16 : memref<!tpu.dma_semaphore, #tpu.memory_space<semaphore_mem>>)
    %dma_wait3A_137 = arith.constant 0 : i32
    %dma_wait3A_138 = tpu.memref_slice %arg2[%add3A_72, %dma_wait3A_137] : memref<131072x128xf32, #tpu.memory_space<hbm>> -> memref<128x128xf32, #tpu.memory_space<hbm>>
    %dma_wait3A_139 = arith.constant 0 : i32
    %dma_wait3A_140 = tpu.memref_slice %arg2[%add3A_72, %dma_wait3A_139] : memref<131072x128xf32, #tpu.memory_space<hbm>> -> memref<128x128xf32, #tpu.memory_space<hbm>>
    tpu.wait_dma2 semaphore(%arg13 : memref<!tpu.dma_semaphore, #tpu.memory_space<semaphore_mem>>) src(%dma_wait3A_140 : memref<128x128xf32, #tpu.memory_space<hbm>>) dst(%arg7 : memref<128x128xf32, #tpu.memory_space<vmem>>)
    %add3A_141 = arith.constant 768 : i32
    %add3A_142 = arith.addi %mul3A_2, %add3A_141 : i32
    %dma_start3A_143 = arith.constant 0 : i32
    %dma_start3A_144 = tpu.memref_slice %arg6[%add3A_142, %dma_start3A_143] : memref<131072x128xf32, #tpu.memory_space<hbm>> -> memref<128x128xf32, #tpu.memory_space<hbm>>
    %dma_start3A_145 = arith.constant 0 : i32
    %dma_start3A_146 = tpu.memref_slice %arg6[%add3A_142, %dma_start3A_145] : memref<131072x128xf32, #tpu.memory_space<hbm>> -> memref<128x128xf32, #tpu.memory_space<hbm>>
    tpu.enqueue_dma source(%arg7 : memref<128x128xf32, #tpu.memory_space<vmem>>) target(%dma_start3A_146 : memref<128x128xf32, #tpu.memory_space<hbm>>) target_semaphore(%arg19 : memref<!tpu.dma_semaphore, #tpu.memory_space<semaphore_mem>>)
    %dma_wait3A_147 = arith.constant 0 : i32
    %dma_wait3A_148 = tpu.memref_slice %arg6[%add3A_102, %dma_wait3A_147] : memref<131072x128xf32, #tpu.memory_space<hbm>> -> memref<128x128xf32, #tpu.memory_space<hbm>>
    %dma_wait3A_149 = arith.constant 0 : i32
    %dma_wait3A_150 = tpu.memref_slice %arg6[%add3A_102, %dma_wait3A_149] : memref<131072x128xf32, #tpu.memory_space<hbm>> -> memref<128x128xf32, #tpu.memory_space<hbm>>
    tpu.wait_dma2 semaphore(%arg23 : memref<!tpu.dma_semaphore, #tpu.memory_space<semaphore_mem>>) src(%arg11 : memref<128x128xf32, #tpu.memory_space<vmem>>) dst(%dma_wait3A_150 : memref<128x128xf32, #tpu.memory_space<hbm>>)
    %add3A_151 = arith.constant 1280 : i32
    %add3A_152 = arith.addi %mul3A_2, %add3A_151 : i32
    %dma_start3A_153 = arith.constant 0 : i32
    %dma_start3A_154 = tpu.memref_slice %arg2[%add3A_152, %dma_start3A_153] : memref<131072x128xf32, #tpu.memory_space<hbm>> -> memref<128x128xf32, #tpu.memory_space<hbm>>
    %dma_start3A_155 = arith.constant 0 : i32
    %dma_start3A_156 = tpu.memref_slice %arg2[%add3A_152, %dma_start3A_155] : memref<131072x128xf32, #tpu.memory_space<hbm>> -> memref<128x128xf32, #tpu.memory_space<hbm>>
    tpu.enqueue_dma source(%dma_start3A_156 : memref<128x128xf32, #tpu.memory_space<hbm>>) target(%arg11 : memref<128x128xf32, #tpu.memory_space<vmem>>) target_semaphore(%arg17 : memref<!tpu.dma_semaphore, #tpu.memory_space<semaphore_mem>>)
    %dma_wait3A_157 = arith.constant 0 : i32
    %dma_wait3A_158 = tpu.memref_slice %arg2[%add3A_92, %dma_wait3A_157] : memref<131072x128xf32, #tpu.memory_space<hbm>> -> memref<128x128xf32, #tpu.memory_space<hbm>>
    %dma_wait3A_159 = arith.constant 0 : i32
    %dma_wait3A_160 = tpu.memref_slice %arg2[%add3A_92, %dma_wait3A_159] : memref<131072x128xf32, #tpu.memory_space<hbm>> -> memref<128x128xf32, #tpu.memory_space<hbm>>
    tpu.wait_dma2 semaphore(%arg14 : memref<!tpu.dma_semaphore, #tpu.memory_space<semaphore_mem>>) src(%dma_wait3A_160 : memref<128x128xf32, #tpu.memory_space<hbm>>) dst(%arg8 : memref<128x128xf32, #tpu.memory_space<vmem>>)
    %add3A_161 = arith.constant 896 : i32
    %add3A_162 = arith.addi %mul3A_2, %add3A_161 : i32
    %dma_start3A_163 = arith.constant 0 : i32
    %dma_start3A_164 = tpu.memref_slice %arg6[%add3A_162, %dma_start3A_163] : memref<131072x128xf32, #tpu.memory_space<hbm>> -> memref<128x128xf32, #tpu.memory_space<hbm>>
    %dma_start3A_165 = arith.constant 0 : i32
    %dma_start3A_166 = tpu.memref_slice %arg6[%add3A_162, %dma_start3A_165] : memref<131072x128xf32, #tpu.memory_space<hbm>> -> memref<128x128xf32, #tpu.memory_space<hbm>>
    tpu.enqueue_dma source(%arg8 : memref<128x128xf32, #tpu.memory_space<vmem>>) target(%dma_start3A_166 : memref<128x128xf32, #tpu.memory_space<hbm>>) target_semaphore(%arg20 : memref<!tpu.dma_semaphore, #tpu.memory_space<semaphore_mem>>)
    %dma_wait3A_167 = arith.constant 0 : i32
    %dma_wait3A_168 = tpu.memref_slice %arg6[%add3A_122, %dma_wait3A_167] : memref<131072x128xf32, #tpu.memory_space<hbm>> -> memref<128x128xf32, #tpu.memory_space<hbm>>
    %dma_wait3A_169 = arith.constant 0 : i32
    %dma_wait3A_170 = tpu.memref_slice %arg6[%add3A_122, %dma_wait3A_169] : memref<131072x128xf32, #tpu.memory_space<hbm>> -> memref<128x128xf32, #tpu.memory_space<hbm>>
    tpu.wait_dma2 semaphore(%arg24 : memref<!tpu.dma_semaphore, #tpu.memory_space<semaphore_mem>>) src(%arg12 : memref<128x128xf32, #tpu.memory_space<vmem>>) dst(%dma_wait3A_170 : memref<128x128xf32, #tpu.memory_space<hbm>>)
    %add3A_171 = arith.constant 1408 : i32
    %add3A_172 = arith.addi %mul3A_2, %add3A_171 : i32
    %dma_start3A_173 = arith.constant 0 : i32
    %dma_start3A_174 = tpu.memref_slice %arg2[%add3A_172, %dma_start3A_173] : memref<131072x128xf32, #tpu.memory_space<hbm>> -> memref<128x128xf32, #tpu.memory_space<hbm>>
    %dma_start3A_175 = arith.constant 0 : i32
    %dma_start3A_176 = tpu.memref_slice %arg2[%add3A_172, %dma_start3A_175] : memref<131072x128xf32, #tpu.memory_space<hbm>> -> memref<128x128xf32, #tpu.memory_space<hbm>>
    tpu.enqueue_dma source(%dma_start3A_176 : memref<128x128xf32, #tpu.memory_space<hbm>>) target(%arg12 : memref<128x128xf32, #tpu.memory_space<vmem>>) target_semaphore(%arg18 : memref<!tpu.dma_semaphore, #tpu.memory_space<semaphore_mem>>)
    %dma_wait3A_177 = arith.constant 0 : i32
    %dma_wait3A_178 = tpu.memref_slice %arg2[%add3A_112, %dma_wait3A_177] : memref<131072x128xf32, #tpu.memory_space<hbm>> -> memref<128x128xf32, #tpu.memory_space<hbm>>
    %dma_wait3A_179 = arith.constant 0 : i32
    %dma_wait3A_180 = tpu.memref_slice %arg2[%add3A_112, %dma_wait3A_179] : memref<131072x128xf32, #tpu.memory_space<hbm>> -> memref<128x128xf32, #tpu.memory_space<hbm>>
    tpu.wait_dma2 semaphore(%arg15 : memref<!tpu.dma_semaphore, #tpu.memory_space<semaphore_mem>>) src(%dma_wait3A_180 : memref<128x128xf32, #tpu.memory_space<hbm>>) dst(%arg9 : memref<128x128xf32, #tpu.memory_space<vmem>>)
    %add3A_181 = arith.constant 1024 : i32
    %add3A_182 = arith.addi %mul3A_2, %add3A_181 : i32
    %dma_start3A_183 = arith.constant 0 : i32
    %dma_start3A_184 = tpu.memref_slice %arg6[%add3A_182, %dma_start3A_183] : memref<131072x128xf32, #tpu.memory_space<hbm>> -> memref<128x128xf32, #tpu.memory_space<hbm>>
    %dma_start3A_185 = arith.constant 0 : i32
    %dma_start3A_186 = tpu.memref_slice %arg6[%add3A_182, %dma_start3A_185] : memref<131072x128xf32, #tpu.memory_space<hbm>> -> memref<128x128xf32, #tpu.memory_space<hbm>>
    tpu.enqueue_dma source(%arg9 : memref<128x128xf32, #tpu.memory_space<vmem>>) target(%dma_start3A_186 : memref<128x128xf32, #tpu.memory_space<hbm>>) target_semaphore(%arg21 : memref<!tpu.dma_semaphore, #tpu.memory_space<semaphore_mem>>)
    %dma_wait3A_187 = arith.constant 0 : i32
    %dma_wait3A_188 = tpu.memref_slice %arg6[%add3A_142, %dma_wait3A_187] : memref<131072x128xf32, #tpu.memory_space<hbm>> -> memref<128x128xf32, #tpu.memory_space<hbm>>
    %dma_wait3A_189 = arith.constant 0 : i32
    %dma_wait3A_190 = tpu.memref_slice %arg6[%add3A_142, %dma_wait3A_189] : memref<131072x128xf32, #tpu.memory_space<hbm>> -> memref<128x128xf32, #tpu.memory_space<hbm>>
    tpu.wait_dma2 semaphore(%arg19 : memref<!tpu.dma_semaphore, #tpu.memory_space<semaphore_mem>>) src(%arg7 : memref<128x128xf32, #tpu.memory_space<vmem>>) dst(%dma_wait3A_190 : memref<128x128xf32, #tpu.memory_space<hbm>>)
    %add3A_191 = arith.constant 1536 : i32
    %add3A_192 = arith.addi %mul3A_2, %add3A_191 : i32
    %dma_start3A_193 = arith.constant 0 : i32
    %dma_start3A_194 = tpu.memref_slice %arg2[%add3A_192, %dma_start3A_193] : memref<131072x128xf32, #tpu.memory_space<hbm>> -> memref<128x128xf32, #tpu.memory_space<hbm>>
    %dma_start3A_195 = arith.constant 0 : i32
    %dma_start3A_196 = tpu.memref_slice %arg2[%add3A_192, %dma_start3A_195] : memref<131072x128xf32, #tpu.memory_space<hbm>> -> memref<128x128xf32, #tpu.memory_space<hbm>>
    tpu.enqueue_dma source(%dma_start3A_196 : memref<128x128xf32, #tpu.memory_space<hbm>>) target(%arg7 : memref<128x128xf32, #tpu.memory_space<vmem>>) target_semaphore(%arg13 : memref<!tpu.dma_semaphore, #tpu.memory_space<semaphore_mem>>)
    %dma_wait3A_197 = arith.constant 0 : i32
    %dma_wait3A_198 = tpu.memref_slice %arg2[%add3A_132, %dma_wait3A_197] : memref<131072x128xf32, #tpu.memory_space<hbm>> -> memref<128x128xf32, #tpu.memory_space<hbm>>
    %dma_wait3A_199 = arith.constant 0 : i32
    %dma_wait3A_200 = tpu.memref_slice %arg2[%add3A_132, %dma_wait3A_199] : memref<131072x128xf32, #tpu.memory_space<hbm>> -> memref<128x128xf32, #tpu.memory_space<hbm>>
    tpu.wait_dma2 semaphore(%arg16 : memref<!tpu.dma_semaphore, #tpu.memory_space<semaphore_mem>>) src(%dma_wait3A_200 : memref<128x128xf32, #tpu.memory_space<hbm>>) dst(%arg10 : memref<128x128xf32, #tpu.memory_space<vmem>>)
    %add3A_201 = arith.constant 1152 : i32
    %add3A_202 = arith.addi %mul3A_2, %add3A_201 : i32
    %dma_start3A_203 = arith.constant 0 : i32
    %dma_start3A_204 = tpu.memref_slice %arg6[%add3A_202, %dma_start3A_203] : memref<131072x128xf32, #tpu.memory_space<hbm>> -> memref<128x128xf32, #tpu.memory_space<hbm>>
    %dma_start3A_205 = arith.constant 0 : i32
    %dma_start3A_206 = tpu.memref_slice %arg6[%add3A_202, %dma_start3A_205] : memref<131072x128xf32, #tpu.memory_space<hbm>> -> memref<128x128xf32, #tpu.memory_space<hbm>>
    tpu.enqueue_dma source(%arg10 : memref<128x128xf32, #tpu.memory_space<vmem>>) target(%dma_start3A_206 : memref<128x128xf32, #tpu.memory_space<hbm>>) target_semaphore(%arg22 : memref<!tpu.dma_semaphore, #tpu.memory_space<semaphore_mem>>)
    %dma_wait3A_207 = arith.constant 0 : i32
    %dma_wait3A_208 = tpu.memref_slice %arg6[%add3A_162, %dma_wait3A_207] : memref<131072x128xf32, #tpu.memory_space<hbm>> -> memref<128x128xf32, #tpu.memory_space<hbm>>
    %dma_wait3A_209 = arith.constant 0 : i32
    %dma_wait3A_210 = tpu.memref_slice %arg6[%add3A_162, %dma_wait3A_209] : memref<131072x128xf32, #tpu.memory_space<hbm>> -> memref<128x128xf32, #tpu.memory_space<hbm>>
    tpu.wait_dma2 semaphore(%arg20 : memref<!tpu.dma_semaphore, #tpu.memory_space<semaphore_mem>>) src(%arg8 : memref<128x128xf32, #tpu.memory_space<vmem>>) dst(%dma_wait3A_210 : memref<128x128xf32, #tpu.memory_space<hbm>>)
    %add3A_211 = arith.constant 1664 : i32
    %add3A_212 = arith.addi %mul3A_2, %add3A_211 : i32
    %dma_start3A_213 = arith.constant 0 : i32
    %dma_start3A_214 = tpu.memref_slice %arg2[%add3A_212, %dma_start3A_213] : memref<131072x128xf32, #tpu.memory_space<hbm>> -> memref<128x128xf32, #tpu.memory_space<hbm>>
    %dma_start3A_215 = arith.constant 0 : i32
    %dma_start3A_216 = tpu.memref_slice %arg2[%add3A_212, %dma_start3A_215] : memref<131072x128xf32, #tpu.memory_space<hbm>> -> memref<128x128xf32, #tpu.memory_space<hbm>>
    tpu.enqueue_dma source(%dma_start3A_216 : memref<128x128xf32, #tpu.memory_space<hbm>>) target(%arg8 : memref<128x128xf32, #tpu.memory_space<vmem>>) target_semaphore(%arg14 : memref<!tpu.dma_semaphore, #tpu.memory_space<semaphore_mem>>)
    %dma_wait3A_217 = arith.constant 0 : i32
    %dma_wait3A_218 = tpu.memref_slice %arg2[%add3A_152, %dma_wait3A_217] : memref<131072x128xf32, #tpu.memory_space<hbm>> -> memref<128x128xf32, #tpu.memory_space<hbm>>
    %dma_wait3A_219 = arith.constant 0 : i32
    %dma_wait3A_220 = tpu.memref_slice %arg2[%add3A_152, %dma_wait3A_219] : memref<131072x128xf32, #tpu.memory_space<hbm>> -> memref<128x128xf32, #tpu.memory_space<hbm>>
    tpu.wait_dma2 semaphore(%arg17 : memref<!tpu.dma_semaphore, #tpu.memory_space<semaphore_mem>>) src(%dma_wait3A_220 : memref<128x128xf32, #tpu.memory_space<hbm>>) dst(%arg11 : memref<128x128xf32, #tpu.memory_space<vmem>>)
    %add3A_221 = arith.constant 1280 : i32
    %add3A_222 = arith.addi %mul3A_2, %add3A_221 : i32
    %dma_start3A_223 = arith.constant 0 : i32
    %dma_start3A_224 = tpu.memref_slice %arg6[%add3A_222, %dma_start3A_223] : memref<131072x128xf32, #tpu.memory_space<hbm>> -> memref<128x128xf32, #tpu.memory_space<hbm>>
    %dma_start3A_225 = arith.constant 0 : i32
    %dma_start3A_226 = tpu.memref_slice %arg6[%add3A_222, %dma_start3A_225] : memref<131072x128xf32, #tpu.memory_space<hbm>> -> memref<128x128xf32, #tpu.memory_space<hbm>>
    tpu.enqueue_dma source(%arg11 : memref<128x128xf32, #tpu.memory_space<vmem>>) target(%dma_start3A_226 : memref<128x128xf32, #tpu.memory_space<hbm>>) target_semaphore(%arg23 : memref<!tpu.dma_semaphore, #tpu.memory_space<semaphore_mem>>)
    %dma_wait3A_227 = arith.constant 0 : i32
    %dma_wait3A_228 = tpu.memref_slice %arg6[%add3A_182, %dma_wait3A_227] : memref<131072x128xf32, #tpu.memory_space<hbm>> -> memref<128x128xf32, #tpu.memory_space<hbm>>
    %dma_wait3A_229 = arith.constant 0 : i32
    %dma_wait3A_230 = tpu.memref_slice %arg6[%add3A_182, %dma_wait3A_229] : memref<131072x128xf32, #tpu.memory_space<hbm>> -> memref<128x128xf32, #tpu.memory_space<hbm>>
    tpu.wait_dma2 semaphore(%arg21 : memref<!tpu.dma_semaphore, #tpu.memory_space<semaphore_mem>>) src(%arg9 : memref<128x128xf32, #tpu.memory_space<vmem>>) dst(%dma_wait3A_230 : memref<128x128xf32, #tpu.memory_space<hbm>>)
    %add3A_231 = arith.constant 1792 : i32
    %add3A_232 = arith.addi %mul3A_2, %add3A_231 : i32
    %dma_start3A_233 = arith.constant 0 : i32
    %dma_start3A_234 = tpu.memref_slice %arg2[%add3A_232, %dma_start3A_233] : memref<131072x128xf32, #tpu.memory_space<hbm>> -> memref<128x128xf32, #tpu.memory_space<hbm>>
    %dma_start3A_235 = arith.constant 0 : i32
    %dma_start3A_236 = tpu.memref_slice %arg2[%add3A_232, %dma_start3A_235] : memref<131072x128xf32, #tpu.memory_space<hbm>> -> memref<128x128xf32, #tpu.memory_space<hbm>>
    tpu.enqueue_dma source(%dma_start3A_236 : memref<128x128xf32, #tpu.memory_space<hbm>>) target(%arg9 : memref<128x128xf32, #tpu.memory_space<vmem>>) target_semaphore(%arg15 : memref<!tpu.dma_semaphore, #tpu.memory_space<semaphore_mem>>)
    %dma_wait3A_237 = arith.constant 0 : i32
    %dma_wait3A_238 = tpu.memref_slice %arg2[%add3A_172, %dma_wait3A_237] : memref<131072x128xf32, #tpu.memory_space<hbm>> -> memref<128x128xf32, #tpu.memory_space<hbm>>
    %dma_wait3A_239 = arith.constant 0 : i32
    %dma_wait3A_240 = tpu.memref_slice %arg2[%add3A_172, %dma_wait3A_239] : memref<131072x128xf32, #tpu.memory_space<hbm>> -> memref<128x128xf32, #tpu.memory_space<hbm>>
    tpu.wait_dma2 semaphore(%arg18 : memref<!tpu.dma_semaphore, #tpu.memory_space<semaphore_mem>>) src(%dma_wait3A_240 : memref<128x128xf32, #tpu.memory_space<hbm>>) dst(%arg12 : memref<128x128xf32, #tpu.memory_space<vmem>>)
    %add3A_241 = arith.constant 1408 : i32
    %add3A_242 = arith.addi %mul3A_2, %add3A_241 : i32
    %dma_start3A_243 = arith.constant 0 : i32
    %dma_start3A_244 = tpu.memref_slice %arg6[%add3A_242, %dma_start3A_243] : memref<131072x128xf32, #tpu.memory_space<hbm>> -> memref<128x128xf32, #tpu.memory_space<hbm>>
    %dma_start3A_245 = arith.constant 0 : i32
    %dma_start3A_246 = tpu.memref_slice %arg6[%add3A_242, %dma_start3A_245] : memref<131072x128xf32, #tpu.memory_space<hbm>> -> memref<128x128xf32, #tpu.memory_space<hbm>>
    tpu.enqueue_dma source(%arg12 : memref<128x128xf32, #tpu.memory_space<vmem>>) target(%dma_start3A_246 : memref<128x128xf32, #tpu.memory_space<hbm>>) target_semaphore(%arg24 : memref<!tpu.dma_semaphore, #tpu.memory_space<semaphore_mem>>)
    %dma_wait3A_247 = arith.constant 0 : i32
    %dma_wait3A_248 = tpu.memref_slice %arg6[%add3A_202, %dma_wait3A_247] : memref<131072x128xf32, #tpu.memory_space<hbm>> -> memref<128x128xf32, #tpu.memory_space<hbm>>
    %dma_wait3A_249 = arith.constant 0 : i32
    %dma_wait3A_250 = tpu.memref_slice %arg6[%add3A_202, %dma_wait3A_249] : memref<131072x128xf32, #tpu.memory_space<hbm>> -> memref<128x128xf32, #tpu.memory_space<hbm>>
    tpu.wait_dma2 semaphore(%arg22 : memref<!tpu.dma_semaphore, #tpu.memory_space<semaphore_mem>>) src(%arg10 : memref<128x128xf32, #tpu.memory_space<vmem>>) dst(%dma_wait3A_250 : memref<128x128xf32, #tpu.memory_space<hbm>>)
    %add3A_251 = arith.constant 1920 : i32
    %add3A_252 = arith.addi %mul3A_2, %add3A_251 : i32
    %dma_start3A_253 = arith.constant 0 : i32
    %dma_start3A_254 = tpu.memref_slice %arg2[%add3A_252, %dma_start3A_253] : memref<131072x128xf32, #tpu.memory_space<hbm>> -> memref<128x128xf32, #tpu.memory_space<hbm>>
    %dma_start3A_255 = arith.constant 0 : i32
    %dma_start3A_256 = tpu.memref_slice %arg2[%add3A_252, %dma_start3A_255] : memref<131072x128xf32, #tpu.memory_space<hbm>> -> memref<128x128xf32, #tpu.memory_space<hbm>>
    tpu.enqueue_dma source(%dma_start3A_256 : memref<128x128xf32, #tpu.memory_space<hbm>>) target(%arg10 : memref<128x128xf32, #tpu.memory_space<vmem>>) target_semaphore(%arg16 : memref<!tpu.dma_semaphore, #tpu.memory_space<semaphore_mem>>)
    %dma_wait3A_257 = arith.constant 0 : i32
    %dma_wait3A_258 = tpu.memref_slice %arg2[%add3A_192, %dma_wait3A_257] : memref<131072x128xf32, #tpu.memory_space<hbm>> -> memref<128x128xf32, #tpu.memory_space<hbm>>
    %dma_wait3A_259 = arith.constant 0 : i32
    %dma_wait3A_260 = tpu.memref_slice %arg2[%add3A_192, %dma_wait3A_259] : memref<131072x128xf32, #tpu.memory_space<hbm>> -> memref<128x128xf32, #tpu.memory_space<hbm>>
    tpu.wait_dma2 semaphore(%arg13 : memref<!tpu.dma_semaphore, #tpu.memory_space<semaphore_mem>>) src(%dma_wait3A_260 : memref<128x128xf32, #tpu.memory_space<hbm>>) dst(%arg7 : memref<128x128xf32, #tpu.memory_space<vmem>>)
    %add3A_261 = arith.constant 1536 : i32
    %add3A_262 = arith.addi %mul3A_2, %add3A_261 : i32
    %dma_start3A_263 = arith.constant 0 : i32
    %dma_start3A_264 = tpu.memref_slice %arg6[%add3A_262, %dma_start3A_263] : memref<131072x128xf32, #tpu.memory_space<hbm>> -> memref<128x128xf32, #tpu.memory_space<hbm>>
    %dma_start3A_265 = arith.constant 0 : i32
    %dma_start3A_266 = tpu.memref_slice %arg6[%add3A_262, %dma_start3A_265] : memref<131072x128xf32, #tpu.memory_space<hbm>> -> memref<128x128xf32, #tpu.memory_space<hbm>>
    tpu.enqueue_dma source(%arg7 : memref<128x128xf32, #tpu.memory_space<vmem>>) target(%dma_start3A_266 : memref<128x128xf32, #tpu.memory_space<hbm>>) target_semaphore(%arg19 : memref<!tpu.dma_semaphore, #tpu.memory_space<semaphore_mem>>)
    %dma_wait3A_267 = arith.constant 0 : i32
    %dma_wait3A_268 = tpu.memref_slice %arg6[%add3A_222, %dma_wait3A_267] : memref<131072x128xf32, #tpu.memory_space<hbm>> -> memref<128x128xf32, #tpu.memory_space<hbm>>
    %dma_wait3A_269 = arith.constant 0 : i32
    %dma_wait3A_270 = tpu.memref_slice %arg6[%add3A_222, %dma_wait3A_269] : memref<131072x128xf32, #tpu.memory_space<hbm>> -> memref<128x128xf32, #tpu.memory_space<hbm>>
    tpu.wait_dma2 semaphore(%arg23 : memref<!tpu.dma_semaphore, #tpu.memory_space<semaphore_mem>>) src(%arg11 : memref<128x128xf32, #tpu.memory_space<vmem>>) dst(%dma_wait3A_270 : memref<128x128xf32, #tpu.memory_space<hbm>>)
    %add3A_271 = arith.constant 2048 : i32
    %add3A_272 = arith.addi %mul3A_2, %add3A_271 : i32
    %dma_start3A_273 = arith.constant 0 : i32
    %dma_start3A_274 = tpu.memref_slice %arg2[%add3A_272, %dma_start3A_273] : memref<131072x128xf32, #tpu.memory_space<hbm>> -> memref<128x128xf32, #tpu.memory_space<hbm>>
    %dma_start3A_275 = arith.constant 0 : i32
    %dma_start3A_276 = tpu.memref_slice %arg2[%add3A_272, %dma_start3A_275] : memref<131072x128xf32, #tpu.memory_space<hbm>> -> memref<128x128xf32, #tpu.memory_space<hbm>>
    tpu.enqueue_dma source(%dma_start3A_276 : memref<128x128xf32, #tpu.memory_space<hbm>>) target(%arg11 : memref<128x128xf32, #tpu.memory_space<vmem>>) target_semaphore(%arg17 : memref<!tpu.dma_semaphore, #tpu.memory_space<semaphore_mem>>)
    %dma_wait3A_277 = arith.constant 0 : i32
    %dma_wait3A_278 = tpu.memref_slice %arg2[%add3A_212, %dma_wait3A_277] : memref<131072x128xf32, #tpu.memory_space<hbm>> -> memref<128x128xf32, #tpu.memory_space<hbm>>
    %dma_wait3A_279 = arith.constant 0 : i32
    %dma_wait3A_280 = tpu.memref_slice %arg2[%add3A_212, %dma_wait3A_279] : memref<131072x128xf32, #tpu.memory_space<hbm>> -> memref<128x128xf32, #tpu.memory_space<hbm>>
    tpu.wait_dma2 semaphore(%arg14 : memref<!tpu.dma_semaphore, #tpu.memory_space<semaphore_mem>>) src(%dma_wait3A_280 : memref<128x128xf32, #tpu.memory_space<hbm>>) dst(%arg8 : memref<128x128xf32, #tpu.memory_space<vmem>>)
    %add3A_281 = arith.constant 1664 : i32
    %add3A_282 = arith.addi %mul3A_2, %add3A_281 : i32
    %dma_start3A_283 = arith.constant 0 : i32
    %dma_start3A_284 = tpu.memref_slice %arg6[%add3A_282, %dma_start3A_283] : memref<131072x128xf32, #tpu.memory_space<hbm>> -> memref<128x128xf32, #tpu.memory_space<hbm>>
    %dma_start3A_285 = arith.constant 0 : i32
    %dma_start3A_286 = tpu.memref_slice %arg6[%add3A_282, %dma_start3A_285] : memref<131072x128xf32, #tpu.memory_space<hbm>> -> memref<128x128xf32, #tpu.memory_space<hbm>>
    tpu.enqueue_dma source(%arg8 : memref<128x128xf32, #tpu.memory_space<vmem>>) target(%dma_start3A_286 : memref<128x128xf32, #tpu.memory_space<hbm>>) target_semaphore(%arg20 : memref<!tpu.dma_semaphore, #tpu.memory_space<semaphore_mem>>)
    %dma_wait3A_287 = arith.constant 0 : i32
    %dma_wait3A_288 = tpu.memref_slice %arg6[%add3A_242, %dma_wait3A_287] : memref<131072x128xf32, #tpu.memory_space<hbm>> -> memref<128x128xf32, #tpu.memory_space<hbm>>
    %dma_wait3A_289 = arith.constant 0 : i32
    %dma_wait3A_290 = tpu.memref_slice %arg6[%add3A_242, %dma_wait3A_289] : memref<131072x128xf32, #tpu.memory_space<hbm>> -> memref<128x128xf32, #tpu.memory_space<hbm>>
    tpu.wait_dma2 semaphore(%arg24 : memref<!tpu.dma_semaphore, #tpu.memory_space<semaphore_mem>>) src(%arg12 : memref<128x128xf32, #tpu.memory_space<vmem>>) dst(%dma_wait3A_290 : memref<128x128xf32, #tpu.memory_space<hbm>>)
    %add3A_291 = arith.constant 2176 : i32
    %add3A_292 = arith.addi %mul3A_2, %add3A_291 : i32
    %dma_start3A_293 = arith.constant 0 : i32
    %dma_start3A_294 = tpu.memref_slice %arg2[%add3A_292, %dma_start3A_293] : memref<131072x128xf32, #tpu.memory_space<hbm>> -> memref<128x128xf32, #tpu.memory_space<hbm>>
    %dma_start3A_295 = arith.constant 0 : i32
    %dma_start3A_296 = tpu.memref_slice %arg2[%add3A_292, %dma_start3A_295] : memref<131072x128xf32, #tpu.memory_space<hbm>> -> memref<128x128xf32, #tpu.memory_space<hbm>>
    tpu.enqueue_dma source(%dma_start3A_296 : memref<128x128xf32, #tpu.memory_space<hbm>>) target(%arg12 : memref<128x128xf32, #tpu.memory_space<vmem>>) target_semaphore(%arg18 : memref<!tpu.dma_semaphore, #tpu.memory_space<semaphore_mem>>)
    %dma_wait3A_297 = arith.constant 0 : i32
    %dma_wait3A_298 = tpu.memref_slice %arg2[%add3A_232, %dma_wait3A_297] : memref<131072x128xf32, #tpu.memory_space<hbm>> -> memref<128x128xf32, #tpu.memory_space<hbm>>
    %dma_wait3A_299 = arith.constant 0 : i32
    %dma_wait3A_300 = tpu.memref_slice %arg2[%add3A_232, %dma_wait3A_299] : memref<131072x128xf32, #tpu.memory_space<hbm>> -> memref<128x128xf32, #tpu.memory_space<hbm>>
    tpu.wait_dma2 semaphore(%arg15 : memref<!tpu.dma_semaphore, #tpu.memory_space<semaphore_mem>>) src(%dma_wait3A_300 : memref<128x128xf32, #tpu.memory_space<hbm>>) dst(%arg9 : memref<128x128xf32, #tpu.memory_space<vmem>>)
    %add3A_301 = arith.constant 1792 : i32
    %add3A_302 = arith.addi %mul3A_2, %add3A_301 : i32
    %dma_start3A_303 = arith.constant 0 : i32
    %dma_start3A_304 = tpu.memref_slice %arg6[%add3A_302, %dma_start3A_303] : memref<131072x128xf32, #tpu.memory_space<hbm>> -> memref<128x128xf32, #tpu.memory_space<hbm>>
    %dma_start3A_305 = arith.constant 0 : i32
    %dma_start3A_306 = tpu.memref_slice %arg6[%add3A_302, %dma_start3A_305] : memref<131072x128xf32, #tpu.memory_space<hbm>> -> memref<128x128xf32, #tpu.memory_space<hbm>>
    tpu.enqueue_dma source(%arg9 : memref<128x128xf32, #tpu.memory_space<vmem>>) target(%dma_start3A_306 : memref<128x128xf32, #tpu.memory_space<hbm>>) target_semaphore(%arg21 : memref<!tpu.dma_semaphore, #tpu.memory_space<semaphore_mem>>)
    %dma_wait3A_307 = arith.constant 0 : i32
    %dma_wait3A_308 = tpu.memref_slice %arg6[%add3A_262, %dma_wait3A_307] : memref<131072x128xf32, #tpu.memory_space<hbm>> -> memref<128x128xf32, #tpu.memory_space<hbm>>
    %dma_wait3A_309 = arith.constant 0 : i32
    %dma_wait3A_310 = tpu.memref_slice %arg6[%add3A_262, %dma_wait3A_309] : memref<131072x128xf32, #tpu.memory_space<hbm>> -> memref<128x128xf32, #tpu.memory_space<hbm>>
    tpu.wait_dma2 semaphore(%arg19 : memref<!tpu.dma_semaphore, #tpu.memory_space<semaphore_mem>>) src(%arg7 : memref<128x128xf32, #tpu.memory_space<vmem>>) dst(%dma_wait3A_310 : memref<128x128xf32, #tpu.memory_space<hbm>>)
    %add3A_311 = arith.constant 2304 : i32
    %add3A_312 = arith.addi %mul3A_2, %add3A_311 : i32
    %dma_start3A_313 = arith.constant 0 : i32
    %dma_start3A_314 = tpu.memref_slice %arg2[%add3A_312, %dma_start3A_313] : memref<131072x128xf32, #tpu.memory_space<hbm>> -> memref<128x128xf32, #tpu.memory_space<hbm>>
    %dma_start3A_315 = arith.constant 0 : i32
    %dma_start3A_316 = tpu.memref_slice %arg2[%add3A_312, %dma_start3A_315] : memref<131072x128xf32, #tpu.memory_space<hbm>> -> memref<128x128xf32, #tpu.memory_space<hbm>>
    tpu.enqueue_dma source(%dma_start3A_316 : memref<128x128xf32, #tpu.memory_space<hbm>>) target(%arg7 : memref<128x128xf32, #tpu.memory_space<vmem>>) target_semaphore(%arg13 : memref<!tpu.dma_semaphore, #tpu.memory_space<semaphore_mem>>)
    %dma_wait3A_317 = arith.constant 0 : i32
    %dma_wait3A_318 = tpu.memref_slice %arg2[%add3A_252, %dma_wait3A_317] : memref<131072x128xf32, #tpu.memory_space<hbm>> -> memref<128x128xf32, #tpu.memory_space<hbm>>
    %dma_wait3A_319 = arith.constant 0 : i32
    %dma_wait3A_320 = tpu.memref_slice %arg2[%add3A_252, %dma_wait3A_319] : memref<131072x128xf32, #tpu.memory_space<hbm>> -> memref<128x128xf32, #tpu.memory_space<hbm>>
    tpu.wait_dma2 semaphore(%arg16 : memref<!tpu.dma_semaphore, #tpu.memory_space<semaphore_mem>>) src(%dma_wait3A_320 : memref<128x128xf32, #tpu.memory_space<hbm>>) dst(%arg10 : memref<128x128xf32, #tpu.memory_space<vmem>>)
    %add3A_321 = arith.constant 1920 : i32
    %add3A_322 = arith.addi %mul3A_2, %add3A_321 : i32
    %dma_start3A_323 = arith.constant 0 : i32
    %dma_start3A_324 = tpu.memref_slice %arg6[%add3A_322, %dma_start3A_323] : memref<131072x128xf32, #tpu.memory_space<hbm>> -> memref<128x128xf32, #tpu.memory_space<hbm>>
    %dma_start3A_325 = arith.constant 0 : i32
    %dma_start3A_326 = tpu.memref_slice %arg6[%add3A_322, %dma_start3A_325] : memref<131072x128xf32, #tpu.memory_space<hbm>> -> memref<128x128xf32, #tpu.memory_space<hbm>>
    tpu.enqueue_dma source(%arg10 : memref<128x128xf32, #tpu.memory_space<vmem>>) target(%dma_start3A_326 : memref<128x128xf32, #tpu.memory_space<hbm>>) target_semaphore(%arg22 : memref<!tpu.dma_semaphore, #tpu.memory_space<semaphore_mem>>)
    %dma_wait3A_327 = arith.constant 0 : i32
    %dma_wait3A_328 = tpu.memref_slice %arg6[%add3A_282, %dma_wait3A_327] : memref<131072x128xf32, #tpu.memory_space<hbm>> -> memref<128x128xf32, #tpu.memory_space<hbm>>
    %dma_wait3A_329 = arith.constant 0 : i32
    %dma_wait3A_330 = tpu.memref_slice %arg6[%add3A_282, %dma_wait3A_329] : memref<131072x128xf32, #tpu.memory_space<hbm>> -> memref<128x128xf32, #tpu.memory_space<hbm>>
    tpu.wait_dma2 semaphore(%arg20 : memref<!tpu.dma_semaphore, #tpu.memory_space<semaphore_mem>>) src(%arg8 : memref<128x128xf32, #tpu.memory_space<vmem>>) dst(%dma_wait3A_330 : memref<128x128xf32, #tpu.memory_space<hbm>>)
    %add3A_331 = arith.constant 2432 : i32
    %add3A_332 = arith.addi %mul3A_2, %add3A_331 : i32
    %dma_start3A_333 = arith.constant 0 : i32
    %dma_start3A_334 = tpu.memref_slice %arg2[%add3A_332, %dma_start3A_333] : memref<131072x128xf32, #tpu.memory_space<hbm>> -> memref<128x128xf32, #tpu.memory_space<hbm>>
    %dma_start3A_335 = arith.constant 0 : i32
    %dma_start3A_336 = tpu.memref_slice %arg2[%add3A_332, %dma_start3A_335] : memref<131072x128xf32, #tpu.memory_space<hbm>> -> memref<128x128xf32, #tpu.memory_space<hbm>>
    tpu.enqueue_dma source(%dma_start3A_336 : memref<128x128xf32, #tpu.memory_space<hbm>>) target(%arg8 : memref<128x128xf32, #tpu.memory_space<vmem>>) target_semaphore(%arg14 : memref<!tpu.dma_semaphore, #tpu.memory_space<semaphore_mem>>)
    %dma_wait3A_337 = arith.constant 0 : i32
    %dma_wait3A_338 = tpu.memref_slice %arg2[%add3A_272, %dma_wait3A_337] : memref<131072x128xf32, #tpu.memory_space<hbm>> -> memref<128x128xf32, #tpu.memory_space<hbm>>
    %dma_wait3A_339 = arith.constant 0 : i32
    %dma_wait3A_340 = tpu.memref_slice %arg2[%add3A_272, %dma_wait3A_339] : memref<131072x128xf32, #tpu.memory_space<hbm>> -> memref<128x128xf32, #tpu.memory_space<hbm>>
    tpu.wait_dma2 semaphore(%arg17 : memref<!tpu.dma_semaphore, #tpu.memory_space<semaphore_mem>>) src(%dma_wait3A_340 : memref<128x128xf32, #tpu.memory_space<hbm>>) dst(%arg11 : memref<128x128xf32, #tpu.memory_space<vmem>>)
    %add3A_341 = arith.constant 2048 : i32
    %add3A_342 = arith.addi %mul3A_2, %add3A_341 : i32
    %dma_start3A_343 = arith.constant 0 : i32
    %dma_start3A_344 = tpu.memref_slice %arg6[%add3A_342, %dma_start3A_343] : memref<131072x128xf32, #tpu.memory_space<hbm>> -> memref<128x128xf32, #tpu.memory_space<hbm>>
    %dma_start3A_345 = arith.constant 0 : i32
    %dma_start3A_346 = tpu.memref_slice %arg6[%add3A_342, %dma_start3A_345] : memref<131072x128xf32, #tpu.memory_space<hbm>> -> memref<128x128xf32, #tpu.memory_space<hbm>>
    tpu.enqueue_dma source(%arg11 : memref<128x128xf32, #tpu.memory_space<vmem>>) target(%dma_start3A_346 : memref<128x128xf32, #tpu.memory_space<hbm>>) target_semaphore(%arg23 : memref<!tpu.dma_semaphore, #tpu.memory_space<semaphore_mem>>)
    %dma_wait3A_347 = arith.constant 0 : i32
    %dma_wait3A_348 = tpu.memref_slice %arg6[%add3A_302, %dma_wait3A_347] : memref<131072x128xf32, #tpu.memory_space<hbm>> -> memref<128x128xf32, #tpu.memory_space<hbm>>
    %dma_wait3A_349 = arith.constant 0 : i32
    %dma_wait3A_350 = tpu.memref_slice %arg6[%add3A_302, %dma_wait3A_349] : memref<131072x128xf32, #tpu.memory_space<hbm>> -> memref<128x128xf32, #tpu.memory_space<hbm>>
    tpu.wait_dma2 semaphore(%arg21 : memref<!tpu.dma_semaphore, #tpu.memory_space<semaphore_mem>>) src(%arg9 : memref<128x128xf32, #tpu.memory_space<vmem>>) dst(%dma_wait3A_350 : memref<128x128xf32, #tpu.memory_space<hbm>>)
    %add3A_351 = arith.constant 2560 : i32
    %add3A_352 = arith.addi %mul3A_2, %add3A_351 : i32
    %dma_start3A_353 = arith.constant 0 : i32
    %dma_start3A_354 = tpu.memref_slice %arg2[%add3A_352, %dma_start3A_353] : memref<131072x128xf32, #tpu.memory_space<hbm>> -> memref<128x128xf32, #tpu.memory_space<hbm>>
    %dma_start3A_355 = arith.constant 0 : i32
    %dma_start3A_356 = tpu.memref_slice %arg2[%add3A_352, %dma_start3A_355] : memref<131072x128xf32, #tpu.memory_space<hbm>> -> memref<128x128xf32, #tpu.memory_space<hbm>>
    tpu.enqueue_dma source(%dma_start3A_356 : memref<128x128xf32, #tpu.memory_space<hbm>>) target(%arg9 : memref<128x128xf32, #tpu.memory_space<vmem>>) target_semaphore(%arg15 : memref<!tpu.dma_semaphore, #tpu.memory_space<semaphore_mem>>)
    %dma_wait3A_357 = arith.constant 0 : i32
    %dma_wait3A_358 = tpu.memref_slice %arg2[%add3A_292, %dma_wait3A_357] : memref<131072x128xf32, #tpu.memory_space<hbm>> -> memref<128x128xf32, #tpu.memory_space<hbm>>
    %dma_wait3A_359 = arith.constant 0 : i32
    %dma_wait3A_360 = tpu.memref_slice %arg2[%add3A_292, %dma_wait3A_359] : memref<131072x128xf32, #tpu.memory_space<hbm>> -> memref<128x128xf32, #tpu.memory_space<hbm>>
    tpu.wait_dma2 semaphore(%arg18 : memref<!tpu.dma_semaphore, #tpu.memory_space<semaphore_mem>>) src(%dma_wait3A_360 : memref<128x128xf32, #tpu.memory_space<hbm>>) dst(%arg12 : memref<128x128xf32, #tpu.memory_space<vmem>>)
    %add3A_361 = arith.constant 2176 : i32
    %add3A_362 = arith.addi %mul3A_2, %add3A_361 : i32
    %dma_start3A_363 = arith.constant 0 : i32
    %dma_start3A_364 = tpu.memref_slice %arg6[%add3A_362, %dma_start3A_363] : memref<131072x128xf32, #tpu.memory_space<hbm>> -> memref<128x128xf32, #tpu.memory_space<hbm>>
    %dma_start3A_365 = arith.constant 0 : i32
    %dma_start3A_366 = tpu.memref_slice %arg6[%add3A_362, %dma_start3A_365] : memref<131072x128xf32, #tpu.memory_space<hbm>> -> memref<128x128xf32, #tpu.memory_space<hbm>>
    tpu.enqueue_dma source(%arg12 : memref<128x128xf32, #tpu.memory_space<vmem>>) target(%dma_start3A_366 : memref<128x128xf32, #tpu.memory_space<hbm>>) target_semaphore(%arg24 : memref<!tpu.dma_semaphore, #tpu.memory_space<semaphore_mem>>)
    %dma_wait3A_367 = arith.constant 0 : i32
    %dma_wait3A_368 = tpu.memref_slice %arg6[%add3A_322, %dma_wait3A_367] : memref<131072x128xf32, #tpu.memory_space<hbm>> -> memref<128x128xf32, #tpu.memory_space<hbm>>
    %dma_wait3A_369 = arith.constant 0 : i32
    %dma_wait3A_370 = tpu.memref_slice %arg6[%add3A_322, %dma_wait3A_369] : memref<131072x128xf32, #tpu.memory_space<hbm>> -> memref<128x128xf32, #tpu.memory_space<hbm>>
    tpu.wait_dma2 semaphore(%arg22 : memref<!tpu.dma_semaphore, #tpu.memory_space<semaphore_mem>>) src(%arg10 : memref<128x128xf32, #tpu.memory_space<vmem>>) dst(%dma_wait3A_370 : memref<128x128xf32, #tpu.memory_space<hbm>>)
    %add3A_371 = arith.constant 2688 : i32
    %add3A_372 = arith.addi %mul3A_2, %add3A_371 : i32
    %dma_start3A_373 = arith.constant 0 : i32
    %dma_start3A_374 = tpu.memref_slice %arg2[%add3A_372, %dma_start3A_373] : memref<131072x128xf32, #tpu.memory_space<hbm>> -> memref<128x128xf32, #tpu.memory_space<hbm>>
    %dma_start3A_375 = arith.constant 0 : i32
    %dma_start3A_376 = tpu.memref_slice %arg2[%add3A_372, %dma_start3A_375] : memref<131072x128xf32, #tpu.memory_space<hbm>> -> memref<128x128xf32, #tpu.memory_space<hbm>>
    tpu.enqueue_dma source(%dma_start3A_376 : memref<128x128xf32, #tpu.memory_space<hbm>>) target(%arg10 : memref<128x128xf32, #tpu.memory_space<vmem>>) target_semaphore(%arg16 : memref<!tpu.dma_semaphore, #tpu.memory_space<semaphore_mem>>)
    %dma_wait3A_377 = arith.constant 0 : i32
    %dma_wait3A_378 = tpu.memref_slice %arg2[%add3A_312, %dma_wait3A_377] : memref<131072x128xf32, #tpu.memory_space<hbm>> -> memref<128x128xf32, #tpu.memory_space<hbm>>
    %dma_wait3A_379 = arith.constant 0 : i32
    %dma_wait3A_380 = tpu.memref_slice %arg2[%add3A_312, %dma_wait3A_379] : memref<131072x128xf32, #tpu.memory_space<hbm>> -> memref<128x128xf32, #tpu.memory_space<hbm>>
    tpu.wait_dma2 semaphore(%arg13 : memref<!tpu.dma_semaphore, #tpu.memory_space<semaphore_mem>>) src(%dma_wait3A_380 : memref<128x128xf32, #tpu.memory_space<hbm>>) dst(%arg7 : memref<128x128xf32, #tpu.memory_space<vmem>>)
    %add3A_381 = arith.constant 2304 : i32
    %add3A_382 = arith.addi %mul3A_2, %add3A_381 : i32
    %dma_start3A_383 = arith.constant 0 : i32
    %dma_start3A_384 = tpu.memref_slice %arg6[%add3A_382, %dma_start3A_383] : memref<131072x128xf32, #tpu.memory_space<hbm>> -> memref<128x128xf32, #tpu.memory_space<hbm>>
    %dma_start3A_385 = arith.constant 0 : i32
    %dma_start3A_386 = tpu.memref_slice %arg6[%add3A_382, %dma_start3A_385] : memref<131072x128xf32, #tpu.memory_space<hbm>> -> memref<128x128xf32, #tpu.memory_space<hbm>>
    tpu.enqueue_dma source(%arg7 : memref<128x128xf32, #tpu.memory_space<vmem>>) target(%dma_start3A_386 : memref<128x128xf32, #tpu.memory_space<hbm>>) target_semaphore(%arg19 : memref<!tpu.dma_semaphore, #tpu.memory_space<semaphore_mem>>)
    %dma_wait3A_387 = arith.constant 0 : i32
    %dma_wait3A_388 = tpu.memref_slice %arg6[%add3A_342, %dma_wait3A_387] : memref<131072x128xf32, #tpu.memory_space<hbm>> -> memref<128x128xf32, #tpu.memory_space<hbm>>
    %dma_wait3A_389 = arith.constant 0 : i32
    %dma_wait3A_390 = tpu.memref_slice %arg6[%add3A_342, %dma_wait3A_389] : memref<131072x128xf32, #tpu.memory_space<hbm>> -> memref<128x128xf32, #tpu.memory_space<hbm>>
    tpu.wait_dma2 semaphore(%arg23 : memref<!tpu.dma_semaphore, #tpu.memory_space<semaphore_mem>>) src(%arg11 : memref<128x128xf32, #tpu.memory_space<vmem>>) dst(%dma_wait3A_390 : memref<128x128xf32, #tpu.memory_space<hbm>>)
    %add3A_391 = arith.constant 2816 : i32
    %add3A_392 = arith.addi %mul3A_2, %add3A_391 : i32
    %dma_start3A_393 = arith.constant 0 : i32
    %dma_start3A_394 = tpu.memref_slice %arg2[%add3A_392, %dma_start3A_393] : memref<131072x128xf32, #tpu.memory_space<hbm>> -> memref<128x128xf32, #tpu.memory_space<hbm>>
    %dma_start3A_395 = arith.constant 0 : i32
    %dma_start3A_396 = tpu.memref_slice %arg2[%add3A_392, %dma_start3A_395] : memref<131072x128xf32, #tpu.memory_space<hbm>> -> memref<128x128xf32, #tpu.memory_space<hbm>>
    tpu.enqueue_dma source(%dma_start3A_396 : memref<128x128xf32, #tpu.memory_space<hbm>>) target(%arg11 : memref<128x128xf32, #tpu.memory_space<vmem>>) target_semaphore(%arg17 : memref<!tpu.dma_semaphore, #tpu.memory_space<semaphore_mem>>)
    %dma_wait3A_397 = arith.constant 0 : i32
    %dma_wait3A_398 = tpu.memref_slice %arg2[%add3A_332, %dma_wait3A_397] : memref<131072x128xf32, #tpu.memory_space<hbm>> -> memref<128x128xf32, #tpu.memory_space<hbm>>
    %dma_wait3A_399 = arith.constant 0 : i32
    %dma_wait3A_400 = tpu.memref_slice %arg2[%add3A_332, %dma_wait3A_399] : memref<131072x128xf32, #tpu.memory_space<hbm>> -> memref<128x128xf32, #tpu.memory_space<hbm>>
    tpu.wait_dma2 semaphore(%arg14 : memref<!tpu.dma_semaphore, #tpu.memory_space<semaphore_mem>>) src(%dma_wait3A_400 : memref<128x128xf32, #tpu.memory_space<hbm>>) dst(%arg8 : memref<128x128xf32, #tpu.memory_space<vmem>>)
    %add3A_401 = arith.constant 2432 : i32
    %add3A_402 = arith.addi %mul3A_2, %add3A_401 : i32
    %dma_start3A_403 = arith.constant 0 : i32
    %dma_start3A_404 = tpu.memref_slice %arg6[%add3A_402, %dma_start3A_403] : memref<131072x128xf32, #tpu.memory_space<hbm>> -> memref<128x128xf32, #tpu.memory_space<hbm>>
    %dma_start3A_405 = arith.constant 0 : i32
    %dma_start3A_406 = tpu.memref_slice %arg6[%add3A_402, %dma_start3A_405] : memref<131072x128xf32, #tpu.memory_space<hbm>> -> memref<128x128xf32, #tpu.memory_space<hbm>>
    tpu.enqueue_dma source(%arg8 : memref<128x128xf32, #tpu.memory_space<vmem>>) target(%dma_start3A_406 : memref<128x128xf32, #tpu.memory_space<hbm>>) target_semaphore(%arg20 : memref<!tpu.dma_semaphore, #tpu.memory_space<semaphore_mem>>)
    %dma_wait3A_407 = arith.constant 0 : i32
    %dma_wait3A_408 = tpu.memref_slice %arg6[%add3A_362, %dma_wait3A_407] : memref<131072x128xf32, #tpu.memory_space<hbm>> -> memref<128x128xf32, #tpu.memory_space<hbm>>
    %dma_wait3A_409 = arith.constant 0 : i32
    %dma_wait3A_410 = tpu.memref_slice %arg6[%add3A_362, %dma_wait3A_409] : memref<131072x128xf32, #tpu.memory_space<hbm>> -> memref<128x128xf32, #tpu.memory_space<hbm>>
    tpu.wait_dma2 semaphore(%arg24 : memref<!tpu.dma_semaphore, #tpu.memory_space<semaphore_mem>>) src(%arg12 : memref<128x128xf32, #tpu.memory_space<vmem>>) dst(%dma_wait3A_410 : memref<128x128xf32, #tpu.memory_space<hbm>>)
    %add3A_411 = arith.constant 2944 : i32
    %add3A_412 = arith.addi %mul3A_2, %add3A_411 : i32
    %dma_start3A_413 = arith.constant 0 : i32
    %dma_start3A_414 = tpu.memref_slice %arg2[%add3A_412, %dma_start3A_413] : memref<131072x128xf32, #tpu.memory_space<hbm>> -> memref<128x128xf32, #tpu.memory_space<hbm>>
    %dma_start3A_415 = arith.constant 0 : i32
    %dma_start3A_416 = tpu.memref_slice %arg2[%add3A_412, %dma_start3A_415] : memref<131072x128xf32, #tpu.memory_space<hbm>> -> memref<128x128xf32, #tpu.memory_space<hbm>>
    tpu.enqueue_dma source(%dma_start3A_416 : memref<128x128xf32, #tpu.memory_space<hbm>>) target(%arg12 : memref<128x128xf32, #tpu.memory_space<vmem>>) target_semaphore(%arg18 : memref<!tpu.dma_semaphore, #tpu.memory_space<semaphore_mem>>)
    %dma_wait3A_417 = arith.constant 0 : i32
    %dma_wait3A_418 = tpu.memref_slice %arg2[%add3A_352, %dma_wait3A_417] : memref<131072x128xf32, #tpu.memory_space<hbm>> -> memref<128x128xf32, #tpu.memory_space<hbm>>
    %dma_wait3A_419 = arith.constant 0 : i32
    %dma_wait3A_420 = tpu.memref_slice %arg2[%add3A_352, %dma_wait3A_419] : memref<131072x128xf32, #tpu.memory_space<hbm>> -> memref<128x128xf32, #tpu.memory_space<hbm>>
    tpu.wait_dma2 semaphore(%arg15 : memref<!tpu.dma_semaphore, #tpu.memory_space<semaphore_mem>>) src(%dma_wait3A_420 : memref<128x128xf32, #tpu.memory_space<hbm>>) dst(%arg9 : memref<128x128xf32, #tpu.memory_space<vmem>>)
    %add3A_421 = arith.constant 2560 : i32
    %add3A_422 = arith.addi %mul3A_2, %add3A_421 : i32
    %dma_start3A_423 = arith.constant 0 : i32
    %dma_start3A_424 = tpu.memref_slice %arg6[%add3A_422, %dma_start3A_423] : memref<131072x128xf32, #tpu.memory_space<hbm>> -> memref<128x128xf32, #tpu.memory_space<hbm>>
    %dma_start3A_425 = arith.constant 0 : i32
    %dma_start3A_426 = tpu.memref_slice %arg6[%add3A_422, %dma_start3A_425] : memref<131072x128xf32, #tpu.memory_space<hbm>> -> memref<128x128xf32, #tpu.memory_space<hbm>>
    tpu.enqueue_dma source(%arg9 : memref<128x128xf32, #tpu.memory_space<vmem>>) target(%dma_start3A_426 : memref<128x128xf32, #tpu.memory_space<hbm>>) target_semaphore(%arg21 : memref<!tpu.dma_semaphore, #tpu.memory_space<semaphore_mem>>)
    %dma_wait3A_427 = arith.constant 0 : i32
    %dma_wait3A_428 = tpu.memref_slice %arg6[%add3A_382, %dma_wait3A_427] : memref<131072x128xf32, #tpu.memory_space<hbm>> -> memref<128x128xf32, #tpu.memory_space<hbm>>
    %dma_wait3A_429 = arith.constant 0 : i32
    %dma_wait3A_430 = tpu.memref_slice %arg6[%add3A_382, %dma_wait3A_429] : memref<131072x128xf32, #tpu.memory_space<hbm>> -> memref<128x128xf32, #tpu.memory_space<hbm>>
    tpu.wait_dma2 semaphore(%arg19 : memref<!tpu.dma_semaphore, #tpu.memory_space<semaphore_mem>>) src(%arg7 : memref<128x128xf32, #tpu.memory_space<vmem>>) dst(%dma_wait3A_430 : memref<128x128xf32, #tpu.memory_space<hbm>>)
    %add3A_431 = arith.constant 3072 : i32
    %add3A_432 = arith.addi %mul3A_2, %add3A_431 : i32
    %dma_start3A_433 = arith.constant 0 : i32
    %dma_start3A_434 = tpu.memref_slice %arg2[%add3A_432, %dma_start3A_433] : memref<131072x128xf32, #tpu.memory_space<hbm>> -> memref<128x128xf32, #tpu.memory_space<hbm>>
    %dma_start3A_435 = arith.constant 0 : i32
    %dma_start3A_436 = tpu.memref_slice %arg2[%add3A_432, %dma_start3A_435] : memref<131072x128xf32, #tpu.memory_space<hbm>> -> memref<128x128xf32, #tpu.memory_space<hbm>>
    tpu.enqueue_dma source(%dma_start3A_436 : memref<128x128xf32, #tpu.memory_space<hbm>>) target(%arg7 : memref<128x128xf32, #tpu.memory_space<vmem>>) target_semaphore(%arg13 : memref<!tpu.dma_semaphore, #tpu.memory_space<semaphore_mem>>)
    %dma_wait3A_437 = arith.constant 0 : i32
    %dma_wait3A_438 = tpu.memref_slice %arg2[%add3A_372, %dma_wait3A_437] : memref<131072x128xf32, #tpu.memory_space<hbm>> -> memref<128x128xf32, #tpu.memory_space<hbm>>
    %dma_wait3A_439 = arith.constant 0 : i32
    %dma_wait3A_440 = tpu.memref_slice %arg2[%add3A_372, %dma_wait3A_439] : memref<131072x128xf32, #tpu.memory_space<hbm>> -> memref<128x128xf32, #tpu.memory_space<hbm>>
    tpu.wait_dma2 semaphore(%arg16 : memref<!tpu.dma_semaphore, #tpu.memory_space<semaphore_mem>>) src(%dma_wait3A_440 : memref<128x128xf32, #tpu.memory_space<hbm>>) dst(%arg10 : memref<128x128xf32, #tpu.memory_space<vmem>>)
    %add3A_441 = arith.constant 2688 : i32
    %add3A_442 = arith.addi %mul3A_2, %add3A_441 : i32
    %dma_start3A_443 = arith.constant 0 : i32
    %dma_start3A_444 = tpu.memref_slice %arg6[%add3A_442, %dma_start3A_443] : memref<131072x128xf32, #tpu.memory_space<hbm>> -> memref<128x128xf32, #tpu.memory_space<hbm>>
    %dma_start3A_445 = arith.constant 0 : i32
    %dma_start3A_446 = tpu.memref_slice %arg6[%add3A_442, %dma_start3A_445] : memref<131072x128xf32, #tpu.memory_space<hbm>> -> memref<128x128xf32, #tpu.memory_space<hbm>>
    tpu.enqueue_dma source(%arg10 : memref<128x128xf32, #tpu.memory_space<vmem>>) target(%dma_start3A_446 : memref<128x128xf32, #tpu.memory_space<hbm>>) target_semaphore(%arg22 : memref<!tpu.dma_semaphore, #tpu.memory_space<semaphore_mem>>)
    %dma_wait3A_447 = arith.constant 0 : i32
    %dma_wait3A_448 = tpu.memref_slice %arg6[%add3A_402, %dma_wait3A_447] : memref<131072x128xf32, #tpu.memory_space<hbm>> -> memref<128x128xf32, #tpu.memory_space<hbm>>
    %dma_wait3A_449 = arith.constant 0 : i32
    %dma_wait3A_450 = tpu.memref_slice %arg6[%add3A_402, %dma_wait3A_449] : memref<131072x128xf32, #tpu.memory_space<hbm>> -> memref<128x128xf32, #tpu.memory_space<hbm>>
    tpu.wait_dma2 semaphore(%arg20 : memref<!tpu.dma_semaphore, #tpu.memory_space<semaphore_mem>>) src(%arg8 : memref<128x128xf32, #tpu.memory_space<vmem>>) dst(%dma_wait3A_450 : memref<128x128xf32, #tpu.memory_space<hbm>>)
    %add3A_451 = arith.constant 3200 : i32
    %add3A_452 = arith.addi %mul3A_2, %add3A_451 : i32
    %dma_start3A_453 = arith.constant 0 : i32
    %dma_start3A_454 = tpu.memref_slice %arg2[%add3A_452, %dma_start3A_453] : memref<131072x128xf32, #tpu.memory_space<hbm>> -> memref<128x128xf32, #tpu.memory_space<hbm>>
    %dma_start3A_455 = arith.constant 0 : i32
    %dma_start3A_456 = tpu.memref_slice %arg2[%add3A_452, %dma_start3A_455] : memref<131072x128xf32, #tpu.memory_space<hbm>> -> memref<128x128xf32, #tpu.memory_space<hbm>>
    tpu.enqueue_dma source(%dma_start3A_456 : memref<128x128xf32, #tpu.memory_space<hbm>>) target(%arg8 : memref<128x128xf32, #tpu.memory_space<vmem>>) target_semaphore(%arg14 : memref<!tpu.dma_semaphore, #tpu.memory_space<semaphore_mem>>)
    %dma_wait3A_457 = arith.constant 0 : i32
    %dma_wait3A_458 = tpu.memref_slice %arg2[%add3A_392, %dma_wait3A_457] : memref<131072x128xf32, #tpu.memory_space<hbm>> -> memref<128x128xf32, #tpu.memory_space<hbm>>
    %dma_wait3A_459 = arith.constant 0 : i32
    %dma_wait3A_460 = tpu.memref_slice %arg2[%add3A_392, %dma_wait3A_459] : memref<131072x128xf32, #tpu.memory_space<hbm>> -> memref<128x128xf32, #tpu.memory_space<hbm>>
    tpu.wait_dma2 semaphore(%arg17 : memref<!tpu.dma_semaphore, #tpu.memory_space<semaphore_mem>>) src(%dma_wait3A_460 : memref<128x128xf32, #tpu.memory_space<hbm>>) dst(%arg11 : memref<128x128xf32, #tpu.memory_space<vmem>>)
    %add3A_461 = arith.constant 2816 : i32
    %add3A_462 = arith.addi %mul3A_2, %add3A_461 : i32
    %dma_start3A_463 = arith.constant 0 : i32
    %dma_start3A_464 = tpu.memref_slice %arg6[%add3A_462, %dma_start3A_463] : memref<131072x128xf32, #tpu.memory_space<hbm>> -> memref<128x128xf32, #tpu.memory_space<hbm>>
    %dma_start3A_465 = arith.constant 0 : i32
    %dma_start3A_466 = tpu.memref_slice %arg6[%add3A_462, %dma_start3A_465] : memref<131072x128xf32, #tpu.memory_space<hbm>> -> memref<128x128xf32, #tpu.memory_space<hbm>>
    tpu.enqueue_dma source(%arg11 : memref<128x128xf32, #tpu.memory_space<vmem>>) target(%dma_start3A_466 : memref<128x128xf32, #tpu.memory_space<hbm>>) target_semaphore(%arg23 : memref<!tpu.dma_semaphore, #tpu.memory_space<semaphore_mem>>)
    %dma_wait3A_467 = arith.constant 0 : i32
    %dma_wait3A_468 = tpu.memref_slice %arg6[%add3A_422, %dma_wait3A_467] : memref<131072x128xf32, #tpu.memory_space<hbm>> -> memref<128x128xf32, #tpu.memory_space<hbm>>
    %dma_wait3A_469 = arith.constant 0 : i32
    %dma_wait3A_470 = tpu.memref_slice %arg6[%add3A_422, %dma_wait3A_469] : memref<131072x128xf32, #tpu.memory_space<hbm>> -> memref<128x128xf32, #tpu.memory_space<hbm>>
    tpu.wait_dma2 semaphore(%arg21 : memref<!tpu.dma_semaphore, #tpu.memory_space<semaphore_mem>>) src(%arg9 : memref<128x128xf32, #tpu.memory_space<vmem>>) dst(%dma_wait3A_470 : memref<128x128xf32, #tpu.memory_space<hbm>>)
    %add3A_471 = arith.constant 3328 : i32
    %add3A_472 = arith.addi %mul3A_2, %add3A_471 : i32
    %dma_start3A_473 = arith.constant 0 : i32
    %dma_start3A_474 = tpu.memref_slice %arg2[%add3A_472, %dma_start3A_473] : memref<131072x128xf32, #tpu.memory_space<hbm>> -> memref<128x128xf32, #tpu.memory_space<hbm>>
    %dma_start3A_475 = arith.constant 0 : i32
    %dma_start3A_476 = tpu.memref_slice %arg2[%add3A_472, %dma_start3A_475] : memref<131072x128xf32, #tpu.memory_space<hbm>> -> memref<128x128xf32, #tpu.memory_space<hbm>>
    tpu.enqueue_dma source(%dma_start3A_476 : memref<128x128xf32, #tpu.memory_space<hbm>>) target(%arg9 : memref<128x128xf32, #tpu.memory_space<vmem>>) target_semaphore(%arg15 : memref<!tpu.dma_semaphore, #tpu.memory_space<semaphore_mem>>)
    %dma_wait3A_477 = arith.constant 0 : i32
    %dma_wait3A_478 = tpu.memref_slice %arg2[%add3A_412, %dma_wait3A_477] : memref<131072x128xf32, #tpu.memory_space<hbm>> -> memref<128x128xf32, #tpu.memory_space<hbm>>
    %dma_wait3A_479 = arith.constant 0 : i32
    %dma_wait3A_480 = tpu.memref_slice %arg2[%add3A_412, %dma_wait3A_479] : memref<131072x128xf32, #tpu.memory_space<hbm>> -> memref<128x128xf32, #tpu.memory_space<hbm>>
    tpu.wait_dma2 semaphore(%arg18 : memref<!tpu.dma_semaphore, #tpu.memory_space<semaphore_mem>>) src(%dma_wait3A_480 : memref<128x128xf32, #tpu.memory_space<hbm>>) dst(%arg12 : memref<128x128xf32, #tpu.memory_space<vmem>>)
    %add3A_481 = arith.constant 2944 : i32
    %add3A_482 = arith.addi %mul3A_2, %add3A_481 : i32
    %dma_start3A_483 = arith.constant 0 : i32
    %dma_start3A_484 = tpu.memref_slice %arg6[%add3A_482, %dma_start3A_483] : memref<131072x128xf32, #tpu.memory_space<hbm>> -> memref<128x128xf32, #tpu.memory_space<hbm>>
    %dma_start3A_485 = arith.constant 0 : i32
    %dma_start3A_486 = tpu.memref_slice %arg6[%add3A_482, %dma_start3A_485] : memref<131072x128xf32, #tpu.memory_space<hbm>> -> memref<128x128xf32, #tpu.memory_space<hbm>>
    tpu.enqueue_dma source(%arg12 : memref<128x128xf32, #tpu.memory_space<vmem>>) target(%dma_start3A_486 : memref<128x128xf32, #tpu.memory_space<hbm>>) target_semaphore(%arg24 : memref<!tpu.dma_semaphore, #tpu.memory_space<semaphore_mem>>)
    %dma_wait3A_487 = arith.constant 0 : i32
    %dma_wait3A_488 = tpu.memref_slice %arg6[%add3A_442, %dma_wait3A_487] : memref<131072x128xf32, #tpu.memory_space<hbm>> -> memref<128x128xf32, #tpu.memory_space<hbm>>
    %dma_wait3A_489 = arith.constant 0 : i32
    %dma_wait3A_490 = tpu.memref_slice %arg6[%add3A_442, %dma_wait3A_489] : memref<131072x128xf32, #tpu.memory_space<hbm>> -> memref<128x128xf32, #tpu.memory_space<hbm>>
    tpu.wait_dma2 semaphore(%arg22 : memref<!tpu.dma_semaphore, #tpu.memory_space<semaphore_mem>>) src(%arg10 : memref<128x128xf32, #tpu.memory_space<vmem>>) dst(%dma_wait3A_490 : memref<128x128xf32, #tpu.memory_space<hbm>>)
    %add3A_491 = arith.constant 3456 : i32
    %add3A_492 = arith.addi %mul3A_2, %add3A_491 : i32
    %dma_start3A_493 = arith.constant 0 : i32
    %dma_start3A_494 = tpu.memref_slice %arg2[%add3A_492, %dma_start3A_493] : memref<131072x128xf32, #tpu.memory_space<hbm>> -> memref<128x128xf32, #tpu.memory_space<hbm>>
    %dma_start3A_495 = arith.constant 0 : i32
    %dma_start3A_496 = tpu.memref_slice %arg2[%add3A_492, %dma_start3A_495] : memref<131072x128xf32, #tpu.memory_space<hbm>> -> memref<128x128xf32, #tpu.memory_space<hbm>>
    tpu.enqueue_dma source(%dma_start3A_496 : memref<128x128xf32, #tpu.memory_space<hbm>>) target(%arg10 : memref<128x128xf32, #tpu.memory_space<vmem>>) target_semaphore(%arg16 : memref<!tpu.dma_semaphore, #tpu.memory_space<semaphore_mem>>)
    %dma_wait3A_497 = arith.constant 0 : i32
    %dma_wait3A_498 = tpu.memref_slice %arg2[%add3A_432, %dma_wait3A_497] : memref<131072x128xf32, #tpu.memory_space<hbm>> -> memref<128x128xf32, #tpu.memory_space<hbm>>
    %dma_wait3A_499 = arith.constant 0 : i32
    %dma_wait3A_500 = tpu.memref_slice %arg2[%add3A_432, %dma_wait3A_499] : memref<131072x128xf32, #tpu.memory_space<hbm>> -> memref<128x128xf32, #tpu.memory_space<hbm>>
    tpu.wait_dma2 semaphore(%arg13 : memref<!tpu.dma_semaphore, #tpu.memory_space<semaphore_mem>>) src(%dma_wait3A_500 : memref<128x128xf32, #tpu.memory_space<hbm>>) dst(%arg7 : memref<128x128xf32, #tpu.memory_space<vmem>>)
    %add3A_501 = arith.constant 3072 : i32
    %add3A_502 = arith.addi %mul3A_2, %add3A_501 : i32
    %dma_start3A_503 = arith.constant 0 : i32
    %dma_start3A_504 = tpu.memref_slice %arg6[%add3A_502, %dma_start3A_503] : memref<131072x128xf32, #tpu.memory_space<hbm>> -> memref<128x128xf32, #tpu.memory_space<hbm>>
    %dma_start3A_505 = arith.constant 0 : i32
    %dma_start3A_506 = tpu.memref_slice %arg6[%add3A_502, %dma_start3A_505] : memref<131072x128xf32, #tpu.memory_space<hbm>> -> memref<128x128xf32, #tpu.memory_space<hbm>>
    tpu.enqueue_dma source(%arg7 : memref<128x128xf32, #tpu.memory_space<vmem>>) target(%dma_start3A_506 : memref<128x128xf32, #tpu.memory_space<hbm>>) target_semaphore(%arg19 : memref<!tpu.dma_semaphore, #tpu.memory_space<semaphore_mem>>)
    %dma_wait3A_507 = arith.constant 0 : i32
    %dma_wait3A_508 = tpu.memref_slice %arg6[%add3A_462, %dma_wait3A_507] : memref<131072x128xf32, #tpu.memory_space<hbm>> -> memref<128x128xf32, #tpu.memory_space<hbm>>
    %dma_wait3A_509 = arith.constant 0 : i32
    %dma_wait3A_510 = tpu.memref_slice %arg6[%add3A_462, %dma_wait3A_509] : memref<131072x128xf32, #tpu.memory_space<hbm>> -> memref<128x128xf32, #tpu.memory_space<hbm>>
    tpu.wait_dma2 semaphore(%arg23 : memref<!tpu.dma_semaphore, #tpu.memory_space<semaphore_mem>>) src(%arg11 : memref<128x128xf32, #tpu.memory_space<vmem>>) dst(%dma_wait3A_510 : memref<128x128xf32, #tpu.memory_space<hbm>>)
    %add3A_511 = arith.constant 3584 : i32
    %add3A_512 = arith.addi %mul3A_2, %add3A_511 : i32
    %dma_start3A_513 = arith.constant 0 : i32
    %dma_start3A_514 = tpu.memref_slice %arg2[%add3A_512, %dma_start3A_513] : memref<131072x128xf32, #tpu.memory_space<hbm>> -> memref<128x128xf32, #tpu.memory_space<hbm>>
    %dma_start3A_515 = arith.constant 0 : i32
    %dma_start3A_516 = tpu.memref_slice %arg2[%add3A_512, %dma_start3A_515] : memref<131072x128xf32, #tpu.memory_space<hbm>> -> memref<128x128xf32, #tpu.memory_space<hbm>>
    tpu.enqueue_dma source(%dma_start3A_516 : memref<128x128xf32, #tpu.memory_space<hbm>>) target(%arg11 : memref<128x128xf32, #tpu.memory_space<vmem>>) target_semaphore(%arg17 : memref<!tpu.dma_semaphore, #tpu.memory_space<semaphore_mem>>)
    %dma_wait3A_517 = arith.constant 0 : i32
    %dma_wait3A_518 = tpu.memref_slice %arg2[%add3A_452, %dma_wait3A_517] : memref<131072x128xf32, #tpu.memory_space<hbm>> -> memref<128x128xf32, #tpu.memory_space<hbm>>
    %dma_wait3A_519 = arith.constant 0 : i32
    %dma_wait3A_520 = tpu.memref_slice %arg2[%add3A_452, %dma_wait3A_519] : memref<131072x128xf32, #tpu.memory_space<hbm>> -> memref<128x128xf32, #tpu.memory_space<hbm>>
    tpu.wait_dma2 semaphore(%arg14 : memref<!tpu.dma_semaphore, #tpu.memory_space<semaphore_mem>>) src(%dma_wait3A_520 : memref<128x128xf32, #tpu.memory_space<hbm>>) dst(%arg8 : memref<128x128xf32, #tpu.memory_space<vmem>>)
    %add3A_521 = arith.constant 3200 : i32
    %add3A_522 = arith.addi %mul3A_2, %add3A_521 : i32
    %dma_start3A_523 = arith.constant 0 : i32
    %dma_start3A_524 = tpu.memref_slice %arg6[%add3A_522, %dma_start3A_523] : memref<131072x128xf32, #tpu.memory_space<hbm>> -> memref<128x128xf32, #tpu.memory_space<hbm>>
    %dma_start3A_525 = arith.constant 0 : i32
    %dma_start3A_526 = tpu.memref_slice %arg6[%add3A_522, %dma_start3A_525] : memref<131072x128xf32, #tpu.memory_space<hbm>> -> memref<128x128xf32, #tpu.memory_space<hbm>>
    tpu.enqueue_dma source(%arg8 : memref<128x128xf32, #tpu.memory_space<vmem>>) target(%dma_start3A_526 : memref<128x128xf32, #tpu.memory_space<hbm>>) target_semaphore(%arg20 : memref<!tpu.dma_semaphore, #tpu.memory_space<semaphore_mem>>)
    %dma_wait3A_527 = arith.constant 0 : i32
    %dma_wait3A_528 = tpu.memref_slice %arg6[%add3A_482, %dma_wait3A_527] : memref<131072x128xf32, #tpu.memory_space<hbm>> -> memref<128x128xf32, #tpu.memory_space<hbm>>
    %dma_wait3A_529 = arith.constant 0 : i32
    %dma_wait3A_530 = tpu.memref_slice %arg6[%add3A_482, %dma_wait3A_529] : memref<131072x128xf32, #tpu.memory_space<hbm>> -> memref<128x128xf32, #tpu.memory_space<hbm>>
    tpu.wait_dma2 semaphore(%arg24 : memref<!tpu.dma_semaphore, #tpu.memory_space<semaphore_mem>>) src(%arg12 : memref<128x128xf32, #tpu.memory_space<vmem>>) dst(%dma_wait3A_530 : memref<128x128xf32, #tpu.memory_space<hbm>>)
    %add3A_531 = arith.constant 3712 : i32
    %add3A_532 = arith.addi %mul3A_2, %add3A_531 : i32
    %dma_start3A_533 = arith.constant 0 : i32
    %dma_start3A_534 = tpu.memref_slice %arg2[%add3A_532, %dma_start3A_533] : memref<131072x128xf32, #tpu.memory_space<hbm>> -> memref<128x128xf32, #tpu.memory_space<hbm>>
    %dma_start3A_535 = arith.constant 0 : i32
    %dma_start3A_536 = tpu.memref_slice %arg2[%add3A_532, %dma_start3A_535] : memref<131072x128xf32, #tpu.memory_space<hbm>> -> memref<128x128xf32, #tpu.memory_space<hbm>>
    tpu.enqueue_dma source(%dma_start3A_536 : memref<128x128xf32, #tpu.memory_space<hbm>>) target(%arg12 : memref<128x128xf32, #tpu.memory_space<vmem>>) target_semaphore(%arg18 : memref<!tpu.dma_semaphore, #tpu.memory_space<semaphore_mem>>)
    %dma_wait3A_537 = arith.constant 0 : i32
    %dma_wait3A_538 = tpu.memref_slice %arg2[%add3A_472, %dma_wait3A_537] : memref<131072x128xf32, #tpu.memory_space<hbm>> -> memref<128x128xf32, #tpu.memory_space<hbm>>
    %dma_wait3A_539 = arith.constant 0 : i32
    %dma_wait3A_540 = tpu.memref_slice %arg2[%add3A_472, %dma_wait3A_539] : memref<131072x128xf32, #tpu.memory_space<hbm>> -> memref<128x128xf32, #tpu.memory_space<hbm>>
    tpu.wait_dma2 semaphore(%arg15 : memref<!tpu.dma_semaphore, #tpu.memory_space<semaphore_mem>>) src(%dma_wait3A_540 : memref<128x128xf32, #tpu.memory_space<hbm>>) dst(%arg9 : memref<128x128xf32, #tpu.memory_space<vmem>>)
    %add3A_541 = arith.constant 3328 : i32
    %add3A_542 = arith.addi %mul3A_2, %add3A_541 : i32
    %dma_start3A_543 = arith.constant 0 : i32
    %dma_start3A_544 = tpu.memref_slice %arg6[%add3A_542, %dma_start3A_543] : memref<131072x128xf32, #tpu.memory_space<hbm>> -> memref<128x128xf32, #tpu.memory_space<hbm>>
    %dma_start3A_545 = arith.constant 0 : i32
    %dma_start3A_546 = tpu.memref_slice %arg6[%add3A_542, %dma_start3A_545] : memref<131072x128xf32, #tpu.memory_space<hbm>> -> memref<128x128xf32, #tpu.memory_space<hbm>>
    tpu.enqueue_dma source(%arg9 : memref<128x128xf32, #tpu.memory_space<vmem>>) target(%dma_start3A_546 : memref<128x128xf32, #tpu.memory_space<hbm>>) target_semaphore(%arg21 : memref<!tpu.dma_semaphore, #tpu.memory_space<semaphore_mem>>)
    %dma_wait3A_547 = arith.constant 0 : i32
    %dma_wait3A_548 = tpu.memref_slice %arg6[%add3A_502, %dma_wait3A_547] : memref<131072x128xf32, #tpu.memory_space<hbm>> -> memref<128x128xf32, #tpu.memory_space<hbm>>
    %dma_wait3A_549 = arith.constant 0 : i32
    %dma_wait3A_550 = tpu.memref_slice %arg6[%add3A_502, %dma_wait3A_549] : memref<131072x128xf32, #tpu.memory_space<hbm>> -> memref<128x128xf32, #tpu.memory_space<hbm>>
    tpu.wait_dma2 semaphore(%arg19 : memref<!tpu.dma_semaphore, #tpu.memory_space<semaphore_mem>>) src(%arg7 : memref<128x128xf32, #tpu.memory_space<vmem>>) dst(%dma_wait3A_550 : memref<128x128xf32, #tpu.memory_space<hbm>>)
    %add3A_551 = arith.constant 3840 : i32
    %add3A_552 = arith.addi %mul3A_2, %add3A_551 : i32
    %dma_start3A_553 = arith.constant 0 : i32
    %dma_start3A_554 = tpu.memref_slice %arg2[%add3A_552, %dma_start3A_553] : memref<131072x128xf32, #tpu.memory_space<hbm>> -> memref<128x128xf32, #tpu.memory_space<hbm>>
    %dma_start3A_555 = arith.constant 0 : i32
    %dma_start3A_556 = tpu.memref_slice %arg2[%add3A_552, %dma_start3A_555] : memref<131072x128xf32, #tpu.memory_space<hbm>> -> memref<128x128xf32, #tpu.memory_space<hbm>>
    tpu.enqueue_dma source(%dma_start3A_556 : memref<128x128xf32, #tpu.memory_space<hbm>>) target(%arg7 : memref<128x128xf32, #tpu.memory_space<vmem>>) target_semaphore(%arg13 : memref<!tpu.dma_semaphore, #tpu.memory_space<semaphore_mem>>)
    %dma_wait3A_557 = arith.constant 0 : i32
    %dma_wait3A_558 = tpu.memref_slice %arg2[%add3A_492, %dma_wait3A_557] : memref<131072x128xf32, #tpu.memory_space<hbm>> -> memref<128x128xf32, #tpu.memory_space<hbm>>
    %dma_wait3A_559 = arith.constant 0 : i32
    %dma_wait3A_560 = tpu.memref_slice %arg2[%add3A_492, %dma_wait3A_559] : memref<131072x128xf32, #tpu.memory_space<hbm>> -> memref<128x128xf32, #tpu.memory_space<hbm>>
    tpu.wait_dma2 semaphore(%arg16 : memref<!tpu.dma_semaphore, #tpu.memory_space<semaphore_mem>>) src(%dma_wait3A_560 : memref<128x128xf32, #tpu.memory_space<hbm>>) dst(%arg10 : memref<128x128xf32, #tpu.memory_space<vmem>>)
    %add3A_561 = arith.constant 3456 : i32
    %add3A_562 = arith.addi %mul3A_2, %add3A_561 : i32
    %dma_start3A_563 = arith.constant 0 : i32
    %dma_start3A_564 = tpu.memref_slice %arg6[%add3A_562, %dma_start3A_563] : memref<131072x128xf32, #tpu.memory_space<hbm>> -> memref<128x128xf32, #tpu.memory_space<hbm>>
    %dma_start3A_565 = arith.constant 0 : i32
    %dma_start3A_566 = tpu.memref_slice %arg6[%add3A_562, %dma_start3A_565] : memref<131072x128xf32, #tpu.memory_space<hbm>> -> memref<128x128xf32, #tpu.memory_space<hbm>>
    tpu.enqueue_dma source(%arg10 : memref<128x128xf32, #tpu.memory_space<vmem>>) target(%dma_start3A_566 : memref<128x128xf32, #tpu.memory_space<hbm>>) target_semaphore(%arg22 : memref<!tpu.dma_semaphore, #tpu.memory_space<semaphore_mem>>)
    %dma_wait3A_567 = arith.constant 0 : i32
    %dma_wait3A_568 = tpu.memref_slice %arg6[%add3A_522, %dma_wait3A_567] : memref<131072x128xf32, #tpu.memory_space<hbm>> -> memref<128x128xf32, #tpu.memory_space<hbm>>
    %dma_wait3A_569 = arith.constant 0 : i32
    %dma_wait3A_570 = tpu.memref_slice %arg6[%add3A_522, %dma_wait3A_569] : memref<131072x128xf32, #tpu.memory_space<hbm>> -> memref<128x128xf32, #tpu.memory_space<hbm>>
    tpu.wait_dma2 semaphore(%arg20 : memref<!tpu.dma_semaphore, #tpu.memory_space<semaphore_mem>>) src(%arg8 : memref<128x128xf32, #tpu.memory_space<vmem>>) dst(%dma_wait3A_570 : memref<128x128xf32, #tpu.memory_space<hbm>>)
    %add3A_571 = arith.constant 3968 : i32
    %add3A_572 = arith.addi %mul3A_2, %add3A_571 : i32
    %dma_start3A_573 = arith.constant 0 : i32
    %dma_start3A_574 = tpu.memref_slice %arg2[%add3A_572, %dma_start3A_573] : memref<131072x128xf32, #tpu.memory_space<hbm>> -> memref<128x128xf32, #tpu.memory_space<hbm>>
    %dma_start3A_575 = arith.constant 0 : i32
    %dma_start3A_576 = tpu.memref_slice %arg2[%add3A_572, %dma_start3A_575] : memref<131072x128xf32, #tpu.memory_space<hbm>> -> memref<128x128xf32, #tpu.memory_space<hbm>>
    tpu.enqueue_dma source(%dma_start3A_576 : memref<128x128xf32, #tpu.memory_space<hbm>>) target(%arg8 : memref<128x128xf32, #tpu.memory_space<vmem>>) target_semaphore(%arg14 : memref<!tpu.dma_semaphore, #tpu.memory_space<semaphore_mem>>)
    %dma_wait3A_577 = arith.constant 0 : i32
    %dma_wait3A_578 = tpu.memref_slice %arg2[%add3A_512, %dma_wait3A_577] : memref<131072x128xf32, #tpu.memory_space<hbm>> -> memref<128x128xf32, #tpu.memory_space<hbm>>
    %dma_wait3A_579 = arith.constant 0 : i32
    %dma_wait3A_580 = tpu.memref_slice %arg2[%add3A_512, %dma_wait3A_579] : memref<131072x128xf32, #tpu.memory_space<hbm>> -> memref<128x128xf32, #tpu.memory_space<hbm>>
    tpu.wait_dma2 semaphore(%arg17 : memref<!tpu.dma_semaphore, #tpu.memory_space<semaphore_mem>>) src(%dma_wait3A_580 : memref<128x128xf32, #tpu.memory_space<hbm>>) dst(%arg11 : memref<128x128xf32, #tpu.memory_space<vmem>>)
    %add3A_581 = arith.constant 3584 : i32
    %add3A_582 = arith.addi %mul3A_2, %add3A_581 : i32
    %dma_start3A_583 = arith.constant 0 : i32
    %dma_start3A_584 = tpu.memref_slice %arg6[%add3A_582, %dma_start3A_583] : memref<131072x128xf32, #tpu.memory_space<hbm>> -> memref<128x128xf32, #tpu.memory_space<hbm>>
    %dma_start3A_585 = arith.constant 0 : i32
    %dma_start3A_586 = tpu.memref_slice %arg6[%add3A_582, %dma_start3A_585] : memref<131072x128xf32, #tpu.memory_space<hbm>> -> memref<128x128xf32, #tpu.memory_space<hbm>>
    tpu.enqueue_dma source(%arg11 : memref<128x128xf32, #tpu.memory_space<vmem>>) target(%dma_start3A_586 : memref<128x128xf32, #tpu.memory_space<hbm>>) target_semaphore(%arg23 : memref<!tpu.dma_semaphore, #tpu.memory_space<semaphore_mem>>)
    %dma_wait3A_587 = arith.constant 0 : i32
    %dma_wait3A_588 = tpu.memref_slice %arg2[%add3A_532, %dma_wait3A_587] : memref<131072x128xf32, #tpu.memory_space<hbm>> -> memref<128x128xf32, #tpu.memory_space<hbm>>
    %dma_wait3A_589 = arith.constant 0 : i32
    %dma_wait3A_590 = tpu.memref_slice %arg2[%add3A_532, %dma_wait3A_589] : memref<131072x128xf32, #tpu.memory_space<hbm>> -> memref<128x128xf32, #tpu.memory_space<hbm>>
    tpu.wait_dma2 semaphore(%arg18 : memref<!tpu.dma_semaphore, #tpu.memory_space<semaphore_mem>>) src(%dma_wait3A_590 : memref<128x128xf32, #tpu.memory_space<hbm>>) dst(%arg12 : memref<128x128xf32, #tpu.memory_space<vmem>>)
    %add3A_591 = arith.constant 3712 : i32
    %add3A_592 = arith.addi %mul3A_2, %add3A_591 : i32
    %dma_start3A_593 = arith.constant 0 : i32
    %dma_start3A_594 = tpu.memref_slice %arg6[%add3A_592, %dma_start3A_593] : memref<131072x128xf32, #tpu.memory_space<hbm>> -> memref<128x128xf32, #tpu.memory_space<hbm>>
    %dma_start3A_595 = arith.constant 0 : i32
    %dma_start3A_596 = tpu.memref_slice %arg6[%add3A_592, %dma_start3A_595] : memref<131072x128xf32, #tpu.memory_space<hbm>> -> memref<128x128xf32, #tpu.memory_space<hbm>>
    tpu.enqueue_dma source(%arg12 : memref<128x128xf32, #tpu.memory_space<vmem>>) target(%dma_start3A_596 : memref<128x128xf32, #tpu.memory_space<hbm>>) target_semaphore(%arg24 : memref<!tpu.dma_semaphore, #tpu.memory_space<semaphore_mem>>)
    %dma_wait3A_597 = arith.constant 0 : i32
    %dma_wait3A_598 = tpu.memref_slice %arg2[%add3A_552, %dma_wait3A_597] : memref<131072x128xf32, #tpu.memory_space<hbm>> -> memref<128x128xf32, #tpu.memory_space<hbm>>
    %dma_wait3A_599 = arith.constant 0 : i32
    %dma_wait3A_600 = tpu.memref_slice %arg2[%add3A_552, %dma_wait3A_599] : memref<131072x128xf32, #tpu.memory_space<hbm>> -> memref<128x128xf32, #tpu.memory_space<hbm>>
    tpu.wait_dma2 semaphore(%arg13 : memref<!tpu.dma_semaphore, #tpu.memory_space<semaphore_mem>>) src(%dma_wait3A_600 : memref<128x128xf32, #tpu.memory_space<hbm>>) dst(%arg7 : memref<128x128xf32, #tpu.memory_space<vmem>>)
    %add3A_601 = arith.constant 3840 : i32
    %add3A_602 = arith.addi %mul3A_2, %add3A_601 : i32
    %dma_start3A_603 = arith.constant 0 : i32
    %dma_start3A_604 = tpu.memref_slice %arg6[%add3A_602, %dma_start3A_603] : memref<131072x128xf32, #tpu.memory_space<hbm>> -> memref<128x128xf32, #tpu.memory_space<hbm>>
    %dma_start3A_605 = arith.constant 0 : i32
    %dma_start3A_606 = tpu.memref_slice %arg6[%add3A_602, %dma_start3A_605] : memref<131072x128xf32, #tpu.memory_space<hbm>> -> memref<128x128xf32, #tpu.memory_space<hbm>>
    tpu.enqueue_dma source(%arg7 : memref<128x128xf32, #tpu.memory_space<vmem>>) target(%dma_start3A_606 : memref<128x128xf32, #tpu.memory_space<hbm>>) target_semaphore(%arg19 : memref<!tpu.dma_semaphore, #tpu.memory_space<semaphore_mem>>)
    %dma_wait3A_607 = arith.constant 0 : i32
    %dma_wait3A_608 = tpu.memref_slice %arg2[%add3A_572, %dma_wait3A_607] : memref<131072x128xf32, #tpu.memory_space<hbm>> -> memref<128x128xf32, #tpu.memory_space<hbm>>
    %dma_wait3A_609 = arith.constant 0 : i32
    %dma_wait3A_610 = tpu.memref_slice %arg2[%add3A_572, %dma_wait3A_609] : memref<131072x128xf32, #tpu.memory_space<hbm>> -> memref<128x128xf32, #tpu.memory_space<hbm>>
    tpu.wait_dma2 semaphore(%arg14 : memref<!tpu.dma_semaphore, #tpu.memory_space<semaphore_mem>>) src(%dma_wait3A_610 : memref<128x128xf32, #tpu.memory_space<hbm>>) dst(%arg8 : memref<128x128xf32, #tpu.memory_space<vmem>>)
    %add3A_611 = arith.constant 3968 : i32
    %add3A_612 = arith.addi %mul3A_2, %add3A_611 : i32
    %dma_start3A_613 = arith.constant 0 : i32
    %dma_start3A_614 = tpu.memref_slice %arg6[%add3A_612, %dma_start3A_613] : memref<131072x128xf32, #tpu.memory_space<hbm>> -> memref<128x128xf32, #tpu.memory_space<hbm>>
    %dma_start3A_615 = arith.constant 0 : i32
    %dma_start3A_616 = tpu.memref_slice %arg6[%add3A_612, %dma_start3A_615] : memref<131072x128xf32, #tpu.memory_space<hbm>> -> memref<128x128xf32, #tpu.memory_space<hbm>>
    tpu.enqueue_dma source(%arg8 : memref<128x128xf32, #tpu.memory_space<vmem>>) target(%dma_start3A_616 : memref<128x128xf32, #tpu.memory_space<hbm>>) target_semaphore(%arg20 : memref<!tpu.dma_semaphore, #tpu.memory_space<semaphore_mem>>)
    %dma_wait3A_617 = arith.constant 0 : i32
    %dma_wait3A_618 = tpu.memref_slice %arg6[%add3A_542, %dma_wait3A_617] : memref<131072x128xf32, #tpu.memory_space<hbm>> -> memref<128x128xf32, #tpu.memory_space<hbm>>
    %dma_wait3A_619 = arith.constant 0 : i32
    %dma_wait3A_620 = tpu.memref_slice %arg6[%add3A_542, %dma_wait3A_619] : memref<131072x128xf32, #tpu.memory_space<hbm>> -> memref<128x128xf32, #tpu.memory_space<hbm>>
    tpu.wait_dma2 semaphore(%arg21 : memref<!tpu.dma_semaphore, #tpu.memory_space<semaphore_mem>>) src(%arg9 : memref<128x128xf32, #tpu.memory_space<vmem>>) dst(%dma_wait3A_620 : memref<128x128xf32, #tpu.memory_space<hbm>>)
    %dma_wait3A_621 = arith.constant 0 : i32
    %dma_wait3A_622 = tpu.memref_slice %arg6[%add3A_562, %dma_wait3A_621] : memref<131072x128xf32, #tpu.memory_space<hbm>> -> memref<128x128xf32, #tpu.memory_space<hbm>>
    %dma_wait3A_623 = arith.constant 0 : i32
    %dma_wait3A_624 = tpu.memref_slice %arg6[%add3A_562, %dma_wait3A_623] : memref<131072x128xf32, #tpu.memory_space<hbm>> -> memref<128x128xf32, #tpu.memory_space<hbm>>
    tpu.wait_dma2 semaphore(%arg22 : memref<!tpu.dma_semaphore, #tpu.memory_space<semaphore_mem>>) src(%arg10 : memref<128x128xf32, #tpu.memory_space<vmem>>) dst(%dma_wait3A_624 : memref<128x128xf32, #tpu.memory_space<hbm>>)
    %dma_wait3A_625 = arith.constant 0 : i32
    %dma_wait3A_626 = tpu.memref_slice %arg6[%add3A_582, %dma_wait3A_625] : memref<131072x128xf32, #tpu.memory_space<hbm>> -> memref<128x128xf32, #tpu.memory_space<hbm>>
    %dma_wait3A_627 = arith.constant 0 : i32
    %dma_wait3A_628 = tpu.memref_slice %arg6[%add3A_582, %dma_wait3A_627] : memref<131072x128xf32, #tpu.memory_space<hbm>> -> memref<128x128xf32, #tpu.memory_space<hbm>>
    tpu.wait_dma2 semaphore(%arg23 : memref<!tpu.dma_semaphore, #tpu.memory_space<semaphore_mem>>) src(%arg11 : memref<128x128xf32, #tpu.memory_space<vmem>>) dst(%dma_wait3A_628 : memref<128x128xf32, #tpu.memory_space<hbm>>)
    %dma_wait3A_629 = arith.constant 0 : i32
    %dma_wait3A_630 = tpu.memref_slice %arg6[%add3A_592, %dma_wait3A_629] : memref<131072x128xf32, #tpu.memory_space<hbm>> -> memref<128x128xf32, #tpu.memory_space<hbm>>
    %dma_wait3A_631 = arith.constant 0 : i32
    %dma_wait3A_632 = tpu.memref_slice %arg6[%add3A_592, %dma_wait3A_631] : memref<131072x128xf32, #tpu.memory_space<hbm>> -> memref<128x128xf32, #tpu.memory_space<hbm>>
    tpu.wait_dma2 semaphore(%arg24 : memref<!tpu.dma_semaphore, #tpu.memory_space<semaphore_mem>>) src(%arg12 : memref<128x128xf32, #tpu.memory_space<vmem>>) dst(%dma_wait3A_632 : memref<128x128xf32, #tpu.memory_space<hbm>>)
    %dma_wait3A_633 = arith.constant 0 : i32
    %dma_wait3A_634 = tpu.memref_slice %arg6[%add3A_602, %dma_wait3A_633] : memref<131072x128xf32, #tpu.memory_space<hbm>> -> memref<128x128xf32, #tpu.memory_space<hbm>>
    %dma_wait3A_635 = arith.constant 0 : i32
    %dma_wait3A_636 = tpu.memref_slice %arg6[%add3A_602, %dma_wait3A_635] : memref<131072x128xf32, #tpu.memory_space<hbm>> -> memref<128x128xf32, #tpu.memory_space<hbm>>
    tpu.wait_dma2 semaphore(%arg19 : memref<!tpu.dma_semaphore, #tpu.memory_space<semaphore_mem>>) src(%arg7 : memref<128x128xf32, #tpu.memory_space<vmem>>) dst(%dma_wait3A_636 : memref<128x128xf32, #tpu.memory_space<hbm>>)
    %dma_wait3A_637 = arith.constant 0 : i32
    %dma_wait3A_638 = tpu.memref_slice %arg6[%add3A_612, %dma_wait3A_637] : memref<131072x128xf32, #tpu.memory_space<hbm>> -> memref<128x128xf32, #tpu.memory_space<hbm>>
    %dma_wait3A_639 = arith.constant 0 : i32
    %dma_wait3A_640 = tpu.memref_slice %arg6[%add3A_612, %dma_wait3A_639] : memref<131072x128xf32, #tpu.memory_space<hbm>> -> memref<128x128xf32, #tpu.memory_space<hbm>>
    tpu.wait_dma2 semaphore(%arg20 : memref<!tpu.dma_semaphore, #tpu.memory_space<semaphore_mem>>) src(%arg8 : memref<128x128xf32, #tpu.memory_space<vmem>>) dst(%dma_wait3A_640 : memref<128x128xf32, #tpu.memory_space<hbm>>)
    %jit3A = arith.constant 4 : i32
    %div3A = arith.divsi %add3A, %jit3A : i32
    %sign3A = arith.constant 0 : i32
    %sign3A_641 = arith.cmpi sgt, %add3A, %sign3A : i32
    %sign3A_642 = arith.extui %sign3A_641 : i1 to i32
    %sign3A_643 = arith.constant 0 : i32
    %sign3A_644 = arith.cmpi slt, %add3A, %sign3A_643 : i32
    %sign3A_645 = arith.extui %sign3A_644 : i1 to i32
    %sign3A_646 = arith.subi %sign3A_642, %sign3A_645 : i32
    %sign3A_647 = arith.constant 0 : i32
    %sign3A_648 = arith.cmpi sgt, %jit3A, %sign3A_647 : i32
    %sign3A_649 = arith.extui %sign3A_648 : i1 to i32
    %sign3A_650 = arith.constant 0 : i32
    %sign3A_651 = arith.cmpi slt, %jit3A, %sign3A_650 : i32
    %sign3A_652 = arith.extui %sign3A_651 : i1 to i32
    %sign3A_653 = arith.subi %sign3A_649, %sign3A_652 : i32
    %ne3A = arith.cmpi ne, %sign3A_646, %sign3A_653 : i32
    %rem3A = arith.remsi %add3A, %jit3A : i32
    %ne3A_654 = arith.constant 0 : i32
    %ne3A_655 = arith.cmpi ne, %rem3A, %ne3A_654 : i32
    %and3A = arith.andi %ne3A, %ne3A_655 : i1
    %sub3A = arith.constant 1 : i32
    %sub3A_656 = arith.subi %div3A, %sub3A : i32
    %select_n3A = arith.select %and3A, %sub3A_656, %div3A : i32
    %jit3A_657 = arith.constant 4 : i32
    %eq3A = arith.constant 0 : i32
    %eq3A_658 = arith.cmpi eq, %jit3A_657, %eq3A : i32
    %jit3A_659 = arith.constant 1 : i32
    %select_n3A_660 = arith.select %eq3A_658, %jit3A_659, %jit3A_657 : i32
    %rem3A_661 = arith.remsi %add3A, %select_n3A_660 : i32
    %ne3A_662 = arith.constant 0 : i32
    %ne3A_663 = arith.cmpi ne, %rem3A_661, %ne3A_662 : i32
    %lt3A = arith.constant 0 : i32
    %lt3A_664 = arith.cmpi slt, %rem3A_661, %lt3A : i32
    %lt3A_665 = arith.constant 0 : i32
    %lt3A_666 = arith.cmpi slt, %select_n3A_660, %lt3A_665 : i32
    %ne3A_667 = arith.xori %lt3A_664, %lt3A_666 : i1
    %and3A_668 = arith.andi %ne3A_667, %ne3A_663 : i1
    %add3A_669 = arith.addi %rem3A_661, %select_n3A_660 : i32
    %select_n3A_670 = arith.select %and3A_668, %add3A_669, %rem3A_661 : i32
    %eq3A_671 = arith.constant 0 : i32
    %eq3A_672 = arith.cmpi eq, %select_n3A_670, %eq3A_671 : i32
    %convert_element_type3A = arith.extui %eq3A_672 : i1 to i32
    %cond3A = arith.constant 0 : i32
    %cond3A_673 = arith.cmpi ne, %convert_element_type3A, %cond3A : i32
    scf.if %cond3A_673 {
      "tpu.region"() ({
        %run_scoped3A = tpu.sem_alloc : memref<!tpu.dma_semaphore, #tpu.memory_space<semaphore_mem>>
        %dma_start3A_686 = arith.constant 0 : i32
        %dma_start3A_687 = tpu.memref_slice %arg4[%select_n3A, %dma_start3A_686] : memref<8x32xi32, #tpu.memory_space<hbm>> -> memref<1x32xi32, #tpu.memory_space<hbm>>
        %dma_start3A_688 = tpu.memref_squeeze %dma_start3A_687 : memref<1x32xi32, #tpu.memory_space<hbm>> -> memref<32xi32, #tpu.memory_space<hbm>>
        %dma_start3A_689 = arith.constant 0 : i32
        %dma_start3A_690 = tpu.memref_slice %arg4[%select_n3A, %dma_start3A_689] : memref<8x32xi32, #tpu.memory_space<hbm>> -> memref<1x32xi32, #tpu.memory_space<hbm>>
        %dma_start3A_691 = tpu.memref_squeeze %dma_start3A_690 : memref<1x32xi32, #tpu.memory_space<hbm>> -> memref<32xi32, #tpu.memory_space<hbm>>
        tpu.enqueue_dma source(%dma_start3A_691 : memref<32xi32, #tpu.memory_space<hbm>>) target(%arg26 : memref<32xi32, #tpu.memory_space<vmem>>) target_semaphore(%run_scoped3A : memref<!tpu.dma_semaphore, #tpu.memory_space<semaphore_mem>>)
        %dma_wait3A_692 = arith.constant 0 : i32
        %dma_wait3A_693 = tpu.memref_slice %arg4[%select_n3A, %dma_wait3A_692] : memref<8x32xi32, #tpu.memory_space<hbm>> -> memref<1x32xi32, #tpu.memory_space<hbm>>
        %dma_wait3A_694 = tpu.memref_squeeze %dma_wait3A_693 : memref<1x32xi32, #tpu.memory_space<hbm>> -> memref<32xi32, #tpu.memory_space<hbm>>
        %dma_wait3A_695 = arith.constant 0 : i32
        %dma_wait3A_696 = tpu.memref_slice %arg4[%select_n3A, %dma_wait3A_695] : memref<8x32xi32, #tpu.memory_space<hbm>> -> memref<1x32xi32, #tpu.memory_space<hbm>>
        %dma_wait3A_697 = tpu.memref_squeeze %dma_wait3A_696 : memref<1x32xi32, #tpu.memory_space<hbm>> -> memref<32xi32, #tpu.memory_space<hbm>>
        tpu.wait_dma2 semaphore(%run_scoped3A : memref<!tpu.dma_semaphore, #tpu.memory_space<semaphore_mem>>) src(%dma_wait3A_697 : memref<32xi32, #tpu.memory_space<hbm>>) dst(%arg26 : memref<32xi32, #tpu.memory_space<vmem>>)
        tpu.yield
      }) : () -> ()
      "tpu.region"() ({
        %run_scoped3A = tpu.sem_alloc : memref<!tpu.dma_semaphore, #tpu.memory_space<semaphore_mem>>
        %dma_start3A_686 = arith.constant 0 : i32
        %dma_start3A_687 = tpu.memref_slice %arg5[%select_n3A, %dma_start3A_686] : memref<8x32xi32, #tpu.memory_space<hbm>> -> memref<1x32xi32, #tpu.memory_space<hbm>>
        %dma_start3A_688 = tpu.memref_squeeze %dma_start3A_687 : memref<1x32xi32, #tpu.memory_space<hbm>> -> memref<32xi32, #tpu.memory_space<hbm>>
        %dma_start3A_689 = arith.constant 0 : i32
        %dma_start3A_690 = tpu.memref_slice %arg5[%select_n3A, %dma_start3A_689] : memref<8x32xi32, #tpu.memory_space<hbm>> -> memref<1x32xi32, #tpu.memory_space<hbm>>
        %dma_start3A_691 = tpu.memref_squeeze %dma_start3A_690 : memref<1x32xi32, #tpu.memory_space<hbm>> -> memref<32xi32, #tpu.memory_space<hbm>>
        tpu.enqueue_dma source(%dma_start3A_691 : memref<32xi32, #tpu.memory_space<hbm>>) target(%arg27 : memref<32xi32, #tpu.memory_space<vmem>>) target_semaphore(%run_scoped3A : memref<!tpu.dma_semaphore, #tpu.memory_space<semaphore_mem>>)
        %dma_wait3A_692 = arith.constant 0 : i32
        %dma_wait3A_693 = tpu.memref_slice %arg5[%select_n3A, %dma_wait3A_692] : memref<8x32xi32, #tpu.memory_space<hbm>> -> memref<1x32xi32, #tpu.memory_space<hbm>>
        %dma_wait3A_694 = tpu.memref_squeeze %dma_wait3A_693 : memref<1x32xi32, #tpu.memory_space<hbm>> -> memref<32xi32, #tpu.memory_space<hbm>>
        %dma_wait3A_695 = arith.constant 0 : i32
        %dma_wait3A_696 = tpu.memref_slice %arg5[%select_n3A, %dma_wait3A_695] : memref<8x32xi32, #tpu.memory_space<hbm>> -> memref<1x32xi32, #tpu.memory_space<hbm>>
        %dma_wait3A_697 = tpu.memref_squeeze %dma_wait3A_696 : memref<1x32xi32, #tpu.memory_space<hbm>> -> memref<32xi32, #tpu.memory_space<hbm>>
        tpu.wait_dma2 semaphore(%run_scoped3A : memref<!tpu.dma_semaphore, #tpu.memory_space<semaphore_mem>>) src(%dma_wait3A_697 : memref<32xi32, #tpu.memory_space<hbm>>) dst(%arg27 : memref<32xi32, #tpu.memory_space<vmem>>)
        tpu.yield
      }) : () -> ()
      %dma_start3A_674 = arith.constant 0 : i32
      %dma_start3A_675 = arith.constant 0 : i32
      %dma_start3A_676 = tpu.memref_slice %arg3[%dma_start3A_674, %dma_start3A_675] : memref<256x128xf32, #tpu.memory_space<hbm>> -> memref<256x128xf32, #tpu.memory_space<hbm>>
      tpu.enqueue_indirect_dma source(%dma_start3A_676 : memref<256x128xf32, #tpu.memory_space<hbm>>) target(%arg25 : memref<32x128xf32, #tpu.memory_space<vmem>>) offsets(%arg26 : memref<32xi32, #tpu.memory_space<vmem>>) semaphore(%arg28 : memref<!tpu.dma_semaphore, #tpu.memory_space<semaphore_mem>>)
      %dma_wait3A_677 = arith.constant 0 : i32
      %dma_wait3A_678 = arith.constant 0 : i32
      %dma_wait3A_679 = tpu.memref_slice %arg3[%dma_wait3A_677, %dma_wait3A_678] : memref<256x128xf32, #tpu.memory_space<hbm>> -> memref<256x128xf32, #tpu.memory_space<hbm>>
      tpu.wait_indirect_dma semaphore(%arg28 : memref<!tpu.dma_semaphore, #tpu.memory_space<semaphore_mem>>) src(%dma_wait3A_679 : memref<256x128xf32, #tpu.memory_space<hbm>>) dst(%arg25 : memref<32x128xf32, #tpu.memory_space<vmem>>)
      %dma_start3A_680 = arith.constant 0 : i32
      %dma_start3A_681 = arith.constant 0 : i32
      %dma_start3A_682 = tpu.memref_slice %arg6[%dma_start3A_680, %dma_start3A_681] : memref<131072x128xf32, #tpu.memory_space<hbm>> -> memref<131072x128xf32, #tpu.memory_space<hbm>>
      tpu.enqueue_indirect_dma source(%arg25 : memref<32x128xf32, #tpu.memory_space<vmem>>) target(%dma_start3A_682 : memref<131072x128xf32, #tpu.memory_space<hbm>>) offsets(%arg27 : memref<32xi32, #tpu.memory_space<vmem>>) semaphore(%arg28 : memref<!tpu.dma_semaphore, #tpu.memory_space<semaphore_mem>>)
      %dma_wait3A_683 = arith.constant 0 : i32
      %dma_wait3A_684 = arith.constant 0 : i32
      %dma_wait3A_685 = tpu.memref_slice %arg6[%dma_wait3A_683, %dma_wait3A_684] : memref<131072x128xf32, #tpu.memory_space<hbm>> -> memref<131072x128xf32, #tpu.memory_space<hbm>>
      tpu.wait_indirect_dma semaphore(%arg28 : memref<!tpu.dma_semaphore, #tpu.memory_space<semaphore_mem>>) src(%arg25 : memref<32x128xf32, #tpu.memory_space<vmem>>) dst(%dma_wait3A_685 : memref<131072x128xf32, #tpu.memory_space<hbm>>)
    } else {
    }
    return
  }
}

module attributes {stable_mosaic.version = 14 : i64} {
  func.func @_tc_key_body(%arg0: i32, %arg1: i32, %arg2: memref<32xi32, #tpu.memory_space<smem>>, %arg3: memref<32xi32, #tpu.memory_space<smem>>, %arg4: memref<4xi32, #tpu.memory_space<smem>>, %arg5: memref<1x256x16x128xf32, #tpu.memory_space<vmem>>, %arg6: memref<1x32x128xf32, #tpu.memory_space<vmem>>, %arg7: memref<1x256x16x128xf32, #tpu.memory_space<vmem>>) attributes {dimension_semantics = [#tpu.dimension_semantics<arbitrary>, #tpu.dimension_semantics<arbitrary>], iteration_bounds = array<i64: 8, 4>, scalar_prefetch = 0 : i64, scratch_operands = 0 : i64, tpu.core_type = #tpu.core_type<tc>, window_params = [{transform_indices = @transform_0, window_bounds = array<i64: 32>}, {transform_indices = @transform_1, window_bounds = array<i64: 32>}, {transform_indices = @transform_2, window_bounds = array<i64: 4>}, {transform_indices = @transform_3, window_bounds = array<i64: 1, 256, 16, 128>}, {transform_indices = @transform_4, window_bounds = array<i64: 1, 32, 128>}, {transform_indices = @transform_5, window_bounds = array<i64: 1, 256, 16, 128>}]} {
    %mul3A = arith.constant 256 : i32
    %mul3A_0 = arith.muli %arg1, %mul3A : i32
    %get3A = arith.constant 0 : index
    %get3A_1 = arith.constant 0 : index
    %get3A_2 = arith.constant 0 : index
    %get3A_3 = arith.constant 0 : index
    %get3A_4 = vector.load %arg5[%get3A, %get3A_1, %get3A_2, %get3A_3] : memref<1x256x16x128xf32, #tpu.memory_space<vmem>>, vector<1x256x16x128xf32>
    %swap3A = arith.constant 0 : index
    %swap3A_5 = arith.constant 0 : index
    %swap3A_6 = arith.constant 0 : index
    %swap3A_7 = arith.constant 0 : index
    %swap3A_8 = vector.load %arg7[%swap3A, %swap3A_5, %swap3A_6, %swap3A_7] : memref<1x256x16x128xf32, #tpu.memory_space<vmem>>, vector<1x256x16x128xf32>
    tpu.vector_store %arg7[%swap3A, %swap3A_5, %swap3A_6, %swap3A_7], %get3A_4 {strides = array<i32>} : memref<1x256x16x128xf32, #tpu.memory_space<vmem>>, vector<1x256x16x128xf32>,
    %get3A_9 = arith.index_cast %arg1 : i32 to index
    %get3A_10 = memref.load %arg4[%get3A_9] : memref<4xi32, #tpu.memory_space<smem>>
    %ne3A = arith.constant 0 : i32
    %ne3A_11 = arith.cmpi ne, %get3A_10, %ne3A : i32
    %convert_element_type3A = arith.extui %ne3A_11 : i1 to i32
    %cond3A = arith.constant 0 : i32
    %cond3A_12 = arith.cmpi ne, %convert_element_type3A, %cond3A : i32
    scf.if %cond3A_12 {
      %iota3A = tpu.iota {dimensions = array<i32: 0>} : vector<16x128xi32>
      %scan3A = arith.constant 0 : i32
      %get3A_13 = arith.index_cast %scan3A : i32 to index
      %get3A_14 = memref.load %arg2[%get3A_13] : memref<32xi32, #tpu.memory_space<smem>>
      %sub3A = arith.constant 1 : i32
      %sub3A_15 = arith.subi %get3A_14, %sub3A : i32
      %get3A_16 = arith.index_cast %scan3A : i32 to index
      %get3A_17 = memref.load %arg3[%get3A_16] : memref<32xi32, #tpu.memory_space<smem>>
      %ge3A = arith.cmpi sge, %sub3A_15, %mul3A_0 : i32
      %add3A = arith.constant 256 : i32
      %add3A_18 = arith.addi %mul3A_0, %add3A : i32
      %lt3A = arith.cmpi slt, %sub3A_15, %add3A_18 : i32
      %and3A = arith.andi %ge3A, %lt3A : i1
      %convert_element_type3A_19 = arith.extui %and3A : i1 to i32
      %cond3A_20 = arith.constant 0 : i32
      %cond3A_21 = arith.cmpi ne, %convert_element_type3A_19, %cond3A_20 : i32
      scf.if %cond3A_21 {
        %eq3A = vector.broadcast %get3A_17 : i32 to vector<16x128xi32>
        %eq3A_488 = arith.cmpi eq, %iota3A, %eq3A : vector<16x128xi32>
        %sub3A_489 = arith.subi %sub3A_15, %mul3A_0 : i32
        %get3A_490 = arith.constant 0 : index
        %get3A_491 = arith.index_cast %sub3A_489 : i32 to index
        %get3A_492 = arith.constant 0 : index
        %get3A_493 = arith.constant 0 : index
        %get3A_494 = vector.load %arg7[%get3A_490, %get3A_491, %get3A_492, %get3A_493] : memref<1x256x16x128xf32, #tpu.memory_space<vmem>>, vector<1x1x16x128xf32>
        %get3A_495 = vector.shape_cast %get3A_494 : vector<1x1x16x128xf32> to vector<16x128xf32>
        %get3A_496 = arith.constant 0 : index
        %get3A_497 = arith.index_cast %scan3A : i32 to index
        %get3A_498 = arith.constant 0 : index
        %get3A_499 = vector.load %arg6[%get3A_496, %get3A_497, %get3A_498] : memref<1x32x128xf32, #tpu.memory_space<vmem>>, vector<1x1x128xf32>
        %get3A_500 = vector.shape_cast %get3A_499 : vector<1x1x128xf32> to vector<128xf32>
        %broadcast_in_dim3A = vector.shape_cast %get3A_500 : vector<128xf32> to vector<1x128xf32>
        %broadcast_in_dim3A_501 = vector.shape_cast %broadcast_in_dim3A : vector<1x128xf32> to vector<1x128xf32>
        %broadcast_in_dim3A_502 = vector.broadcast %broadcast_in_dim3A_501 : vector<1x128xf32> to vector<16x128xf32>
        %select_n3A = arith.select %eq3A_488, %broadcast_in_dim3A_502, %get3A_495 : vector<16x128xi1>, vector<16x128xf32>
        %swap3A_503 = arith.constant 0 : index
        %swap3A_504 = arith.index_cast %sub3A_489 : i32 to index
        %swap3A_505 = arith.constant 0 : index
        %swap3A_506 = arith.constant 0 : index
        %swap3A_507 = vector.load %arg7[%swap3A_503, %swap3A_504, %swap3A_505, %swap3A_506] : memref<1x256x16x128xf32, #tpu.memory_space<vmem>>, vector<1x1x16x128xf32>
        %swap3A_508 = vector.shape_cast %swap3A_507 : vector<1x1x16x128xf32> to vector<16x128xf32>
        %swap3A_509 = vector.shape_cast %select_n3A : vector<16x128xf32> to vector<1x1x16x128xf32>
        tpu.vector_store %arg7[%swap3A_503, %swap3A_504, %swap3A_505, %swap3A_506], %swap3A_509 {strides = array<i32>} : memref<1x256x16x128xf32, #tpu.memory_space<vmem>>, vector<1x1x16x128xf32>,
      } else {
      }
      %scan3A_22 = arith.constant 1 : i32
      %get3A_23 = arith.index_cast %scan3A_22 : i32 to index
      %get3A_24 = memref.load %arg2[%get3A_23] : memref<32xi32, #tpu.memory_space<smem>>
      %sub3A_25 = arith.constant 1 : i32
      %sub3A_26 = arith.subi %get3A_24, %sub3A_25 : i32
      %get3A_27 = arith.index_cast %scan3A_22 : i32 to index
      %get3A_28 = memref.load %arg3[%get3A_27] : memref<32xi32, #tpu.memory_space<smem>>
      %ge3A_29 = arith.cmpi sge, %sub3A_26, %mul3A_0 : i32
      %add3A_30 = arith.constant 256 : i32
      %add3A_31 = arith.addi %mul3A_0, %add3A_30 : i32
      %lt3A_32 = arith.cmpi slt, %sub3A_26, %add3A_31 : i32
      %and3A_33 = arith.andi %ge3A_29, %lt3A_32 : i1
      %convert_element_type3A_34 = arith.extui %and3A_33 : i1 to i32
      %cond3A_35 = arith.constant 0 : i32
      %cond3A_36 = arith.cmpi ne, %convert_element_type3A_34, %cond3A_35 : i32
      scf.if %cond3A_36 {
        %eq3A = vector.broadcast %get3A_28 : i32 to vector<16x128xi32>
        %eq3A_488 = arith.cmpi eq, %iota3A, %eq3A : vector<16x128xi32>
        %sub3A_489 = arith.subi %sub3A_26, %mul3A_0 : i32
        %get3A_490 = arith.constant 0 : index
        %get3A_491 = arith.index_cast %sub3A_489 : i32 to index
        %get3A_492 = arith.constant 0 : index
        %get3A_493 = arith.constant 0 : index
        %get3A_494 = vector.load %arg7[%get3A_490, %get3A_491, %get3A_492, %get3A_493] : memref<1x256x16x128xf32, #tpu.memory_space<vmem>>, vector<1x1x16x128xf32>
        %get3A_495 = vector.shape_cast %get3A_494 : vector<1x1x16x128xf32> to vector<16x128xf32>
        %get3A_496 = arith.constant 0 : index
        %get3A_497 = arith.index_cast %scan3A_22 : i32 to index
        %get3A_498 = arith.constant 0 : index
        %get3A_499 = vector.load %arg6[%get3A_496, %get3A_497, %get3A_498] : memref<1x32x128xf32, #tpu.memory_space<vmem>>, vector<1x1x128xf32>
        %get3A_500 = vector.shape_cast %get3A_499 : vector<1x1x128xf32> to vector<128xf32>
        %broadcast_in_dim3A = vector.shape_cast %get3A_500 : vector<128xf32> to vector<1x128xf32>
        %broadcast_in_dim3A_501 = vector.shape_cast %broadcast_in_dim3A : vector<1x128xf32> to vector<1x128xf32>
        %broadcast_in_dim3A_502 = vector.broadcast %broadcast_in_dim3A_501 : vector<1x128xf32> to vector<16x128xf32>
        %select_n3A = arith.select %eq3A_488, %broadcast_in_dim3A_502, %get3A_495 : vector<16x128xi1>, vector<16x128xf32>
        %swap3A_503 = arith.constant 0 : index
        %swap3A_504 = arith.index_cast %sub3A_489 : i32 to index
        %swap3A_505 = arith.constant 0 : index
        %swap3A_506 = arith.constant 0 : index
        %swap3A_507 = vector.load %arg7[%swap3A_503, %swap3A_504, %swap3A_505, %swap3A_506] : memref<1x256x16x128xf32, #tpu.memory_space<vmem>>, vector<1x1x16x128xf32>
        %swap3A_508 = vector.shape_cast %swap3A_507 : vector<1x1x16x128xf32> to vector<16x128xf32>
        %swap3A_509 = vector.shape_cast %select_n3A : vector<16x128xf32> to vector<1x1x16x128xf32>
        tpu.vector_store %arg7[%swap3A_503, %swap3A_504, %swap3A_505, %swap3A_506], %swap3A_509 {strides = array<i32>} : memref<1x256x16x128xf32, #tpu.memory_space<vmem>>, vector<1x1x16x128xf32>,
      } else {
      }
      %scan3A_37 = arith.constant 2 : i32
      %get3A_38 = arith.index_cast %scan3A_37 : i32 to index
      %get3A_39 = memref.load %arg2[%get3A_38] : memref<32xi32, #tpu.memory_space<smem>>
      %sub3A_40 = arith.constant 1 : i32
      %sub3A_41 = arith.subi %get3A_39, %sub3A_40 : i32
      %get3A_42 = arith.index_cast %scan3A_37 : i32 to index
      %get3A_43 = memref.load %arg3[%get3A_42] : memref<32xi32, #tpu.memory_space<smem>>
      %ge3A_44 = arith.cmpi sge, %sub3A_41, %mul3A_0 : i32
      %add3A_45 = arith.constant 256 : i32
      %add3A_46 = arith.addi %mul3A_0, %add3A_45 : i32
      %lt3A_47 = arith.cmpi slt, %sub3A_41, %add3A_46 : i32
      %and3A_48 = arith.andi %ge3A_44, %lt3A_47 : i1
      %convert_element_type3A_49 = arith.extui %and3A_48 : i1 to i32
      %cond3A_50 = arith.constant 0 : i32
      %cond3A_51 = arith.cmpi ne, %convert_element_type3A_49, %cond3A_50 : i32
      scf.if %cond3A_51 {
        %eq3A = vector.broadcast %get3A_43 : i32 to vector<16x128xi32>
        %eq3A_488 = arith.cmpi eq, %iota3A, %eq3A : vector<16x128xi32>
        %sub3A_489 = arith.subi %sub3A_41, %mul3A_0 : i32
        %get3A_490 = arith.constant 0 : index
        %get3A_491 = arith.index_cast %sub3A_489 : i32 to index
        %get3A_492 = arith.constant 0 : index
        %get3A_493 = arith.constant 0 : index
        %get3A_494 = vector.load %arg7[%get3A_490, %get3A_491, %get3A_492, %get3A_493] : memref<1x256x16x128xf32, #tpu.memory_space<vmem>>, vector<1x1x16x128xf32>
        %get3A_495 = vector.shape_cast %get3A_494 : vector<1x1x16x128xf32> to vector<16x128xf32>
        %get3A_496 = arith.constant 0 : index
        %get3A_497 = arith.index_cast %scan3A_37 : i32 to index
        %get3A_498 = arith.constant 0 : index
        %get3A_499 = vector.load %arg6[%get3A_496, %get3A_497, %get3A_498] : memref<1x32x128xf32, #tpu.memory_space<vmem>>, vector<1x1x128xf32>
        %get3A_500 = vector.shape_cast %get3A_499 : vector<1x1x128xf32> to vector<128xf32>
        %broadcast_in_dim3A = vector.shape_cast %get3A_500 : vector<128xf32> to vector<1x128xf32>
        %broadcast_in_dim3A_501 = vector.shape_cast %broadcast_in_dim3A : vector<1x128xf32> to vector<1x128xf32>
        %broadcast_in_dim3A_502 = vector.broadcast %broadcast_in_dim3A_501 : vector<1x128xf32> to vector<16x128xf32>
        %select_n3A = arith.select %eq3A_488, %broadcast_in_dim3A_502, %get3A_495 : vector<16x128xi1>, vector<16x128xf32>
        %swap3A_503 = arith.constant 0 : index
        %swap3A_504 = arith.index_cast %sub3A_489 : i32 to index
        %swap3A_505 = arith.constant 0 : index
        %swap3A_506 = arith.constant 0 : index
        %swap3A_507 = vector.load %arg7[%swap3A_503, %swap3A_504, %swap3A_505, %swap3A_506] : memref<1x256x16x128xf32, #tpu.memory_space<vmem>>, vector<1x1x16x128xf32>
        %swap3A_508 = vector.shape_cast %swap3A_507 : vector<1x1x16x128xf32> to vector<16x128xf32>
        %swap3A_509 = vector.shape_cast %select_n3A : vector<16x128xf32> to vector<1x1x16x128xf32>
        tpu.vector_store %arg7[%swap3A_503, %swap3A_504, %swap3A_505, %swap3A_506], %swap3A_509 {strides = array<i32>} : memref<1x256x16x128xf32, #tpu.memory_space<vmem>>, vector<1x1x16x128xf32>,
      } else {
      }
      %scan3A_52 = arith.constant 3 : i32
      %get3A_53 = arith.index_cast %scan3A_52 : i32 to index
      %get3A_54 = memref.load %arg2[%get3A_53] : memref<32xi32, #tpu.memory_space<smem>>
      %sub3A_55 = arith.constant 1 : i32
      %sub3A_56 = arith.subi %get3A_54, %sub3A_55 : i32
      %get3A_57 = arith.index_cast %scan3A_52 : i32 to index
      %get3A_58 = memref.load %arg3[%get3A_57] : memref<32xi32, #tpu.memory_space<smem>>
      %ge3A_59 = arith.cmpi sge, %sub3A_56, %mul3A_0 : i32
      %add3A_60 = arith.constant 256 : i32
      %add3A_61 = arith.addi %mul3A_0, %add3A_60 : i32
      %lt3A_62 = arith.cmpi slt, %sub3A_56, %add3A_61 : i32
      %and3A_63 = arith.andi %ge3A_59, %lt3A_62 : i1
      %convert_element_type3A_64 = arith.extui %and3A_63 : i1 to i32
      %cond3A_65 = arith.constant 0 : i32
      %cond3A_66 = arith.cmpi ne, %convert_element_type3A_64, %cond3A_65 : i32
      scf.if %cond3A_66 {
        %eq3A = vector.broadcast %get3A_58 : i32 to vector<16x128xi32>
        %eq3A_488 = arith.cmpi eq, %iota3A, %eq3A : vector<16x128xi32>
        %sub3A_489 = arith.subi %sub3A_56, %mul3A_0 : i32
        %get3A_490 = arith.constant 0 : index
        %get3A_491 = arith.index_cast %sub3A_489 : i32 to index
        %get3A_492 = arith.constant 0 : index
        %get3A_493 = arith.constant 0 : index
        %get3A_494 = vector.load %arg7[%get3A_490, %get3A_491, %get3A_492, %get3A_493] : memref<1x256x16x128xf32, #tpu.memory_space<vmem>>, vector<1x1x16x128xf32>
        %get3A_495 = vector.shape_cast %get3A_494 : vector<1x1x16x128xf32> to vector<16x128xf32>
        %get3A_496 = arith.constant 0 : index
        %get3A_497 = arith.index_cast %scan3A_52 : i32 to index
        %get3A_498 = arith.constant 0 : index
        %get3A_499 = vector.load %arg6[%get3A_496, %get3A_497, %get3A_498] : memref<1x32x128xf32, #tpu.memory_space<vmem>>, vector<1x1x128xf32>
        %get3A_500 = vector.shape_cast %get3A_499 : vector<1x1x128xf32> to vector<128xf32>
        %broadcast_in_dim3A = vector.shape_cast %get3A_500 : vector<128xf32> to vector<1x128xf32>
        %broadcast_in_dim3A_501 = vector.shape_cast %broadcast_in_dim3A : vector<1x128xf32> to vector<1x128xf32>
        %broadcast_in_dim3A_502 = vector.broadcast %broadcast_in_dim3A_501 : vector<1x128xf32> to vector<16x128xf32>
        %select_n3A = arith.select %eq3A_488, %broadcast_in_dim3A_502, %get3A_495 : vector<16x128xi1>, vector<16x128xf32>
        %swap3A_503 = arith.constant 0 : index
        %swap3A_504 = arith.index_cast %sub3A_489 : i32 to index
        %swap3A_505 = arith.constant 0 : index
        %swap3A_506 = arith.constant 0 : index
        %swap3A_507 = vector.load %arg7[%swap3A_503, %swap3A_504, %swap3A_505, %swap3A_506] : memref<1x256x16x128xf32, #tpu.memory_space<vmem>>, vector<1x1x16x128xf32>
        %swap3A_508 = vector.shape_cast %swap3A_507 : vector<1x1x16x128xf32> to vector<16x128xf32>
        %swap3A_509 = vector.shape_cast %select_n3A : vector<16x128xf32> to vector<1x1x16x128xf32>
        tpu.vector_store %arg7[%swap3A_503, %swap3A_504, %swap3A_505, %swap3A_506], %swap3A_509 {strides = array<i32>} : memref<1x256x16x128xf32, #tpu.memory_space<vmem>>, vector<1x1x16x128xf32>,
      } else {
      }
      %scan3A_67 = arith.constant 4 : i32
      %get3A_68 = arith.index_cast %scan3A_67 : i32 to index
      %get3A_69 = memref.load %arg2[%get3A_68] : memref<32xi32, #tpu.memory_space<smem>>
      %sub3A_70 = arith.constant 1 : i32
      %sub3A_71 = arith.subi %get3A_69, %sub3A_70 : i32
      %get3A_72 = arith.index_cast %scan3A_67 : i32 to index
      %get3A_73 = memref.load %arg3[%get3A_72] : memref<32xi32, #tpu.memory_space<smem>>
      %ge3A_74 = arith.cmpi sge, %sub3A_71, %mul3A_0 : i32
      %add3A_75 = arith.constant 256 : i32
      %add3A_76 = arith.addi %mul3A_0, %add3A_75 : i32
      %lt3A_77 = arith.cmpi slt, %sub3A_71, %add3A_76 : i32
      %and3A_78 = arith.andi %ge3A_74, %lt3A_77 : i1
      %convert_element_type3A_79 = arith.extui %and3A_78 : i1 to i32
      %cond3A_80 = arith.constant 0 : i32
      %cond3A_81 = arith.cmpi ne, %convert_element_type3A_79, %cond3A_80 : i32
      scf.if %cond3A_81 {
        %eq3A = vector.broadcast %get3A_73 : i32 to vector<16x128xi32>
        %eq3A_488 = arith.cmpi eq, %iota3A, %eq3A : vector<16x128xi32>
        %sub3A_489 = arith.subi %sub3A_71, %mul3A_0 : i32
        %get3A_490 = arith.constant 0 : index
        %get3A_491 = arith.index_cast %sub3A_489 : i32 to index
        %get3A_492 = arith.constant 0 : index
        %get3A_493 = arith.constant 0 : index
        %get3A_494 = vector.load %arg7[%get3A_490, %get3A_491, %get3A_492, %get3A_493] : memref<1x256x16x128xf32, #tpu.memory_space<vmem>>, vector<1x1x16x128xf32>
        %get3A_495 = vector.shape_cast %get3A_494 : vector<1x1x16x128xf32> to vector<16x128xf32>
        %get3A_496 = arith.constant 0 : index
        %get3A_497 = arith.index_cast %scan3A_67 : i32 to index
        %get3A_498 = arith.constant 0 : index
        %get3A_499 = vector.load %arg6[%get3A_496, %get3A_497, %get3A_498] : memref<1x32x128xf32, #tpu.memory_space<vmem>>, vector<1x1x128xf32>
        %get3A_500 = vector.shape_cast %get3A_499 : vector<1x1x128xf32> to vector<128xf32>
        %broadcast_in_dim3A = vector.shape_cast %get3A_500 : vector<128xf32> to vector<1x128xf32>
        %broadcast_in_dim3A_501 = vector.shape_cast %broadcast_in_dim3A : vector<1x128xf32> to vector<1x128xf32>
        %broadcast_in_dim3A_502 = vector.broadcast %broadcast_in_dim3A_501 : vector<1x128xf32> to vector<16x128xf32>
        %select_n3A = arith.select %eq3A_488, %broadcast_in_dim3A_502, %get3A_495 : vector<16x128xi1>, vector<16x128xf32>
        %swap3A_503 = arith.constant 0 : index
        %swap3A_504 = arith.index_cast %sub3A_489 : i32 to index
        %swap3A_505 = arith.constant 0 : index
        %swap3A_506 = arith.constant 0 : index
        %swap3A_507 = vector.load %arg7[%swap3A_503, %swap3A_504, %swap3A_505, %swap3A_506] : memref<1x256x16x128xf32, #tpu.memory_space<vmem>>, vector<1x1x16x128xf32>
        %swap3A_508 = vector.shape_cast %swap3A_507 : vector<1x1x16x128xf32> to vector<16x128xf32>
        %swap3A_509 = vector.shape_cast %select_n3A : vector<16x128xf32> to vector<1x1x16x128xf32>
        tpu.vector_store %arg7[%swap3A_503, %swap3A_504, %swap3A_505, %swap3A_506], %swap3A_509 {strides = array<i32>} : memref<1x256x16x128xf32, #tpu.memory_space<vmem>>, vector<1x1x16x128xf32>,
      } else {
      }
      %scan3A_82 = arith.constant 5 : i32
      %get3A_83 = arith.index_cast %scan3A_82 : i32 to index
      %get3A_84 = memref.load %arg2[%get3A_83] : memref<32xi32, #tpu.memory_space<smem>>
      %sub3A_85 = arith.constant 1 : i32
      %sub3A_86 = arith.subi %get3A_84, %sub3A_85 : i32
      %get3A_87 = arith.index_cast %scan3A_82 : i32 to index
      %get3A_88 = memref.load %arg3[%get3A_87] : memref<32xi32, #tpu.memory_space<smem>>
      %ge3A_89 = arith.cmpi sge, %sub3A_86, %mul3A_0 : i32
      %add3A_90 = arith.constant 256 : i32
      %add3A_91 = arith.addi %mul3A_0, %add3A_90 : i32
      %lt3A_92 = arith.cmpi slt, %sub3A_86, %add3A_91 : i32
      %and3A_93 = arith.andi %ge3A_89, %lt3A_92 : i1
      %convert_element_type3A_94 = arith.extui %and3A_93 : i1 to i32
      %cond3A_95 = arith.constant 0 : i32
      %cond3A_96 = arith.cmpi ne, %convert_element_type3A_94, %cond3A_95 : i32
      scf.if %cond3A_96 {
        %eq3A = vector.broadcast %get3A_88 : i32 to vector<16x128xi32>
        %eq3A_488 = arith.cmpi eq, %iota3A, %eq3A : vector<16x128xi32>
        %sub3A_489 = arith.subi %sub3A_86, %mul3A_0 : i32
        %get3A_490 = arith.constant 0 : index
        %get3A_491 = arith.index_cast %sub3A_489 : i32 to index
        %get3A_492 = arith.constant 0 : index
        %get3A_493 = arith.constant 0 : index
        %get3A_494 = vector.load %arg7[%get3A_490, %get3A_491, %get3A_492, %get3A_493] : memref<1x256x16x128xf32, #tpu.memory_space<vmem>>, vector<1x1x16x128xf32>
        %get3A_495 = vector.shape_cast %get3A_494 : vector<1x1x16x128xf32> to vector<16x128xf32>
        %get3A_496 = arith.constant 0 : index
        %get3A_497 = arith.index_cast %scan3A_82 : i32 to index
        %get3A_498 = arith.constant 0 : index
        %get3A_499 = vector.load %arg6[%get3A_496, %get3A_497, %get3A_498] : memref<1x32x128xf32, #tpu.memory_space<vmem>>, vector<1x1x128xf32>
        %get3A_500 = vector.shape_cast %get3A_499 : vector<1x1x128xf32> to vector<128xf32>
        %broadcast_in_dim3A = vector.shape_cast %get3A_500 : vector<128xf32> to vector<1x128xf32>
        %broadcast_in_dim3A_501 = vector.shape_cast %broadcast_in_dim3A : vector<1x128xf32> to vector<1x128xf32>
        %broadcast_in_dim3A_502 = vector.broadcast %broadcast_in_dim3A_501 : vector<1x128xf32> to vector<16x128xf32>
        %select_n3A = arith.select %eq3A_488, %broadcast_in_dim3A_502, %get3A_495 : vector<16x128xi1>, vector<16x128xf32>
        %swap3A_503 = arith.constant 0 : index
        %swap3A_504 = arith.index_cast %sub3A_489 : i32 to index
        %swap3A_505 = arith.constant 0 : index
        %swap3A_506 = arith.constant 0 : index
        %swap3A_507 = vector.load %arg7[%swap3A_503, %swap3A_504, %swap3A_505, %swap3A_506] : memref<1x256x16x128xf32, #tpu.memory_space<vmem>>, vector<1x1x16x128xf32>
        %swap3A_508 = vector.shape_cast %swap3A_507 : vector<1x1x16x128xf32> to vector<16x128xf32>
        %swap3A_509 = vector.shape_cast %select_n3A : vector<16x128xf32> to vector<1x1x16x128xf32>
        tpu.vector_store %arg7[%swap3A_503, %swap3A_504, %swap3A_505, %swap3A_506], %swap3A_509 {strides = array<i32>} : memref<1x256x16x128xf32, #tpu.memory_space<vmem>>, vector<1x1x16x128xf32>,
      } else {
      }
      %scan3A_97 = arith.constant 6 : i32
      %get3A_98 = arith.index_cast %scan3A_97 : i32 to index
      %get3A_99 = memref.load %arg2[%get3A_98] : memref<32xi32, #tpu.memory_space<smem>>
      %sub3A_100 = arith.constant 1 : i32
      %sub3A_101 = arith.subi %get3A_99, %sub3A_100 : i32
      %get3A_102 = arith.index_cast %scan3A_97 : i32 to index
      %get3A_103 = memref.load %arg3[%get3A_102] : memref<32xi32, #tpu.memory_space<smem>>
      %ge3A_104 = arith.cmpi sge, %sub3A_101, %mul3A_0 : i32
      %add3A_105 = arith.constant 256 : i32
      %add3A_106 = arith.addi %mul3A_0, %add3A_105 : i32
      %lt3A_107 = arith.cmpi slt, %sub3A_101, %add3A_106 : i32
      %and3A_108 = arith.andi %ge3A_104, %lt3A_107 : i1
      %convert_element_type3A_109 = arith.extui %and3A_108 : i1 to i32
      %cond3A_110 = arith.constant 0 : i32
      %cond3A_111 = arith.cmpi ne, %convert_element_type3A_109, %cond3A_110 : i32
      scf.if %cond3A_111 {
        %eq3A = vector.broadcast %get3A_103 : i32 to vector<16x128xi32>
        %eq3A_488 = arith.cmpi eq, %iota3A, %eq3A : vector<16x128xi32>
        %sub3A_489 = arith.subi %sub3A_101, %mul3A_0 : i32
        %get3A_490 = arith.constant 0 : index
        %get3A_491 = arith.index_cast %sub3A_489 : i32 to index
        %get3A_492 = arith.constant 0 : index
        %get3A_493 = arith.constant 0 : index
        %get3A_494 = vector.load %arg7[%get3A_490, %get3A_491, %get3A_492, %get3A_493] : memref<1x256x16x128xf32, #tpu.memory_space<vmem>>, vector<1x1x16x128xf32>
        %get3A_495 = vector.shape_cast %get3A_494 : vector<1x1x16x128xf32> to vector<16x128xf32>
        %get3A_496 = arith.constant 0 : index
        %get3A_497 = arith.index_cast %scan3A_97 : i32 to index
        %get3A_498 = arith.constant 0 : index
        %get3A_499 = vector.load %arg6[%get3A_496, %get3A_497, %get3A_498] : memref<1x32x128xf32, #tpu.memory_space<vmem>>, vector<1x1x128xf32>
        %get3A_500 = vector.shape_cast %get3A_499 : vector<1x1x128xf32> to vector<128xf32>
        %broadcast_in_dim3A = vector.shape_cast %get3A_500 : vector<128xf32> to vector<1x128xf32>
        %broadcast_in_dim3A_501 = vector.shape_cast %broadcast_in_dim3A : vector<1x128xf32> to vector<1x128xf32>
        %broadcast_in_dim3A_502 = vector.broadcast %broadcast_in_dim3A_501 : vector<1x128xf32> to vector<16x128xf32>
        %select_n3A = arith.select %eq3A_488, %broadcast_in_dim3A_502, %get3A_495 : vector<16x128xi1>, vector<16x128xf32>
        %swap3A_503 = arith.constant 0 : index
        %swap3A_504 = arith.index_cast %sub3A_489 : i32 to index
        %swap3A_505 = arith.constant 0 : index
        %swap3A_506 = arith.constant 0 : index
        %swap3A_507 = vector.load %arg7[%swap3A_503, %swap3A_504, %swap3A_505, %swap3A_506] : memref<1x256x16x128xf32, #tpu.memory_space<vmem>>, vector<1x1x16x128xf32>
        %swap3A_508 = vector.shape_cast %swap3A_507 : vector<1x1x16x128xf32> to vector<16x128xf32>
        %swap3A_509 = vector.shape_cast %select_n3A : vector<16x128xf32> to vector<1x1x16x128xf32>
        tpu.vector_store %arg7[%swap3A_503, %swap3A_504, %swap3A_505, %swap3A_506], %swap3A_509 {strides = array<i32>} : memref<1x256x16x128xf32, #tpu.memory_space<vmem>>, vector<1x1x16x128xf32>,
      } else {
      }
      %scan3A_112 = arith.constant 7 : i32
      %get3A_113 = arith.index_cast %scan3A_112 : i32 to index
      %get3A_114 = memref.load %arg2[%get3A_113] : memref<32xi32, #tpu.memory_space<smem>>
      %sub3A_115 = arith.constant 1 : i32
      %sub3A_116 = arith.subi %get3A_114, %sub3A_115 : i32
      %get3A_117 = arith.index_cast %scan3A_112 : i32 to index
      %get3A_118 = memref.load %arg3[%get3A_117] : memref<32xi32, #tpu.memory_space<smem>>
      %ge3A_119 = arith.cmpi sge, %sub3A_116, %mul3A_0 : i32
      %add3A_120 = arith.constant 256 : i32
      %add3A_121 = arith.addi %mul3A_0, %add3A_120 : i32
      %lt3A_122 = arith.cmpi slt, %sub3A_116, %add3A_121 : i32
      %and3A_123 = arith.andi %ge3A_119, %lt3A_122 : i1
      %convert_element_type3A_124 = arith.extui %and3A_123 : i1 to i32
      %cond3A_125 = arith.constant 0 : i32
      %cond3A_126 = arith.cmpi ne, %convert_element_type3A_124, %cond3A_125 : i32
      scf.if %cond3A_126 {
        %eq3A = vector.broadcast %get3A_118 : i32 to vector<16x128xi32>
        %eq3A_488 = arith.cmpi eq, %iota3A, %eq3A : vector<16x128xi32>
        %sub3A_489 = arith.subi %sub3A_116, %mul3A_0 : i32
        %get3A_490 = arith.constant 0 : index
        %get3A_491 = arith.index_cast %sub3A_489 : i32 to index
        %get3A_492 = arith.constant 0 : index
        %get3A_493 = arith.constant 0 : index
        %get3A_494 = vector.load %arg7[%get3A_490, %get3A_491, %get3A_492, %get3A_493] : memref<1x256x16x128xf32, #tpu.memory_space<vmem>>, vector<1x1x16x128xf32>
        %get3A_495 = vector.shape_cast %get3A_494 : vector<1x1x16x128xf32> to vector<16x128xf32>
        %get3A_496 = arith.constant 0 : index
        %get3A_497 = arith.index_cast %scan3A_112 : i32 to index
        %get3A_498 = arith.constant 0 : index
        %get3A_499 = vector.load %arg6[%get3A_496, %get3A_497, %get3A_498] : memref<1x32x128xf32, #tpu.memory_space<vmem>>, vector<1x1x128xf32>
        %get3A_500 = vector.shape_cast %get3A_499 : vector<1x1x128xf32> to vector<128xf32>
        %broadcast_in_dim3A = vector.shape_cast %get3A_500 : vector<128xf32> to vector<1x128xf32>
        %broadcast_in_dim3A_501 = vector.shape_cast %broadcast_in_dim3A : vector<1x128xf32> to vector<1x128xf32>
        %broadcast_in_dim3A_502 = vector.broadcast %broadcast_in_dim3A_501 : vector<1x128xf32> to vector<16x128xf32>
        %select_n3A = arith.select %eq3A_488, %broadcast_in_dim3A_502, %get3A_495 : vector<16x128xi1>, vector<16x128xf32>
        %swap3A_503 = arith.constant 0 : index
        %swap3A_504 = arith.index_cast %sub3A_489 : i32 to index
        %swap3A_505 = arith.constant 0 : index
        %swap3A_506 = arith.constant 0 : index
        %swap3A_507 = vector.load %arg7[%swap3A_503, %swap3A_504, %swap3A_505, %swap3A_506] : memref<1x256x16x128xf32, #tpu.memory_space<vmem>>, vector<1x1x16x128xf32>
        %swap3A_508 = vector.shape_cast %swap3A_507 : vector<1x1x16x128xf32> to vector<16x128xf32>
        %swap3A_509 = vector.shape_cast %select_n3A : vector<16x128xf32> to vector<1x1x16x128xf32>
        tpu.vector_store %arg7[%swap3A_503, %swap3A_504, %swap3A_505, %swap3A_506], %swap3A_509 {strides = array<i32>} : memref<1x256x16x128xf32, #tpu.memory_space<vmem>>, vector<1x1x16x128xf32>,
      } else {
      }
      %scan3A_127 = arith.constant 8 : i32
      %get3A_128 = arith.index_cast %scan3A_127 : i32 to index
      %get3A_129 = memref.load %arg2[%get3A_128] : memref<32xi32, #tpu.memory_space<smem>>
      %sub3A_130 = arith.constant 1 : i32
      %sub3A_131 = arith.subi %get3A_129, %sub3A_130 : i32
      %get3A_132 = arith.index_cast %scan3A_127 : i32 to index
      %get3A_133 = memref.load %arg3[%get3A_132] : memref<32xi32, #tpu.memory_space<smem>>
      %ge3A_134 = arith.cmpi sge, %sub3A_131, %mul3A_0 : i32
      %add3A_135 = arith.constant 256 : i32
      %add3A_136 = arith.addi %mul3A_0, %add3A_135 : i32
      %lt3A_137 = arith.cmpi slt, %sub3A_131, %add3A_136 : i32
      %and3A_138 = arith.andi %ge3A_134, %lt3A_137 : i1
      %convert_element_type3A_139 = arith.extui %and3A_138 : i1 to i32
      %cond3A_140 = arith.constant 0 : i32
      %cond3A_141 = arith.cmpi ne, %convert_element_type3A_139, %cond3A_140 : i32
      scf.if %cond3A_141 {
        %eq3A = vector.broadcast %get3A_133 : i32 to vector<16x128xi32>
        %eq3A_488 = arith.cmpi eq, %iota3A, %eq3A : vector<16x128xi32>
        %sub3A_489 = arith.subi %sub3A_131, %mul3A_0 : i32
        %get3A_490 = arith.constant 0 : index
        %get3A_491 = arith.index_cast %sub3A_489 : i32 to index
        %get3A_492 = arith.constant 0 : index
        %get3A_493 = arith.constant 0 : index
        %get3A_494 = vector.load %arg7[%get3A_490, %get3A_491, %get3A_492, %get3A_493] : memref<1x256x16x128xf32, #tpu.memory_space<vmem>>, vector<1x1x16x128xf32>
        %get3A_495 = vector.shape_cast %get3A_494 : vector<1x1x16x128xf32> to vector<16x128xf32>
        %get3A_496 = arith.constant 0 : index
        %get3A_497 = arith.index_cast %scan3A_127 : i32 to index
        %get3A_498 = arith.constant 0 : index
        %get3A_499 = vector.load %arg6[%get3A_496, %get3A_497, %get3A_498] : memref<1x32x128xf32, #tpu.memory_space<vmem>>, vector<1x1x128xf32>
        %get3A_500 = vector.shape_cast %get3A_499 : vector<1x1x128xf32> to vector<128xf32>
        %broadcast_in_dim3A = vector.shape_cast %get3A_500 : vector<128xf32> to vector<1x128xf32>
        %broadcast_in_dim3A_501 = vector.shape_cast %broadcast_in_dim3A : vector<1x128xf32> to vector<1x128xf32>
        %broadcast_in_dim3A_502 = vector.broadcast %broadcast_in_dim3A_501 : vector<1x128xf32> to vector<16x128xf32>
        %select_n3A = arith.select %eq3A_488, %broadcast_in_dim3A_502, %get3A_495 : vector<16x128xi1>, vector<16x128xf32>
        %swap3A_503 = arith.constant 0 : index
        %swap3A_504 = arith.index_cast %sub3A_489 : i32 to index
        %swap3A_505 = arith.constant 0 : index
        %swap3A_506 = arith.constant 0 : index
        %swap3A_507 = vector.load %arg7[%swap3A_503, %swap3A_504, %swap3A_505, %swap3A_506] : memref<1x256x16x128xf32, #tpu.memory_space<vmem>>, vector<1x1x16x128xf32>
        %swap3A_508 = vector.shape_cast %swap3A_507 : vector<1x1x16x128xf32> to vector<16x128xf32>
        %swap3A_509 = vector.shape_cast %select_n3A : vector<16x128xf32> to vector<1x1x16x128xf32>
        tpu.vector_store %arg7[%swap3A_503, %swap3A_504, %swap3A_505, %swap3A_506], %swap3A_509 {strides = array<i32>} : memref<1x256x16x128xf32, #tpu.memory_space<vmem>>, vector<1x1x16x128xf32>,
      } else {
      }
      %scan3A_142 = arith.constant 9 : i32
      %get3A_143 = arith.index_cast %scan3A_142 : i32 to index
      %get3A_144 = memref.load %arg2[%get3A_143] : memref<32xi32, #tpu.memory_space<smem>>
      %sub3A_145 = arith.constant 1 : i32
      %sub3A_146 = arith.subi %get3A_144, %sub3A_145 : i32
      %get3A_147 = arith.index_cast %scan3A_142 : i32 to index
      %get3A_148 = memref.load %arg3[%get3A_147] : memref<32xi32, #tpu.memory_space<smem>>
      %ge3A_149 = arith.cmpi sge, %sub3A_146, %mul3A_0 : i32
      %add3A_150 = arith.constant 256 : i32
      %add3A_151 = arith.addi %mul3A_0, %add3A_150 : i32
      %lt3A_152 = arith.cmpi slt, %sub3A_146, %add3A_151 : i32
      %and3A_153 = arith.andi %ge3A_149, %lt3A_152 : i1
      %convert_element_type3A_154 = arith.extui %and3A_153 : i1 to i32
      %cond3A_155 = arith.constant 0 : i32
      %cond3A_156 = arith.cmpi ne, %convert_element_type3A_154, %cond3A_155 : i32
      scf.if %cond3A_156 {
        %eq3A = vector.broadcast %get3A_148 : i32 to vector<16x128xi32>
        %eq3A_488 = arith.cmpi eq, %iota3A, %eq3A : vector<16x128xi32>
        %sub3A_489 = arith.subi %sub3A_146, %mul3A_0 : i32
        %get3A_490 = arith.constant 0 : index
        %get3A_491 = arith.index_cast %sub3A_489 : i32 to index
        %get3A_492 = arith.constant 0 : index
        %get3A_493 = arith.constant 0 : index
        %get3A_494 = vector.load %arg7[%get3A_490, %get3A_491, %get3A_492, %get3A_493] : memref<1x256x16x128xf32, #tpu.memory_space<vmem>>, vector<1x1x16x128xf32>
        %get3A_495 = vector.shape_cast %get3A_494 : vector<1x1x16x128xf32> to vector<16x128xf32>
        %get3A_496 = arith.constant 0 : index
        %get3A_497 = arith.index_cast %scan3A_142 : i32 to index
        %get3A_498 = arith.constant 0 : index
        %get3A_499 = vector.load %arg6[%get3A_496, %get3A_497, %get3A_498] : memref<1x32x128xf32, #tpu.memory_space<vmem>>, vector<1x1x128xf32>
        %get3A_500 = vector.shape_cast %get3A_499 : vector<1x1x128xf32> to vector<128xf32>
        %broadcast_in_dim3A = vector.shape_cast %get3A_500 : vector<128xf32> to vector<1x128xf32>
        %broadcast_in_dim3A_501 = vector.shape_cast %broadcast_in_dim3A : vector<1x128xf32> to vector<1x128xf32>
        %broadcast_in_dim3A_502 = vector.broadcast %broadcast_in_dim3A_501 : vector<1x128xf32> to vector<16x128xf32>
        %select_n3A = arith.select %eq3A_488, %broadcast_in_dim3A_502, %get3A_495 : vector<16x128xi1>, vector<16x128xf32>
        %swap3A_503 = arith.constant 0 : index
        %swap3A_504 = arith.index_cast %sub3A_489 : i32 to index
        %swap3A_505 = arith.constant 0 : index
        %swap3A_506 = arith.constant 0 : index
        %swap3A_507 = vector.load %arg7[%swap3A_503, %swap3A_504, %swap3A_505, %swap3A_506] : memref<1x256x16x128xf32, #tpu.memory_space<vmem>>, vector<1x1x16x128xf32>
        %swap3A_508 = vector.shape_cast %swap3A_507 : vector<1x1x16x128xf32> to vector<16x128xf32>
        %swap3A_509 = vector.shape_cast %select_n3A : vector<16x128xf32> to vector<1x1x16x128xf32>
        tpu.vector_store %arg7[%swap3A_503, %swap3A_504, %swap3A_505, %swap3A_506], %swap3A_509 {strides = array<i32>} : memref<1x256x16x128xf32, #tpu.memory_space<vmem>>, vector<1x1x16x128xf32>,
      } else {
      }
      %scan3A_157 = arith.constant 10 : i32
      %get3A_158 = arith.index_cast %scan3A_157 : i32 to index
      %get3A_159 = memref.load %arg2[%get3A_158] : memref<32xi32, #tpu.memory_space<smem>>
      %sub3A_160 = arith.constant 1 : i32
      %sub3A_161 = arith.subi %get3A_159, %sub3A_160 : i32
      %get3A_162 = arith.index_cast %scan3A_157 : i32 to index
      %get3A_163 = memref.load %arg3[%get3A_162] : memref<32xi32, #tpu.memory_space<smem>>
      %ge3A_164 = arith.cmpi sge, %sub3A_161, %mul3A_0 : i32
      %add3A_165 = arith.constant 256 : i32
      %add3A_166 = arith.addi %mul3A_0, %add3A_165 : i32
      %lt3A_167 = arith.cmpi slt, %sub3A_161, %add3A_166 : i32
      %and3A_168 = arith.andi %ge3A_164, %lt3A_167 : i1
      %convert_element_type3A_169 = arith.extui %and3A_168 : i1 to i32
      %cond3A_170 = arith.constant 0 : i32
      %cond3A_171 = arith.cmpi ne, %convert_element_type3A_169, %cond3A_170 : i32
      scf.if %cond3A_171 {
        %eq3A = vector.broadcast %get3A_163 : i32 to vector<16x128xi32>
        %eq3A_488 = arith.cmpi eq, %iota3A, %eq3A : vector<16x128xi32>
        %sub3A_489 = arith.subi %sub3A_161, %mul3A_0 : i32
        %get3A_490 = arith.constant 0 : index
        %get3A_491 = arith.index_cast %sub3A_489 : i32 to index
        %get3A_492 = arith.constant 0 : index
        %get3A_493 = arith.constant 0 : index
        %get3A_494 = vector.load %arg7[%get3A_490, %get3A_491, %get3A_492, %get3A_493] : memref<1x256x16x128xf32, #tpu.memory_space<vmem>>, vector<1x1x16x128xf32>
        %get3A_495 = vector.shape_cast %get3A_494 : vector<1x1x16x128xf32> to vector<16x128xf32>
        %get3A_496 = arith.constant 0 : index
        %get3A_497 = arith.index_cast %scan3A_157 : i32 to index
        %get3A_498 = arith.constant 0 : index
        %get3A_499 = vector.load %arg6[%get3A_496, %get3A_497, %get3A_498] : memref<1x32x128xf32, #tpu.memory_space<vmem>>, vector<1x1x128xf32>
        %get3A_500 = vector.shape_cast %get3A_499 : vector<1x1x128xf32> to vector<128xf32>
        %broadcast_in_dim3A = vector.shape_cast %get3A_500 : vector<128xf32> to vector<1x128xf32>
        %broadcast_in_dim3A_501 = vector.shape_cast %broadcast_in_dim3A : vector<1x128xf32> to vector<1x128xf32>
        %broadcast_in_dim3A_502 = vector.broadcast %broadcast_in_dim3A_501 : vector<1x128xf32> to vector<16x128xf32>
        %select_n3A = arith.select %eq3A_488, %broadcast_in_dim3A_502, %get3A_495 : vector<16x128xi1>, vector<16x128xf32>
        %swap3A_503 = arith.constant 0 : index
        %swap3A_504 = arith.index_cast %sub3A_489 : i32 to index
        %swap3A_505 = arith.constant 0 : index
        %swap3A_506 = arith.constant 0 : index
        %swap3A_507 = vector.load %arg7[%swap3A_503, %swap3A_504, %swap3A_505, %swap3A_506] : memref<1x256x16x128xf32, #tpu.memory_space<vmem>>, vector<1x1x16x128xf32>
        %swap3A_508 = vector.shape_cast %swap3A_507 : vector<1x1x16x128xf32> to vector<16x128xf32>
        %swap3A_509 = vector.shape_cast %select_n3A : vector<16x128xf32> to vector<1x1x16x128xf32>
        tpu.vector_store %arg7[%swap3A_503, %swap3A_504, %swap3A_505, %swap3A_506], %swap3A_509 {strides = array<i32>} : memref<1x256x16x128xf32, #tpu.memory_space<vmem>>, vector<1x1x16x128xf32>,
      } else {
      }
      %scan3A_172 = arith.constant 11 : i32
      %get3A_173 = arith.index_cast %scan3A_172 : i32 to index
      %get3A_174 = memref.load %arg2[%get3A_173] : memref<32xi32, #tpu.memory_space<smem>>
      %sub3A_175 = arith.constant 1 : i32
      %sub3A_176 = arith.subi %get3A_174, %sub3A_175 : i32
      %get3A_177 = arith.index_cast %scan3A_172 : i32 to index
      %get3A_178 = memref.load %arg3[%get3A_177] : memref<32xi32, #tpu.memory_space<smem>>
      %ge3A_179 = arith.cmpi sge, %sub3A_176, %mul3A_0 : i32
      %add3A_180 = arith.constant 256 : i32
      %add3A_181 = arith.addi %mul3A_0, %add3A_180 : i32
      %lt3A_182 = arith.cmpi slt, %sub3A_176, %add3A_181 : i32
      %and3A_183 = arith.andi %ge3A_179, %lt3A_182 : i1
      %convert_element_type3A_184 = arith.extui %and3A_183 : i1 to i32
      %cond3A_185 = arith.constant 0 : i32
      %cond3A_186 = arith.cmpi ne, %convert_element_type3A_184, %cond3A_185 : i32
      scf.if %cond3A_186 {
        %eq3A = vector.broadcast %get3A_178 : i32 to vector<16x128xi32>
        %eq3A_488 = arith.cmpi eq, %iota3A, %eq3A : vector<16x128xi32>
        %sub3A_489 = arith.subi %sub3A_176, %mul3A_0 : i32
        %get3A_490 = arith.constant 0 : index
        %get3A_491 = arith.index_cast %sub3A_489 : i32 to index
        %get3A_492 = arith.constant 0 : index
        %get3A_493 = arith.constant 0 : index
        %get3A_494 = vector.load %arg7[%get3A_490, %get3A_491, %get3A_492, %get3A_493] : memref<1x256x16x128xf32, #tpu.memory_space<vmem>>, vector<1x1x16x128xf32>
        %get3A_495 = vector.shape_cast %get3A_494 : vector<1x1x16x128xf32> to vector<16x128xf32>
        %get3A_496 = arith.constant 0 : index
        %get3A_497 = arith.index_cast %scan3A_172 : i32 to index
        %get3A_498 = arith.constant 0 : index
        %get3A_499 = vector.load %arg6[%get3A_496, %get3A_497, %get3A_498] : memref<1x32x128xf32, #tpu.memory_space<vmem>>, vector<1x1x128xf32>
        %get3A_500 = vector.shape_cast %get3A_499 : vector<1x1x128xf32> to vector<128xf32>
        %broadcast_in_dim3A = vector.shape_cast %get3A_500 : vector<128xf32> to vector<1x128xf32>
        %broadcast_in_dim3A_501 = vector.shape_cast %broadcast_in_dim3A : vector<1x128xf32> to vector<1x128xf32>
        %broadcast_in_dim3A_502 = vector.broadcast %broadcast_in_dim3A_501 : vector<1x128xf32> to vector<16x128xf32>
        %select_n3A = arith.select %eq3A_488, %broadcast_in_dim3A_502, %get3A_495 : vector<16x128xi1>, vector<16x128xf32>
        %swap3A_503 = arith.constant 0 : index
        %swap3A_504 = arith.index_cast %sub3A_489 : i32 to index
        %swap3A_505 = arith.constant 0 : index
        %swap3A_506 = arith.constant 0 : index
        %swap3A_507 = vector.load %arg7[%swap3A_503, %swap3A_504, %swap3A_505, %swap3A_506] : memref<1x256x16x128xf32, #tpu.memory_space<vmem>>, vector<1x1x16x128xf32>
        %swap3A_508 = vector.shape_cast %swap3A_507 : vector<1x1x16x128xf32> to vector<16x128xf32>
        %swap3A_509 = vector.shape_cast %select_n3A : vector<16x128xf32> to vector<1x1x16x128xf32>
        tpu.vector_store %arg7[%swap3A_503, %swap3A_504, %swap3A_505, %swap3A_506], %swap3A_509 {strides = array<i32>} : memref<1x256x16x128xf32, #tpu.memory_space<vmem>>, vector<1x1x16x128xf32>,
      } else {
      }
      %scan3A_187 = arith.constant 12 : i32
      %get3A_188 = arith.index_cast %scan3A_187 : i32 to index
      %get3A_189 = memref.load %arg2[%get3A_188] : memref<32xi32, #tpu.memory_space<smem>>
      %sub3A_190 = arith.constant 1 : i32
      %sub3A_191 = arith.subi %get3A_189, %sub3A_190 : i32
      %get3A_192 = arith.index_cast %scan3A_187 : i32 to index
      %get3A_193 = memref.load %arg3[%get3A_192] : memref<32xi32, #tpu.memory_space<smem>>
      %ge3A_194 = arith.cmpi sge, %sub3A_191, %mul3A_0 : i32
      %add3A_195 = arith.constant 256 : i32
      %add3A_196 = arith.addi %mul3A_0, %add3A_195 : i32
      %lt3A_197 = arith.cmpi slt, %sub3A_191, %add3A_196 : i32
      %and3A_198 = arith.andi %ge3A_194, %lt3A_197 : i1
      %convert_element_type3A_199 = arith.extui %and3A_198 : i1 to i32
      %cond3A_200 = arith.constant 0 : i32
      %cond3A_201 = arith.cmpi ne, %convert_element_type3A_199, %cond3A_200 : i32
      scf.if %cond3A_201 {
        %eq3A = vector.broadcast %get3A_193 : i32 to vector<16x128xi32>
        %eq3A_488 = arith.cmpi eq, %iota3A, %eq3A : vector<16x128xi32>
        %sub3A_489 = arith.subi %sub3A_191, %mul3A_0 : i32
        %get3A_490 = arith.constant 0 : index
        %get3A_491 = arith.index_cast %sub3A_489 : i32 to index
        %get3A_492 = arith.constant 0 : index
        %get3A_493 = arith.constant 0 : index
        %get3A_494 = vector.load %arg7[%get3A_490, %get3A_491, %get3A_492, %get3A_493] : memref<1x256x16x128xf32, #tpu.memory_space<vmem>>, vector<1x1x16x128xf32>
        %get3A_495 = vector.shape_cast %get3A_494 : vector<1x1x16x128xf32> to vector<16x128xf32>
        %get3A_496 = arith.constant 0 : index
        %get3A_497 = arith.index_cast %scan3A_187 : i32 to index
        %get3A_498 = arith.constant 0 : index
        %get3A_499 = vector.load %arg6[%get3A_496, %get3A_497, %get3A_498] : memref<1x32x128xf32, #tpu.memory_space<vmem>>, vector<1x1x128xf32>
        %get3A_500 = vector.shape_cast %get3A_499 : vector<1x1x128xf32> to vector<128xf32>
        %broadcast_in_dim3A = vector.shape_cast %get3A_500 : vector<128xf32> to vector<1x128xf32>
        %broadcast_in_dim3A_501 = vector.shape_cast %broadcast_in_dim3A : vector<1x128xf32> to vector<1x128xf32>
        %broadcast_in_dim3A_502 = vector.broadcast %broadcast_in_dim3A_501 : vector<1x128xf32> to vector<16x128xf32>
        %select_n3A = arith.select %eq3A_488, %broadcast_in_dim3A_502, %get3A_495 : vector<16x128xi1>, vector<16x128xf32>
        %swap3A_503 = arith.constant 0 : index
        %swap3A_504 = arith.index_cast %sub3A_489 : i32 to index
        %swap3A_505 = arith.constant 0 : index
        %swap3A_506 = arith.constant 0 : index
        %swap3A_507 = vector.load %arg7[%swap3A_503, %swap3A_504, %swap3A_505, %swap3A_506] : memref<1x256x16x128xf32, #tpu.memory_space<vmem>>, vector<1x1x16x128xf32>
        %swap3A_508 = vector.shape_cast %swap3A_507 : vector<1x1x16x128xf32> to vector<16x128xf32>
        %swap3A_509 = vector.shape_cast %select_n3A : vector<16x128xf32> to vector<1x1x16x128xf32>
        tpu.vector_store %arg7[%swap3A_503, %swap3A_504, %swap3A_505, %swap3A_506], %swap3A_509 {strides = array<i32>} : memref<1x256x16x128xf32, #tpu.memory_space<vmem>>, vector<1x1x16x128xf32>,
      } else {
      }
      %scan3A_202 = arith.constant 13 : i32
      %get3A_203 = arith.index_cast %scan3A_202 : i32 to index
      %get3A_204 = memref.load %arg2[%get3A_203] : memref<32xi32, #tpu.memory_space<smem>>
      %sub3A_205 = arith.constant 1 : i32
      %sub3A_206 = arith.subi %get3A_204, %sub3A_205 : i32
      %get3A_207 = arith.index_cast %scan3A_202 : i32 to index
      %get3A_208 = memref.load %arg3[%get3A_207] : memref<32xi32, #tpu.memory_space<smem>>
      %ge3A_209 = arith.cmpi sge, %sub3A_206, %mul3A_0 : i32
      %add3A_210 = arith.constant 256 : i32
      %add3A_211 = arith.addi %mul3A_0, %add3A_210 : i32
      %lt3A_212 = arith.cmpi slt, %sub3A_206, %add3A_211 : i32
      %and3A_213 = arith.andi %ge3A_209, %lt3A_212 : i1
      %convert_element_type3A_214 = arith.extui %and3A_213 : i1 to i32
      %cond3A_215 = arith.constant 0 : i32
      %cond3A_216 = arith.cmpi ne, %convert_element_type3A_214, %cond3A_215 : i32
      scf.if %cond3A_216 {
        %eq3A = vector.broadcast %get3A_208 : i32 to vector<16x128xi32>
        %eq3A_488 = arith.cmpi eq, %iota3A, %eq3A : vector<16x128xi32>
        %sub3A_489 = arith.subi %sub3A_206, %mul3A_0 : i32
        %get3A_490 = arith.constant 0 : index
        %get3A_491 = arith.index_cast %sub3A_489 : i32 to index
        %get3A_492 = arith.constant 0 : index
        %get3A_493 = arith.constant 0 : index
        %get3A_494 = vector.load %arg7[%get3A_490, %get3A_491, %get3A_492, %get3A_493] : memref<1x256x16x128xf32, #tpu.memory_space<vmem>>, vector<1x1x16x128xf32>
        %get3A_495 = vector.shape_cast %get3A_494 : vector<1x1x16x128xf32> to vector<16x128xf32>
        %get3A_496 = arith.constant 0 : index
        %get3A_497 = arith.index_cast %scan3A_202 : i32 to index
        %get3A_498 = arith.constant 0 : index
        %get3A_499 = vector.load %arg6[%get3A_496, %get3A_497, %get3A_498] : memref<1x32x128xf32, #tpu.memory_space<vmem>>, vector<1x1x128xf32>
        %get3A_500 = vector.shape_cast %get3A_499 : vector<1x1x128xf32> to vector<128xf32>
        %broadcast_in_dim3A = vector.shape_cast %get3A_500 : vector<128xf32> to vector<1x128xf32>
        %broadcast_in_dim3A_501 = vector.shape_cast %broadcast_in_dim3A : vector<1x128xf32> to vector<1x128xf32>
        %broadcast_in_dim3A_502 = vector.broadcast %broadcast_in_dim3A_501 : vector<1x128xf32> to vector<16x128xf32>
        %select_n3A = arith.select %eq3A_488, %broadcast_in_dim3A_502, %get3A_495 : vector<16x128xi1>, vector<16x128xf32>
        %swap3A_503 = arith.constant 0 : index
        %swap3A_504 = arith.index_cast %sub3A_489 : i32 to index
        %swap3A_505 = arith.constant 0 : index
        %swap3A_506 = arith.constant 0 : index
        %swap3A_507 = vector.load %arg7[%swap3A_503, %swap3A_504, %swap3A_505, %swap3A_506] : memref<1x256x16x128xf32, #tpu.memory_space<vmem>>, vector<1x1x16x128xf32>
        %swap3A_508 = vector.shape_cast %swap3A_507 : vector<1x1x16x128xf32> to vector<16x128xf32>
        %swap3A_509 = vector.shape_cast %select_n3A : vector<16x128xf32> to vector<1x1x16x128xf32>
        tpu.vector_store %arg7[%swap3A_503, %swap3A_504, %swap3A_505, %swap3A_506], %swap3A_509 {strides = array<i32>} : memref<1x256x16x128xf32, #tpu.memory_space<vmem>>, vector<1x1x16x128xf32>,
      } else {
      }
      %scan3A_217 = arith.constant 14 : i32
      %get3A_218 = arith.index_cast %scan3A_217 : i32 to index
      %get3A_219 = memref.load %arg2[%get3A_218] : memref<32xi32, #tpu.memory_space<smem>>
      %sub3A_220 = arith.constant 1 : i32
      %sub3A_221 = arith.subi %get3A_219, %sub3A_220 : i32
      %get3A_222 = arith.index_cast %scan3A_217 : i32 to index
      %get3A_223 = memref.load %arg3[%get3A_222] : memref<32xi32, #tpu.memory_space<smem>>
      %ge3A_224 = arith.cmpi sge, %sub3A_221, %mul3A_0 : i32
      %add3A_225 = arith.constant 256 : i32
      %add3A_226 = arith.addi %mul3A_0, %add3A_225 : i32
      %lt3A_227 = arith.cmpi slt, %sub3A_221, %add3A_226 : i32
      %and3A_228 = arith.andi %ge3A_224, %lt3A_227 : i1
      %convert_element_type3A_229 = arith.extui %and3A_228 : i1 to i32
      %cond3A_230 = arith.constant 0 : i32
      %cond3A_231 = arith.cmpi ne, %convert_element_type3A_229, %cond3A_230 : i32
      scf.if %cond3A_231 {
        %eq3A = vector.broadcast %get3A_223 : i32 to vector<16x128xi32>
        %eq3A_488 = arith.cmpi eq, %iota3A, %eq3A : vector<16x128xi32>
        %sub3A_489 = arith.subi %sub3A_221, %mul3A_0 : i32
        %get3A_490 = arith.constant 0 : index
        %get3A_491 = arith.index_cast %sub3A_489 : i32 to index
        %get3A_492 = arith.constant 0 : index
        %get3A_493 = arith.constant 0 : index
        %get3A_494 = vector.load %arg7[%get3A_490, %get3A_491, %get3A_492, %get3A_493] : memref<1x256x16x128xf32, #tpu.memory_space<vmem>>, vector<1x1x16x128xf32>
        %get3A_495 = vector.shape_cast %get3A_494 : vector<1x1x16x128xf32> to vector<16x128xf32>
        %get3A_496 = arith.constant 0 : index
        %get3A_497 = arith.index_cast %scan3A_217 : i32 to index
        %get3A_498 = arith.constant 0 : index
        %get3A_499 = vector.load %arg6[%get3A_496, %get3A_497, %get3A_498] : memref<1x32x128xf32, #tpu.memory_space<vmem>>, vector<1x1x128xf32>
        %get3A_500 = vector.shape_cast %get3A_499 : vector<1x1x128xf32> to vector<128xf32>
        %broadcast_in_dim3A = vector.shape_cast %get3A_500 : vector<128xf32> to vector<1x128xf32>
        %broadcast_in_dim3A_501 = vector.shape_cast %broadcast_in_dim3A : vector<1x128xf32> to vector<1x128xf32>
        %broadcast_in_dim3A_502 = vector.broadcast %broadcast_in_dim3A_501 : vector<1x128xf32> to vector<16x128xf32>
        %select_n3A = arith.select %eq3A_488, %broadcast_in_dim3A_502, %get3A_495 : vector<16x128xi1>, vector<16x128xf32>
        %swap3A_503 = arith.constant 0 : index
        %swap3A_504 = arith.index_cast %sub3A_489 : i32 to index
        %swap3A_505 = arith.constant 0 : index
        %swap3A_506 = arith.constant 0 : index
        %swap3A_507 = vector.load %arg7[%swap3A_503, %swap3A_504, %swap3A_505, %swap3A_506] : memref<1x256x16x128xf32, #tpu.memory_space<vmem>>, vector<1x1x16x128xf32>
        %swap3A_508 = vector.shape_cast %swap3A_507 : vector<1x1x16x128xf32> to vector<16x128xf32>
        %swap3A_509 = vector.shape_cast %select_n3A : vector<16x128xf32> to vector<1x1x16x128xf32>
        tpu.vector_store %arg7[%swap3A_503, %swap3A_504, %swap3A_505, %swap3A_506], %swap3A_509 {strides = array<i32>} : memref<1x256x16x128xf32, #tpu.memory_space<vmem>>, vector<1x1x16x128xf32>,
      } else {
      }
      %scan3A_232 = arith.constant 15 : i32
      %get3A_233 = arith.index_cast %scan3A_232 : i32 to index
      %get3A_234 = memref.load %arg2[%get3A_233] : memref<32xi32, #tpu.memory_space<smem>>
      %sub3A_235 = arith.constant 1 : i32
      %sub3A_236 = arith.subi %get3A_234, %sub3A_235 : i32
      %get3A_237 = arith.index_cast %scan3A_232 : i32 to index
      %get3A_238 = memref.load %arg3[%get3A_237] : memref<32xi32, #tpu.memory_space<smem>>
      %ge3A_239 = arith.cmpi sge, %sub3A_236, %mul3A_0 : i32
      %add3A_240 = arith.constant 256 : i32
      %add3A_241 = arith.addi %mul3A_0, %add3A_240 : i32
      %lt3A_242 = arith.cmpi slt, %sub3A_236, %add3A_241 : i32
      %and3A_243 = arith.andi %ge3A_239, %lt3A_242 : i1
      %convert_element_type3A_244 = arith.extui %and3A_243 : i1 to i32
      %cond3A_245 = arith.constant 0 : i32
      %cond3A_246 = arith.cmpi ne, %convert_element_type3A_244, %cond3A_245 : i32
      scf.if %cond3A_246 {
        %eq3A = vector.broadcast %get3A_238 : i32 to vector<16x128xi32>
        %eq3A_488 = arith.cmpi eq, %iota3A, %eq3A : vector<16x128xi32>
        %sub3A_489 = arith.subi %sub3A_236, %mul3A_0 : i32
        %get3A_490 = arith.constant 0 : index
        %get3A_491 = arith.index_cast %sub3A_489 : i32 to index
        %get3A_492 = arith.constant 0 : index
        %get3A_493 = arith.constant 0 : index
        %get3A_494 = vector.load %arg7[%get3A_490, %get3A_491, %get3A_492, %get3A_493] : memref<1x256x16x128xf32, #tpu.memory_space<vmem>>, vector<1x1x16x128xf32>
        %get3A_495 = vector.shape_cast %get3A_494 : vector<1x1x16x128xf32> to vector<16x128xf32>
        %get3A_496 = arith.constant 0 : index
        %get3A_497 = arith.index_cast %scan3A_232 : i32 to index
        %get3A_498 = arith.constant 0 : index
        %get3A_499 = vector.load %arg6[%get3A_496, %get3A_497, %get3A_498] : memref<1x32x128xf32, #tpu.memory_space<vmem>>, vector<1x1x128xf32>
        %get3A_500 = vector.shape_cast %get3A_499 : vector<1x1x128xf32> to vector<128xf32>
        %broadcast_in_dim3A = vector.shape_cast %get3A_500 : vector<128xf32> to vector<1x128xf32>
        %broadcast_in_dim3A_501 = vector.shape_cast %broadcast_in_dim3A : vector<1x128xf32> to vector<1x128xf32>
        %broadcast_in_dim3A_502 = vector.broadcast %broadcast_in_dim3A_501 : vector<1x128xf32> to vector<16x128xf32>
        %select_n3A = arith.select %eq3A_488, %broadcast_in_dim3A_502, %get3A_495 : vector<16x128xi1>, vector<16x128xf32>
        %swap3A_503 = arith.constant 0 : index
        %swap3A_504 = arith.index_cast %sub3A_489 : i32 to index
        %swap3A_505 = arith.constant 0 : index
        %swap3A_506 = arith.constant 0 : index
        %swap3A_507 = vector.load %arg7[%swap3A_503, %swap3A_504, %swap3A_505, %swap3A_506] : memref<1x256x16x128xf32, #tpu.memory_space<vmem>>, vector<1x1x16x128xf32>
        %swap3A_508 = vector.shape_cast %swap3A_507 : vector<1x1x16x128xf32> to vector<16x128xf32>
        %swap3A_509 = vector.shape_cast %select_n3A : vector<16x128xf32> to vector<1x1x16x128xf32>
        tpu.vector_store %arg7[%swap3A_503, %swap3A_504, %swap3A_505, %swap3A_506], %swap3A_509 {strides = array<i32>} : memref<1x256x16x128xf32, #tpu.memory_space<vmem>>, vector<1x1x16x128xf32>,
      } else {
      }
      %scan3A_247 = arith.constant 16 : i32
      %get3A_248 = arith.index_cast %scan3A_247 : i32 to index
      %get3A_249 = memref.load %arg2[%get3A_248] : memref<32xi32, #tpu.memory_space<smem>>
      %sub3A_250 = arith.constant 1 : i32
      %sub3A_251 = arith.subi %get3A_249, %sub3A_250 : i32
      %get3A_252 = arith.index_cast %scan3A_247 : i32 to index
      %get3A_253 = memref.load %arg3[%get3A_252] : memref<32xi32, #tpu.memory_space<smem>>
      %ge3A_254 = arith.cmpi sge, %sub3A_251, %mul3A_0 : i32
      %add3A_255 = arith.constant 256 : i32
      %add3A_256 = arith.addi %mul3A_0, %add3A_255 : i32
      %lt3A_257 = arith.cmpi slt, %sub3A_251, %add3A_256 : i32
      %and3A_258 = arith.andi %ge3A_254, %lt3A_257 : i1
      %convert_element_type3A_259 = arith.extui %and3A_258 : i1 to i32
      %cond3A_260 = arith.constant 0 : i32
      %cond3A_261 = arith.cmpi ne, %convert_element_type3A_259, %cond3A_260 : i32
      scf.if %cond3A_261 {
        %eq3A = vector.broadcast %get3A_253 : i32 to vector<16x128xi32>
        %eq3A_488 = arith.cmpi eq, %iota3A, %eq3A : vector<16x128xi32>
        %sub3A_489 = arith.subi %sub3A_251, %mul3A_0 : i32
        %get3A_490 = arith.constant 0 : index
        %get3A_491 = arith.index_cast %sub3A_489 : i32 to index
        %get3A_492 = arith.constant 0 : index
        %get3A_493 = arith.constant 0 : index
        %get3A_494 = vector.load %arg7[%get3A_490, %get3A_491, %get3A_492, %get3A_493] : memref<1x256x16x128xf32, #tpu.memory_space<vmem>>, vector<1x1x16x128xf32>
        %get3A_495 = vector.shape_cast %get3A_494 : vector<1x1x16x128xf32> to vector<16x128xf32>
        %get3A_496 = arith.constant 0 : index
        %get3A_497 = arith.index_cast %scan3A_247 : i32 to index
        %get3A_498 = arith.constant 0 : index
        %get3A_499 = vector.load %arg6[%get3A_496, %get3A_497, %get3A_498] : memref<1x32x128xf32, #tpu.memory_space<vmem>>, vector<1x1x128xf32>
        %get3A_500 = vector.shape_cast %get3A_499 : vector<1x1x128xf32> to vector<128xf32>
        %broadcast_in_dim3A = vector.shape_cast %get3A_500 : vector<128xf32> to vector<1x128xf32>
        %broadcast_in_dim3A_501 = vector.shape_cast %broadcast_in_dim3A : vector<1x128xf32> to vector<1x128xf32>
        %broadcast_in_dim3A_502 = vector.broadcast %broadcast_in_dim3A_501 : vector<1x128xf32> to vector<16x128xf32>
        %select_n3A = arith.select %eq3A_488, %broadcast_in_dim3A_502, %get3A_495 : vector<16x128xi1>, vector<16x128xf32>
        %swap3A_503 = arith.constant 0 : index
        %swap3A_504 = arith.index_cast %sub3A_489 : i32 to index
        %swap3A_505 = arith.constant 0 : index
        %swap3A_506 = arith.constant 0 : index
        %swap3A_507 = vector.load %arg7[%swap3A_503, %swap3A_504, %swap3A_505, %swap3A_506] : memref<1x256x16x128xf32, #tpu.memory_space<vmem>>, vector<1x1x16x128xf32>
        %swap3A_508 = vector.shape_cast %swap3A_507 : vector<1x1x16x128xf32> to vector<16x128xf32>
        %swap3A_509 = vector.shape_cast %select_n3A : vector<16x128xf32> to vector<1x1x16x128xf32>
        tpu.vector_store %arg7[%swap3A_503, %swap3A_504, %swap3A_505, %swap3A_506], %swap3A_509 {strides = array<i32>} : memref<1x256x16x128xf32, #tpu.memory_space<vmem>>, vector<1x1x16x128xf32>,
      } else {
      }
      %scan3A_262 = arith.constant 17 : i32
      %get3A_263 = arith.index_cast %scan3A_262 : i32 to index
      %get3A_264 = memref.load %arg2[%get3A_263] : memref<32xi32, #tpu.memory_space<smem>>
      %sub3A_265 = arith.constant 1 : i32
      %sub3A_266 = arith.subi %get3A_264, %sub3A_265 : i32
      %get3A_267 = arith.index_cast %scan3A_262 : i32 to index
      %get3A_268 = memref.load %arg3[%get3A_267] : memref<32xi32, #tpu.memory_space<smem>>
      %ge3A_269 = arith.cmpi sge, %sub3A_266, %mul3A_0 : i32
      %add3A_270 = arith.constant 256 : i32
      %add3A_271 = arith.addi %mul3A_0, %add3A_270 : i32
      %lt3A_272 = arith.cmpi slt, %sub3A_266, %add3A_271 : i32
      %and3A_273 = arith.andi %ge3A_269, %lt3A_272 : i1
      %convert_element_type3A_274 = arith.extui %and3A_273 : i1 to i32
      %cond3A_275 = arith.constant 0 : i32
      %cond3A_276 = arith.cmpi ne, %convert_element_type3A_274, %cond3A_275 : i32
      scf.if %cond3A_276 {
        %eq3A = vector.broadcast %get3A_268 : i32 to vector<16x128xi32>
        %eq3A_488 = arith.cmpi eq, %iota3A, %eq3A : vector<16x128xi32>
        %sub3A_489 = arith.subi %sub3A_266, %mul3A_0 : i32
        %get3A_490 = arith.constant 0 : index
        %get3A_491 = arith.index_cast %sub3A_489 : i32 to index
        %get3A_492 = arith.constant 0 : index
        %get3A_493 = arith.constant 0 : index
        %get3A_494 = vector.load %arg7[%get3A_490, %get3A_491, %get3A_492, %get3A_493] : memref<1x256x16x128xf32, #tpu.memory_space<vmem>>, vector<1x1x16x128xf32>
        %get3A_495 = vector.shape_cast %get3A_494 : vector<1x1x16x128xf32> to vector<16x128xf32>
        %get3A_496 = arith.constant 0 : index
        %get3A_497 = arith.index_cast %scan3A_262 : i32 to index
        %get3A_498 = arith.constant 0 : index
        %get3A_499 = vector.load %arg6[%get3A_496, %get3A_497, %get3A_498] : memref<1x32x128xf32, #tpu.memory_space<vmem>>, vector<1x1x128xf32>
        %get3A_500 = vector.shape_cast %get3A_499 : vector<1x1x128xf32> to vector<128xf32>
        %broadcast_in_dim3A = vector.shape_cast %get3A_500 : vector<128xf32> to vector<1x128xf32>
        %broadcast_in_dim3A_501 = vector.shape_cast %broadcast_in_dim3A : vector<1x128xf32> to vector<1x128xf32>
        %broadcast_in_dim3A_502 = vector.broadcast %broadcast_in_dim3A_501 : vector<1x128xf32> to vector<16x128xf32>
        %select_n3A = arith.select %eq3A_488, %broadcast_in_dim3A_502, %get3A_495 : vector<16x128xi1>, vector<16x128xf32>
        %swap3A_503 = arith.constant 0 : index
        %swap3A_504 = arith.index_cast %sub3A_489 : i32 to index
        %swap3A_505 = arith.constant 0 : index
        %swap3A_506 = arith.constant 0 : index
        %swap3A_507 = vector.load %arg7[%swap3A_503, %swap3A_504, %swap3A_505, %swap3A_506] : memref<1x256x16x128xf32, #tpu.memory_space<vmem>>, vector<1x1x16x128xf32>
        %swap3A_508 = vector.shape_cast %swap3A_507 : vector<1x1x16x128xf32> to vector<16x128xf32>
        %swap3A_509 = vector.shape_cast %select_n3A : vector<16x128xf32> to vector<1x1x16x128xf32>
        tpu.vector_store %arg7[%swap3A_503, %swap3A_504, %swap3A_505, %swap3A_506], %swap3A_509 {strides = array<i32>} : memref<1x256x16x128xf32, #tpu.memory_space<vmem>>, vector<1x1x16x128xf32>,
      } else {
      }
      %scan3A_277 = arith.constant 18 : i32
      %get3A_278 = arith.index_cast %scan3A_277 : i32 to index
      %get3A_279 = memref.load %arg2[%get3A_278] : memref<32xi32, #tpu.memory_space<smem>>
      %sub3A_280 = arith.constant 1 : i32
      %sub3A_281 = arith.subi %get3A_279, %sub3A_280 : i32
      %get3A_282 = arith.index_cast %scan3A_277 : i32 to index
      %get3A_283 = memref.load %arg3[%get3A_282] : memref<32xi32, #tpu.memory_space<smem>>
      %ge3A_284 = arith.cmpi sge, %sub3A_281, %mul3A_0 : i32
      %add3A_285 = arith.constant 256 : i32
      %add3A_286 = arith.addi %mul3A_0, %add3A_285 : i32
      %lt3A_287 = arith.cmpi slt, %sub3A_281, %add3A_286 : i32
      %and3A_288 = arith.andi %ge3A_284, %lt3A_287 : i1
      %convert_element_type3A_289 = arith.extui %and3A_288 : i1 to i32
      %cond3A_290 = arith.constant 0 : i32
      %cond3A_291 = arith.cmpi ne, %convert_element_type3A_289, %cond3A_290 : i32
      scf.if %cond3A_291 {
        %eq3A = vector.broadcast %get3A_283 : i32 to vector<16x128xi32>
        %eq3A_488 = arith.cmpi eq, %iota3A, %eq3A : vector<16x128xi32>
        %sub3A_489 = arith.subi %sub3A_281, %mul3A_0 : i32
        %get3A_490 = arith.constant 0 : index
        %get3A_491 = arith.index_cast %sub3A_489 : i32 to index
        %get3A_492 = arith.constant 0 : index
        %get3A_493 = arith.constant 0 : index
        %get3A_494 = vector.load %arg7[%get3A_490, %get3A_491, %get3A_492, %get3A_493] : memref<1x256x16x128xf32, #tpu.memory_space<vmem>>, vector<1x1x16x128xf32>
        %get3A_495 = vector.shape_cast %get3A_494 : vector<1x1x16x128xf32> to vector<16x128xf32>
        %get3A_496 = arith.constant 0 : index
        %get3A_497 = arith.index_cast %scan3A_277 : i32 to index
        %get3A_498 = arith.constant 0 : index
        %get3A_499 = vector.load %arg6[%get3A_496, %get3A_497, %get3A_498] : memref<1x32x128xf32, #tpu.memory_space<vmem>>, vector<1x1x128xf32>
        %get3A_500 = vector.shape_cast %get3A_499 : vector<1x1x128xf32> to vector<128xf32>
        %broadcast_in_dim3A = vector.shape_cast %get3A_500 : vector<128xf32> to vector<1x128xf32>
        %broadcast_in_dim3A_501 = vector.shape_cast %broadcast_in_dim3A : vector<1x128xf32> to vector<1x128xf32>
        %broadcast_in_dim3A_502 = vector.broadcast %broadcast_in_dim3A_501 : vector<1x128xf32> to vector<16x128xf32>
        %select_n3A = arith.select %eq3A_488, %broadcast_in_dim3A_502, %get3A_495 : vector<16x128xi1>, vector<16x128xf32>
        %swap3A_503 = arith.constant 0 : index
        %swap3A_504 = arith.index_cast %sub3A_489 : i32 to index
        %swap3A_505 = arith.constant 0 : index
        %swap3A_506 = arith.constant 0 : index
        %swap3A_507 = vector.load %arg7[%swap3A_503, %swap3A_504, %swap3A_505, %swap3A_506] : memref<1x256x16x128xf32, #tpu.memory_space<vmem>>, vector<1x1x16x128xf32>
        %swap3A_508 = vector.shape_cast %swap3A_507 : vector<1x1x16x128xf32> to vector<16x128xf32>
        %swap3A_509 = vector.shape_cast %select_n3A : vector<16x128xf32> to vector<1x1x16x128xf32>
        tpu.vector_store %arg7[%swap3A_503, %swap3A_504, %swap3A_505, %swap3A_506], %swap3A_509 {strides = array<i32>} : memref<1x256x16x128xf32, #tpu.memory_space<vmem>>, vector<1x1x16x128xf32>,
      } else {
      }
      %scan3A_292 = arith.constant 19 : i32
      %get3A_293 = arith.index_cast %scan3A_292 : i32 to index
      %get3A_294 = memref.load %arg2[%get3A_293] : memref<32xi32, #tpu.memory_space<smem>>
      %sub3A_295 = arith.constant 1 : i32
      %sub3A_296 = arith.subi %get3A_294, %sub3A_295 : i32
      %get3A_297 = arith.index_cast %scan3A_292 : i32 to index
      %get3A_298 = memref.load %arg3[%get3A_297] : memref<32xi32, #tpu.memory_space<smem>>
      %ge3A_299 = arith.cmpi sge, %sub3A_296, %mul3A_0 : i32
      %add3A_300 = arith.constant 256 : i32
      %add3A_301 = arith.addi %mul3A_0, %add3A_300 : i32
      %lt3A_302 = arith.cmpi slt, %sub3A_296, %add3A_301 : i32
      %and3A_303 = arith.andi %ge3A_299, %lt3A_302 : i1
      %convert_element_type3A_304 = arith.extui %and3A_303 : i1 to i32
      %cond3A_305 = arith.constant 0 : i32
      %cond3A_306 = arith.cmpi ne, %convert_element_type3A_304, %cond3A_305 : i32
      scf.if %cond3A_306 {
        %eq3A = vector.broadcast %get3A_298 : i32 to vector<16x128xi32>
        %eq3A_488 = arith.cmpi eq, %iota3A, %eq3A : vector<16x128xi32>
        %sub3A_489 = arith.subi %sub3A_296, %mul3A_0 : i32
        %get3A_490 = arith.constant 0 : index
        %get3A_491 = arith.index_cast %sub3A_489 : i32 to index
        %get3A_492 = arith.constant 0 : index
        %get3A_493 = arith.constant 0 : index
        %get3A_494 = vector.load %arg7[%get3A_490, %get3A_491, %get3A_492, %get3A_493] : memref<1x256x16x128xf32, #tpu.memory_space<vmem>>, vector<1x1x16x128xf32>
        %get3A_495 = vector.shape_cast %get3A_494 : vector<1x1x16x128xf32> to vector<16x128xf32>
        %get3A_496 = arith.constant 0 : index
        %get3A_497 = arith.index_cast %scan3A_292 : i32 to index
        %get3A_498 = arith.constant 0 : index
        %get3A_499 = vector.load %arg6[%get3A_496, %get3A_497, %get3A_498] : memref<1x32x128xf32, #tpu.memory_space<vmem>>, vector<1x1x128xf32>
        %get3A_500 = vector.shape_cast %get3A_499 : vector<1x1x128xf32> to vector<128xf32>
        %broadcast_in_dim3A = vector.shape_cast %get3A_500 : vector<128xf32> to vector<1x128xf32>
        %broadcast_in_dim3A_501 = vector.shape_cast %broadcast_in_dim3A : vector<1x128xf32> to vector<1x128xf32>
        %broadcast_in_dim3A_502 = vector.broadcast %broadcast_in_dim3A_501 : vector<1x128xf32> to vector<16x128xf32>
        %select_n3A = arith.select %eq3A_488, %broadcast_in_dim3A_502, %get3A_495 : vector<16x128xi1>, vector<16x128xf32>
        %swap3A_503 = arith.constant 0 : index
        %swap3A_504 = arith.index_cast %sub3A_489 : i32 to index
        %swap3A_505 = arith.constant 0 : index
        %swap3A_506 = arith.constant 0 : index
        %swap3A_507 = vector.load %arg7[%swap3A_503, %swap3A_504, %swap3A_505, %swap3A_506] : memref<1x256x16x128xf32, #tpu.memory_space<vmem>>, vector<1x1x16x128xf32>
        %swap3A_508 = vector.shape_cast %swap3A_507 : vector<1x1x16x128xf32> to vector<16x128xf32>
        %swap3A_509 = vector.shape_cast %select_n3A : vector<16x128xf32> to vector<1x1x16x128xf32>
        tpu.vector_store %arg7[%swap3A_503, %swap3A_504, %swap3A_505, %swap3A_506], %swap3A_509 {strides = array<i32>} : memref<1x256x16x128xf32, #tpu.memory_space<vmem>>, vector<1x1x16x128xf32>,
      } else {
      }
      %scan3A_307 = arith.constant 20 : i32
      %get3A_308 = arith.index_cast %scan3A_307 : i32 to index
      %get3A_309 = memref.load %arg2[%get3A_308] : memref<32xi32, #tpu.memory_space<smem>>
      %sub3A_310 = arith.constant 1 : i32
      %sub3A_311 = arith.subi %get3A_309, %sub3A_310 : i32
      %get3A_312 = arith.index_cast %scan3A_307 : i32 to index
      %get3A_313 = memref.load %arg3[%get3A_312] : memref<32xi32, #tpu.memory_space<smem>>
      %ge3A_314 = arith.cmpi sge, %sub3A_311, %mul3A_0 : i32
      %add3A_315 = arith.constant 256 : i32
      %add3A_316 = arith.addi %mul3A_0, %add3A_315 : i32
      %lt3A_317 = arith.cmpi slt, %sub3A_311, %add3A_316 : i32
      %and3A_318 = arith.andi %ge3A_314, %lt3A_317 : i1
      %convert_element_type3A_319 = arith.extui %and3A_318 : i1 to i32
      %cond3A_320 = arith.constant 0 : i32
      %cond3A_321 = arith.cmpi ne, %convert_element_type3A_319, %cond3A_320 : i32
      scf.if %cond3A_321 {
        %eq3A = vector.broadcast %get3A_313 : i32 to vector<16x128xi32>
        %eq3A_488 = arith.cmpi eq, %iota3A, %eq3A : vector<16x128xi32>
        %sub3A_489 = arith.subi %sub3A_311, %mul3A_0 : i32
        %get3A_490 = arith.constant 0 : index
        %get3A_491 = arith.index_cast %sub3A_489 : i32 to index
        %get3A_492 = arith.constant 0 : index
        %get3A_493 = arith.constant 0 : index
        %get3A_494 = vector.load %arg7[%get3A_490, %get3A_491, %get3A_492, %get3A_493] : memref<1x256x16x128xf32, #tpu.memory_space<vmem>>, vector<1x1x16x128xf32>
        %get3A_495 = vector.shape_cast %get3A_494 : vector<1x1x16x128xf32> to vector<16x128xf32>
        %get3A_496 = arith.constant 0 : index
        %get3A_497 = arith.index_cast %scan3A_307 : i32 to index
        %get3A_498 = arith.constant 0 : index
        %get3A_499 = vector.load %arg6[%get3A_496, %get3A_497, %get3A_498] : memref<1x32x128xf32, #tpu.memory_space<vmem>>, vector<1x1x128xf32>
        %get3A_500 = vector.shape_cast %get3A_499 : vector<1x1x128xf32> to vector<128xf32>
        %broadcast_in_dim3A = vector.shape_cast %get3A_500 : vector<128xf32> to vector<1x128xf32>
        %broadcast_in_dim3A_501 = vector.shape_cast %broadcast_in_dim3A : vector<1x128xf32> to vector<1x128xf32>
        %broadcast_in_dim3A_502 = vector.broadcast %broadcast_in_dim3A_501 : vector<1x128xf32> to vector<16x128xf32>
        %select_n3A = arith.select %eq3A_488, %broadcast_in_dim3A_502, %get3A_495 : vector<16x128xi1>, vector<16x128xf32>
        %swap3A_503 = arith.constant 0 : index
        %swap3A_504 = arith.index_cast %sub3A_489 : i32 to index
        %swap3A_505 = arith.constant 0 : index
        %swap3A_506 = arith.constant 0 : index
        %swap3A_507 = vector.load %arg7[%swap3A_503, %swap3A_504, %swap3A_505, %swap3A_506] : memref<1x256x16x128xf32, #tpu.memory_space<vmem>>, vector<1x1x16x128xf32>
        %swap3A_508 = vector.shape_cast %swap3A_507 : vector<1x1x16x128xf32> to vector<16x128xf32>
        %swap3A_509 = vector.shape_cast %select_n3A : vector<16x128xf32> to vector<1x1x16x128xf32>
        tpu.vector_store %arg7[%swap3A_503, %swap3A_504, %swap3A_505, %swap3A_506], %swap3A_509 {strides = array<i32>} : memref<1x256x16x128xf32, #tpu.memory_space<vmem>>, vector<1x1x16x128xf32>,
      } else {
      }
      %scan3A_322 = arith.constant 21 : i32
      %get3A_323 = arith.index_cast %scan3A_322 : i32 to index
      %get3A_324 = memref.load %arg2[%get3A_323] : memref<32xi32, #tpu.memory_space<smem>>
      %sub3A_325 = arith.constant 1 : i32
      %sub3A_326 = arith.subi %get3A_324, %sub3A_325 : i32
      %get3A_327 = arith.index_cast %scan3A_322 : i32 to index
      %get3A_328 = memref.load %arg3[%get3A_327] : memref<32xi32, #tpu.memory_space<smem>>
      %ge3A_329 = arith.cmpi sge, %sub3A_326, %mul3A_0 : i32
      %add3A_330 = arith.constant 256 : i32
      %add3A_331 = arith.addi %mul3A_0, %add3A_330 : i32
      %lt3A_332 = arith.cmpi slt, %sub3A_326, %add3A_331 : i32
      %and3A_333 = arith.andi %ge3A_329, %lt3A_332 : i1
      %convert_element_type3A_334 = arith.extui %and3A_333 : i1 to i32
      %cond3A_335 = arith.constant 0 : i32
      %cond3A_336 = arith.cmpi ne, %convert_element_type3A_334, %cond3A_335 : i32
      scf.if %cond3A_336 {
        %eq3A = vector.broadcast %get3A_328 : i32 to vector<16x128xi32>
        %eq3A_488 = arith.cmpi eq, %iota3A, %eq3A : vector<16x128xi32>
        %sub3A_489 = arith.subi %sub3A_326, %mul3A_0 : i32
        %get3A_490 = arith.constant 0 : index
        %get3A_491 = arith.index_cast %sub3A_489 : i32 to index
        %get3A_492 = arith.constant 0 : index
        %get3A_493 = arith.constant 0 : index
        %get3A_494 = vector.load %arg7[%get3A_490, %get3A_491, %get3A_492, %get3A_493] : memref<1x256x16x128xf32, #tpu.memory_space<vmem>>, vector<1x1x16x128xf32>
        %get3A_495 = vector.shape_cast %get3A_494 : vector<1x1x16x128xf32> to vector<16x128xf32>
        %get3A_496 = arith.constant 0 : index
        %get3A_497 = arith.index_cast %scan3A_322 : i32 to index
        %get3A_498 = arith.constant 0 : index
        %get3A_499 = vector.load %arg6[%get3A_496, %get3A_497, %get3A_498] : memref<1x32x128xf32, #tpu.memory_space<vmem>>, vector<1x1x128xf32>
        %get3A_500 = vector.shape_cast %get3A_499 : vector<1x1x128xf32> to vector<128xf32>
        %broadcast_in_dim3A = vector.shape_cast %get3A_500 : vector<128xf32> to vector<1x128xf32>
        %broadcast_in_dim3A_501 = vector.shape_cast %broadcast_in_dim3A : vector<1x128xf32> to vector<1x128xf32>
        %broadcast_in_dim3A_502 = vector.broadcast %broadcast_in_dim3A_501 : vector<1x128xf32> to vector<16x128xf32>
        %select_n3A = arith.select %eq3A_488, %broadcast_in_dim3A_502, %get3A_495 : vector<16x128xi1>, vector<16x128xf32>
        %swap3A_503 = arith.constant 0 : index
        %swap3A_504 = arith.index_cast %sub3A_489 : i32 to index
        %swap3A_505 = arith.constant 0 : index
        %swap3A_506 = arith.constant 0 : index
        %swap3A_507 = vector.load %arg7[%swap3A_503, %swap3A_504, %swap3A_505, %swap3A_506] : memref<1x256x16x128xf32, #tpu.memory_space<vmem>>, vector<1x1x16x128xf32>
        %swap3A_508 = vector.shape_cast %swap3A_507 : vector<1x1x16x128xf32> to vector<16x128xf32>
        %swap3A_509 = vector.shape_cast %select_n3A : vector<16x128xf32> to vector<1x1x16x128xf32>
        tpu.vector_store %arg7[%swap3A_503, %swap3A_504, %swap3A_505, %swap3A_506], %swap3A_509 {strides = array<i32>} : memref<1x256x16x128xf32, #tpu.memory_space<vmem>>, vector<1x1x16x128xf32>,
      } else {
      }
      %scan3A_337 = arith.constant 22 : i32
      %get3A_338 = arith.index_cast %scan3A_337 : i32 to index
      %get3A_339 = memref.load %arg2[%get3A_338] : memref<32xi32, #tpu.memory_space<smem>>
      %sub3A_340 = arith.constant 1 : i32
      %sub3A_341 = arith.subi %get3A_339, %sub3A_340 : i32
      %get3A_342 = arith.index_cast %scan3A_337 : i32 to index
      %get3A_343 = memref.load %arg3[%get3A_342] : memref<32xi32, #tpu.memory_space<smem>>
      %ge3A_344 = arith.cmpi sge, %sub3A_341, %mul3A_0 : i32
      %add3A_345 = arith.constant 256 : i32
      %add3A_346 = arith.addi %mul3A_0, %add3A_345 : i32
      %lt3A_347 = arith.cmpi slt, %sub3A_341, %add3A_346 : i32
      %and3A_348 = arith.andi %ge3A_344, %lt3A_347 : i1
      %convert_element_type3A_349 = arith.extui %and3A_348 : i1 to i32
      %cond3A_350 = arith.constant 0 : i32
      %cond3A_351 = arith.cmpi ne, %convert_element_type3A_349, %cond3A_350 : i32
      scf.if %cond3A_351 {
        %eq3A = vector.broadcast %get3A_343 : i32 to vector<16x128xi32>
        %eq3A_488 = arith.cmpi eq, %iota3A, %eq3A : vector<16x128xi32>
        %sub3A_489 = arith.subi %sub3A_341, %mul3A_0 : i32
        %get3A_490 = arith.constant 0 : index
        %get3A_491 = arith.index_cast %sub3A_489 : i32 to index
        %get3A_492 = arith.constant 0 : index
        %get3A_493 = arith.constant 0 : index
        %get3A_494 = vector.load %arg7[%get3A_490, %get3A_491, %get3A_492, %get3A_493] : memref<1x256x16x128xf32, #tpu.memory_space<vmem>>, vector<1x1x16x128xf32>
        %get3A_495 = vector.shape_cast %get3A_494 : vector<1x1x16x128xf32> to vector<16x128xf32>
        %get3A_496 = arith.constant 0 : index
        %get3A_497 = arith.index_cast %scan3A_337 : i32 to index
        %get3A_498 = arith.constant 0 : index
        %get3A_499 = vector.load %arg6[%get3A_496, %get3A_497, %get3A_498] : memref<1x32x128xf32, #tpu.memory_space<vmem>>, vector<1x1x128xf32>
        %get3A_500 = vector.shape_cast %get3A_499 : vector<1x1x128xf32> to vector<128xf32>
        %broadcast_in_dim3A = vector.shape_cast %get3A_500 : vector<128xf32> to vector<1x128xf32>
        %broadcast_in_dim3A_501 = vector.shape_cast %broadcast_in_dim3A : vector<1x128xf32> to vector<1x128xf32>
        %broadcast_in_dim3A_502 = vector.broadcast %broadcast_in_dim3A_501 : vector<1x128xf32> to vector<16x128xf32>
        %select_n3A = arith.select %eq3A_488, %broadcast_in_dim3A_502, %get3A_495 : vector<16x128xi1>, vector<16x128xf32>
        %swap3A_503 = arith.constant 0 : index
        %swap3A_504 = arith.index_cast %sub3A_489 : i32 to index
        %swap3A_505 = arith.constant 0 : index
        %swap3A_506 = arith.constant 0 : index
        %swap3A_507 = vector.load %arg7[%swap3A_503, %swap3A_504, %swap3A_505, %swap3A_506] : memref<1x256x16x128xf32, #tpu.memory_space<vmem>>, vector<1x1x16x128xf32>
        %swap3A_508 = vector.shape_cast %swap3A_507 : vector<1x1x16x128xf32> to vector<16x128xf32>
        %swap3A_509 = vector.shape_cast %select_n3A : vector<16x128xf32> to vector<1x1x16x128xf32>
        tpu.vector_store %arg7[%swap3A_503, %swap3A_504, %swap3A_505, %swap3A_506], %swap3A_509 {strides = array<i32>} : memref<1x256x16x128xf32, #tpu.memory_space<vmem>>, vector<1x1x16x128xf32>,
      } else {
      }
      %scan3A_352 = arith.constant 23 : i32
      %get3A_353 = arith.index_cast %scan3A_352 : i32 to index
      %get3A_354 = memref.load %arg2[%get3A_353] : memref<32xi32, #tpu.memory_space<smem>>
      %sub3A_355 = arith.constant 1 : i32
      %sub3A_356 = arith.subi %get3A_354, %sub3A_355 : i32
      %get3A_357 = arith.index_cast %scan3A_352 : i32 to index
      %get3A_358 = memref.load %arg3[%get3A_357] : memref<32xi32, #tpu.memory_space<smem>>
      %ge3A_359 = arith.cmpi sge, %sub3A_356, %mul3A_0 : i32
      %add3A_360 = arith.constant 256 : i32
      %add3A_361 = arith.addi %mul3A_0, %add3A_360 : i32
      %lt3A_362 = arith.cmpi slt, %sub3A_356, %add3A_361 : i32
      %and3A_363 = arith.andi %ge3A_359, %lt3A_362 : i1
      %convert_element_type3A_364 = arith.extui %and3A_363 : i1 to i32
      %cond3A_365 = arith.constant 0 : i32
      %cond3A_366 = arith.cmpi ne, %convert_element_type3A_364, %cond3A_365 : i32
      scf.if %cond3A_366 {
        %eq3A = vector.broadcast %get3A_358 : i32 to vector<16x128xi32>
        %eq3A_488 = arith.cmpi eq, %iota3A, %eq3A : vector<16x128xi32>
        %sub3A_489 = arith.subi %sub3A_356, %mul3A_0 : i32
        %get3A_490 = arith.constant 0 : index
        %get3A_491 = arith.index_cast %sub3A_489 : i32 to index
        %get3A_492 = arith.constant 0 : index
        %get3A_493 = arith.constant 0 : index
        %get3A_494 = vector.load %arg7[%get3A_490, %get3A_491, %get3A_492, %get3A_493] : memref<1x256x16x128xf32, #tpu.memory_space<vmem>>, vector<1x1x16x128xf32>
        %get3A_495 = vector.shape_cast %get3A_494 : vector<1x1x16x128xf32> to vector<16x128xf32>
        %get3A_496 = arith.constant 0 : index
        %get3A_497 = arith.index_cast %scan3A_352 : i32 to index
        %get3A_498 = arith.constant 0 : index
        %get3A_499 = vector.load %arg6[%get3A_496, %get3A_497, %get3A_498] : memref<1x32x128xf32, #tpu.memory_space<vmem>>, vector<1x1x128xf32>
        %get3A_500 = vector.shape_cast %get3A_499 : vector<1x1x128xf32> to vector<128xf32>
        %broadcast_in_dim3A = vector.shape_cast %get3A_500 : vector<128xf32> to vector<1x128xf32>
        %broadcast_in_dim3A_501 = vector.shape_cast %broadcast_in_dim3A : vector<1x128xf32> to vector<1x128xf32>
        %broadcast_in_dim3A_502 = vector.broadcast %broadcast_in_dim3A_501 : vector<1x128xf32> to vector<16x128xf32>
        %select_n3A = arith.select %eq3A_488, %broadcast_in_dim3A_502, %get3A_495 : vector<16x128xi1>, vector<16x128xf32>
        %swap3A_503 = arith.constant 0 : index
        %swap3A_504 = arith.index_cast %sub3A_489 : i32 to index
        %swap3A_505 = arith.constant 0 : index
        %swap3A_506 = arith.constant 0 : index
        %swap3A_507 = vector.load %arg7[%swap3A_503, %swap3A_504, %swap3A_505, %swap3A_506] : memref<1x256x16x128xf32, #tpu.memory_space<vmem>>, vector<1x1x16x128xf32>
        %swap3A_508 = vector.shape_cast %swap3A_507 : vector<1x1x16x128xf32> to vector<16x128xf32>
        %swap3A_509 = vector.shape_cast %select_n3A : vector<16x128xf32> to vector<1x1x16x128xf32>
        tpu.vector_store %arg7[%swap3A_503, %swap3A_504, %swap3A_505, %swap3A_506], %swap3A_509 {strides = array<i32>} : memref<1x256x16x128xf32, #tpu.memory_space<vmem>>, vector<1x1x16x128xf32>,
      } else {
      }
      %scan3A_367 = arith.constant 24 : i32
      %get3A_368 = arith.index_cast %scan3A_367 : i32 to index
      %get3A_369 = memref.load %arg2[%get3A_368] : memref<32xi32, #tpu.memory_space<smem>>
      %sub3A_370 = arith.constant 1 : i32
      %sub3A_371 = arith.subi %get3A_369, %sub3A_370 : i32
      %get3A_372 = arith.index_cast %scan3A_367 : i32 to index
      %get3A_373 = memref.load %arg3[%get3A_372] : memref<32xi32, #tpu.memory_space<smem>>
      %ge3A_374 = arith.cmpi sge, %sub3A_371, %mul3A_0 : i32
      %add3A_375 = arith.constant 256 : i32
      %add3A_376 = arith.addi %mul3A_0, %add3A_375 : i32
      %lt3A_377 = arith.cmpi slt, %sub3A_371, %add3A_376 : i32
      %and3A_378 = arith.andi %ge3A_374, %lt3A_377 : i1
      %convert_element_type3A_379 = arith.extui %and3A_378 : i1 to i32
      %cond3A_380 = arith.constant 0 : i32
      %cond3A_381 = arith.cmpi ne, %convert_element_type3A_379, %cond3A_380 : i32
      scf.if %cond3A_381 {
        %eq3A = vector.broadcast %get3A_373 : i32 to vector<16x128xi32>
        %eq3A_488 = arith.cmpi eq, %iota3A, %eq3A : vector<16x128xi32>
        %sub3A_489 = arith.subi %sub3A_371, %mul3A_0 : i32
        %get3A_490 = arith.constant 0 : index
        %get3A_491 = arith.index_cast %sub3A_489 : i32 to index
        %get3A_492 = arith.constant 0 : index
        %get3A_493 = arith.constant 0 : index
        %get3A_494 = vector.load %arg7[%get3A_490, %get3A_491, %get3A_492, %get3A_493] : memref<1x256x16x128xf32, #tpu.memory_space<vmem>>, vector<1x1x16x128xf32>
        %get3A_495 = vector.shape_cast %get3A_494 : vector<1x1x16x128xf32> to vector<16x128xf32>
        %get3A_496 = arith.constant 0 : index
        %get3A_497 = arith.index_cast %scan3A_367 : i32 to index
        %get3A_498 = arith.constant 0 : index
        %get3A_499 = vector.load %arg6[%get3A_496, %get3A_497, %get3A_498] : memref<1x32x128xf32, #tpu.memory_space<vmem>>, vector<1x1x128xf32>
        %get3A_500 = vector.shape_cast %get3A_499 : vector<1x1x128xf32> to vector<128xf32>
        %broadcast_in_dim3A = vector.shape_cast %get3A_500 : vector<128xf32> to vector<1x128xf32>
        %broadcast_in_dim3A_501 = vector.shape_cast %broadcast_in_dim3A : vector<1x128xf32> to vector<1x128xf32>
        %broadcast_in_dim3A_502 = vector.broadcast %broadcast_in_dim3A_501 : vector<1x128xf32> to vector<16x128xf32>
        %select_n3A = arith.select %eq3A_488, %broadcast_in_dim3A_502, %get3A_495 : vector<16x128xi1>, vector<16x128xf32>
        %swap3A_503 = arith.constant 0 : index
        %swap3A_504 = arith.index_cast %sub3A_489 : i32 to index
        %swap3A_505 = arith.constant 0 : index
        %swap3A_506 = arith.constant 0 : index
        %swap3A_507 = vector.load %arg7[%swap3A_503, %swap3A_504, %swap3A_505, %swap3A_506] : memref<1x256x16x128xf32, #tpu.memory_space<vmem>>, vector<1x1x16x128xf32>
        %swap3A_508 = vector.shape_cast %swap3A_507 : vector<1x1x16x128xf32> to vector<16x128xf32>
        %swap3A_509 = vector.shape_cast %select_n3A : vector<16x128xf32> to vector<1x1x16x128xf32>
        tpu.vector_store %arg7[%swap3A_503, %swap3A_504, %swap3A_505, %swap3A_506], %swap3A_509 {strides = array<i32>} : memref<1x256x16x128xf32, #tpu.memory_space<vmem>>, vector<1x1x16x128xf32>,
      } else {
      }
      %scan3A_382 = arith.constant 25 : i32
      %get3A_383 = arith.index_cast %scan3A_382 : i32 to index
      %get3A_384 = memref.load %arg2[%get3A_383] : memref<32xi32, #tpu.memory_space<smem>>
      %sub3A_385 = arith.constant 1 : i32
      %sub3A_386 = arith.subi %get3A_384, %sub3A_385 : i32
      %get3A_387 = arith.index_cast %scan3A_382 : i32 to index
      %get3A_388 = memref.load %arg3[%get3A_387] : memref<32xi32, #tpu.memory_space<smem>>
      %ge3A_389 = arith.cmpi sge, %sub3A_386, %mul3A_0 : i32
      %add3A_390 = arith.constant 256 : i32
      %add3A_391 = arith.addi %mul3A_0, %add3A_390 : i32
      %lt3A_392 = arith.cmpi slt, %sub3A_386, %add3A_391 : i32
      %and3A_393 = arith.andi %ge3A_389, %lt3A_392 : i1
      %convert_element_type3A_394 = arith.extui %and3A_393 : i1 to i32
      %cond3A_395 = arith.constant 0 : i32
      %cond3A_396 = arith.cmpi ne, %convert_element_type3A_394, %cond3A_395 : i32
      scf.if %cond3A_396 {
        %eq3A = vector.broadcast %get3A_388 : i32 to vector<16x128xi32>
        %eq3A_488 = arith.cmpi eq, %iota3A, %eq3A : vector<16x128xi32>
        %sub3A_489 = arith.subi %sub3A_386, %mul3A_0 : i32
        %get3A_490 = arith.constant 0 : index
        %get3A_491 = arith.index_cast %sub3A_489 : i32 to index
        %get3A_492 = arith.constant 0 : index
        %get3A_493 = arith.constant 0 : index
        %get3A_494 = vector.load %arg7[%get3A_490, %get3A_491, %get3A_492, %get3A_493] : memref<1x256x16x128xf32, #tpu.memory_space<vmem>>, vector<1x1x16x128xf32>
        %get3A_495 = vector.shape_cast %get3A_494 : vector<1x1x16x128xf32> to vector<16x128xf32>
        %get3A_496 = arith.constant 0 : index
        %get3A_497 = arith.index_cast %scan3A_382 : i32 to index
        %get3A_498 = arith.constant 0 : index
        %get3A_499 = vector.load %arg6[%get3A_496, %get3A_497, %get3A_498] : memref<1x32x128xf32, #tpu.memory_space<vmem>>, vector<1x1x128xf32>
        %get3A_500 = vector.shape_cast %get3A_499 : vector<1x1x128xf32> to vector<128xf32>
        %broadcast_in_dim3A = vector.shape_cast %get3A_500 : vector<128xf32> to vector<1x128xf32>
        %broadcast_in_dim3A_501 = vector.shape_cast %broadcast_in_dim3A : vector<1x128xf32> to vector<1x128xf32>
        %broadcast_in_dim3A_502 = vector.broadcast %broadcast_in_dim3A_501 : vector<1x128xf32> to vector<16x128xf32>
        %select_n3A = arith.select %eq3A_488, %broadcast_in_dim3A_502, %get3A_495 : vector<16x128xi1>, vector<16x128xf32>
        %swap3A_503 = arith.constant 0 : index
        %swap3A_504 = arith.index_cast %sub3A_489 : i32 to index
        %swap3A_505 = arith.constant 0 : index
        %swap3A_506 = arith.constant 0 : index
        %swap3A_507 = vector.load %arg7[%swap3A_503, %swap3A_504, %swap3A_505, %swap3A_506] : memref<1x256x16x128xf32, #tpu.memory_space<vmem>>, vector<1x1x16x128xf32>
        %swap3A_508 = vector.shape_cast %swap3A_507 : vector<1x1x16x128xf32> to vector<16x128xf32>
        %swap3A_509 = vector.shape_cast %select_n3A : vector<16x128xf32> to vector<1x1x16x128xf32>
        tpu.vector_store %arg7[%swap3A_503, %swap3A_504, %swap3A_505, %swap3A_506], %swap3A_509 {strides = array<i32>} : memref<1x256x16x128xf32, #tpu.memory_space<vmem>>, vector<1x1x16x128xf32>,
      } else {
      }
      %scan3A_397 = arith.constant 26 : i32
      %get3A_398 = arith.index_cast %scan3A_397 : i32 to index
      %get3A_399 = memref.load %arg2[%get3A_398] : memref<32xi32, #tpu.memory_space<smem>>
      %sub3A_400 = arith.constant 1 : i32
      %sub3A_401 = arith.subi %get3A_399, %sub3A_400 : i32
      %get3A_402 = arith.index_cast %scan3A_397 : i32 to index
      %get3A_403 = memref.load %arg3[%get3A_402] : memref<32xi32, #tpu.memory_space<smem>>
      %ge3A_404 = arith.cmpi sge, %sub3A_401, %mul3A_0 : i32
      %add3A_405 = arith.constant 256 : i32
      %add3A_406 = arith.addi %mul3A_0, %add3A_405 : i32
      %lt3A_407 = arith.cmpi slt, %sub3A_401, %add3A_406 : i32
      %and3A_408 = arith.andi %ge3A_404, %lt3A_407 : i1
      %convert_element_type3A_409 = arith.extui %and3A_408 : i1 to i32
      %cond3A_410 = arith.constant 0 : i32
      %cond3A_411 = arith.cmpi ne, %convert_element_type3A_409, %cond3A_410 : i32
      scf.if %cond3A_411 {
        %eq3A = vector.broadcast %get3A_403 : i32 to vector<16x128xi32>
        %eq3A_488 = arith.cmpi eq, %iota3A, %eq3A : vector<16x128xi32>
        %sub3A_489 = arith.subi %sub3A_401, %mul3A_0 : i32
        %get3A_490 = arith.constant 0 : index
        %get3A_491 = arith.index_cast %sub3A_489 : i32 to index
        %get3A_492 = arith.constant 0 : index
        %get3A_493 = arith.constant 0 : index
        %get3A_494 = vector.load %arg7[%get3A_490, %get3A_491, %get3A_492, %get3A_493] : memref<1x256x16x128xf32, #tpu.memory_space<vmem>>, vector<1x1x16x128xf32>
        %get3A_495 = vector.shape_cast %get3A_494 : vector<1x1x16x128xf32> to vector<16x128xf32>
        %get3A_496 = arith.constant 0 : index
        %get3A_497 = arith.index_cast %scan3A_397 : i32 to index
        %get3A_498 = arith.constant 0 : index
        %get3A_499 = vector.load %arg6[%get3A_496, %get3A_497, %get3A_498] : memref<1x32x128xf32, #tpu.memory_space<vmem>>, vector<1x1x128xf32>
        %get3A_500 = vector.shape_cast %get3A_499 : vector<1x1x128xf32> to vector<128xf32>
        %broadcast_in_dim3A = vector.shape_cast %get3A_500 : vector<128xf32> to vector<1x128xf32>
        %broadcast_in_dim3A_501 = vector.shape_cast %broadcast_in_dim3A : vector<1x128xf32> to vector<1x128xf32>
        %broadcast_in_dim3A_502 = vector.broadcast %broadcast_in_dim3A_501 : vector<1x128xf32> to vector<16x128xf32>
        %select_n3A = arith.select %eq3A_488, %broadcast_in_dim3A_502, %get3A_495 : vector<16x128xi1>, vector<16x128xf32>
        %swap3A_503 = arith.constant 0 : index
        %swap3A_504 = arith.index_cast %sub3A_489 : i32 to index
        %swap3A_505 = arith.constant 0 : index
        %swap3A_506 = arith.constant 0 : index
        %swap3A_507 = vector.load %arg7[%swap3A_503, %swap3A_504, %swap3A_505, %swap3A_506] : memref<1x256x16x128xf32, #tpu.memory_space<vmem>>, vector<1x1x16x128xf32>
        %swap3A_508 = vector.shape_cast %swap3A_507 : vector<1x1x16x128xf32> to vector<16x128xf32>
        %swap3A_509 = vector.shape_cast %select_n3A : vector<16x128xf32> to vector<1x1x16x128xf32>
        tpu.vector_store %arg7[%swap3A_503, %swap3A_504, %swap3A_505, %swap3A_506], %swap3A_509 {strides = array<i32>} : memref<1x256x16x128xf32, #tpu.memory_space<vmem>>, vector<1x1x16x128xf32>,
      } else {
      }
      %scan3A_412 = arith.constant 27 : i32
      %get3A_413 = arith.index_cast %scan3A_412 : i32 to index
      %get3A_414 = memref.load %arg2[%get3A_413] : memref<32xi32, #tpu.memory_space<smem>>
      %sub3A_415 = arith.constant 1 : i32
      %sub3A_416 = arith.subi %get3A_414, %sub3A_415 : i32
      %get3A_417 = arith.index_cast %scan3A_412 : i32 to index
      %get3A_418 = memref.load %arg3[%get3A_417] : memref<32xi32, #tpu.memory_space<smem>>
      %ge3A_419 = arith.cmpi sge, %sub3A_416, %mul3A_0 : i32
      %add3A_420 = arith.constant 256 : i32
      %add3A_421 = arith.addi %mul3A_0, %add3A_420 : i32
      %lt3A_422 = arith.cmpi slt, %sub3A_416, %add3A_421 : i32
      %and3A_423 = arith.andi %ge3A_419, %lt3A_422 : i1
      %convert_element_type3A_424 = arith.extui %and3A_423 : i1 to i32
      %cond3A_425 = arith.constant 0 : i32
      %cond3A_426 = arith.cmpi ne, %convert_element_type3A_424, %cond3A_425 : i32
      scf.if %cond3A_426 {
        %eq3A = vector.broadcast %get3A_418 : i32 to vector<16x128xi32>
        %eq3A_488 = arith.cmpi eq, %iota3A, %eq3A : vector<16x128xi32>
        %sub3A_489 = arith.subi %sub3A_416, %mul3A_0 : i32
        %get3A_490 = arith.constant 0 : index
        %get3A_491 = arith.index_cast %sub3A_489 : i32 to index
        %get3A_492 = arith.constant 0 : index
        %get3A_493 = arith.constant 0 : index
        %get3A_494 = vector.load %arg7[%get3A_490, %get3A_491, %get3A_492, %get3A_493] : memref<1x256x16x128xf32, #tpu.memory_space<vmem>>, vector<1x1x16x128xf32>
        %get3A_495 = vector.shape_cast %get3A_494 : vector<1x1x16x128xf32> to vector<16x128xf32>
        %get3A_496 = arith.constant 0 : index
        %get3A_497 = arith.index_cast %scan3A_412 : i32 to index
        %get3A_498 = arith.constant 0 : index
        %get3A_499 = vector.load %arg6[%get3A_496, %get3A_497, %get3A_498] : memref<1x32x128xf32, #tpu.memory_space<vmem>>, vector<1x1x128xf32>
        %get3A_500 = vector.shape_cast %get3A_499 : vector<1x1x128xf32> to vector<128xf32>
        %broadcast_in_dim3A = vector.shape_cast %get3A_500 : vector<128xf32> to vector<1x128xf32>
        %broadcast_in_dim3A_501 = vector.shape_cast %broadcast_in_dim3A : vector<1x128xf32> to vector<1x128xf32>
        %broadcast_in_dim3A_502 = vector.broadcast %broadcast_in_dim3A_501 : vector<1x128xf32> to vector<16x128xf32>
        %select_n3A = arith.select %eq3A_488, %broadcast_in_dim3A_502, %get3A_495 : vector<16x128xi1>, vector<16x128xf32>
        %swap3A_503 = arith.constant 0 : index
        %swap3A_504 = arith.index_cast %sub3A_489 : i32 to index
        %swap3A_505 = arith.constant 0 : index
        %swap3A_506 = arith.constant 0 : index
        %swap3A_507 = vector.load %arg7[%swap3A_503, %swap3A_504, %swap3A_505, %swap3A_506] : memref<1x256x16x128xf32, #tpu.memory_space<vmem>>, vector<1x1x16x128xf32>
        %swap3A_508 = vector.shape_cast %swap3A_507 : vector<1x1x16x128xf32> to vector<16x128xf32>
        %swap3A_509 = vector.shape_cast %select_n3A : vector<16x128xf32> to vector<1x1x16x128xf32>
        tpu.vector_store %arg7[%swap3A_503, %swap3A_504, %swap3A_505, %swap3A_506], %swap3A_509 {strides = array<i32>} : memref<1x256x16x128xf32, #tpu.memory_space<vmem>>, vector<1x1x16x128xf32>,
      } else {
      }
      %scan3A_427 = arith.constant 28 : i32
      %get3A_428 = arith.index_cast %scan3A_427 : i32 to index
      %get3A_429 = memref.load %arg2[%get3A_428] : memref<32xi32, #tpu.memory_space<smem>>
      %sub3A_430 = arith.constant 1 : i32
      %sub3A_431 = arith.subi %get3A_429, %sub3A_430 : i32
      %get3A_432 = arith.index_cast %scan3A_427 : i32 to index
      %get3A_433 = memref.load %arg3[%get3A_432] : memref<32xi32, #tpu.memory_space<smem>>
      %ge3A_434 = arith.cmpi sge, %sub3A_431, %mul3A_0 : i32
      %add3A_435 = arith.constant 256 : i32
      %add3A_436 = arith.addi %mul3A_0, %add3A_435 : i32
      %lt3A_437 = arith.cmpi slt, %sub3A_431, %add3A_436 : i32
      %and3A_438 = arith.andi %ge3A_434, %lt3A_437 : i1
      %convert_element_type3A_439 = arith.extui %and3A_438 : i1 to i32
      %cond3A_440 = arith.constant 0 : i32
      %cond3A_441 = arith.cmpi ne, %convert_element_type3A_439, %cond3A_440 : i32
      scf.if %cond3A_441 {
        %eq3A = vector.broadcast %get3A_433 : i32 to vector<16x128xi32>
        %eq3A_488 = arith.cmpi eq, %iota3A, %eq3A : vector<16x128xi32>
        %sub3A_489 = arith.subi %sub3A_431, %mul3A_0 : i32
        %get3A_490 = arith.constant 0 : index
        %get3A_491 = arith.index_cast %sub3A_489 : i32 to index
        %get3A_492 = arith.constant 0 : index
        %get3A_493 = arith.constant 0 : index
        %get3A_494 = vector.load %arg7[%get3A_490, %get3A_491, %get3A_492, %get3A_493] : memref<1x256x16x128xf32, #tpu.memory_space<vmem>>, vector<1x1x16x128xf32>
        %get3A_495 = vector.shape_cast %get3A_494 : vector<1x1x16x128xf32> to vector<16x128xf32>
        %get3A_496 = arith.constant 0 : index
        %get3A_497 = arith.index_cast %scan3A_427 : i32 to index
        %get3A_498 = arith.constant 0 : index
        %get3A_499 = vector.load %arg6[%get3A_496, %get3A_497, %get3A_498] : memref<1x32x128xf32, #tpu.memory_space<vmem>>, vector<1x1x128xf32>
        %get3A_500 = vector.shape_cast %get3A_499 : vector<1x1x128xf32> to vector<128xf32>
        %broadcast_in_dim3A = vector.shape_cast %get3A_500 : vector<128xf32> to vector<1x128xf32>
        %broadcast_in_dim3A_501 = vector.shape_cast %broadcast_in_dim3A : vector<1x128xf32> to vector<1x128xf32>
        %broadcast_in_dim3A_502 = vector.broadcast %broadcast_in_dim3A_501 : vector<1x128xf32> to vector<16x128xf32>
        %select_n3A = arith.select %eq3A_488, %broadcast_in_dim3A_502, %get3A_495 : vector<16x128xi1>, vector<16x128xf32>
        %swap3A_503 = arith.constant 0 : index
        %swap3A_504 = arith.index_cast %sub3A_489 : i32 to index
        %swap3A_505 = arith.constant 0 : index
        %swap3A_506 = arith.constant 0 : index
        %swap3A_507 = vector.load %arg7[%swap3A_503, %swap3A_504, %swap3A_505, %swap3A_506] : memref<1x256x16x128xf32, #tpu.memory_space<vmem>>, vector<1x1x16x128xf32>
        %swap3A_508 = vector.shape_cast %swap3A_507 : vector<1x1x16x128xf32> to vector<16x128xf32>
        %swap3A_509 = vector.shape_cast %select_n3A : vector<16x128xf32> to vector<1x1x16x128xf32>
        tpu.vector_store %arg7[%swap3A_503, %swap3A_504, %swap3A_505, %swap3A_506], %swap3A_509 {strides = array<i32>} : memref<1x256x16x128xf32, #tpu.memory_space<vmem>>, vector<1x1x16x128xf32>,
      } else {
      }
      %scan3A_442 = arith.constant 29 : i32
      %get3A_443 = arith.index_cast %scan3A_442 : i32 to index
      %get3A_444 = memref.load %arg2[%get3A_443] : memref<32xi32, #tpu.memory_space<smem>>
      %sub3A_445 = arith.constant 1 : i32
      %sub3A_446 = arith.subi %get3A_444, %sub3A_445 : i32
      %get3A_447 = arith.index_cast %scan3A_442 : i32 to index
      %get3A_448 = memref.load %arg3[%get3A_447] : memref<32xi32, #tpu.memory_space<smem>>
      %ge3A_449 = arith.cmpi sge, %sub3A_446, %mul3A_0 : i32
      %add3A_450 = arith.constant 256 : i32
      %add3A_451 = arith.addi %mul3A_0, %add3A_450 : i32
      %lt3A_452 = arith.cmpi slt, %sub3A_446, %add3A_451 : i32
      %and3A_453 = arith.andi %ge3A_449, %lt3A_452 : i1
      %convert_element_type3A_454 = arith.extui %and3A_453 : i1 to i32
      %cond3A_455 = arith.constant 0 : i32
      %cond3A_456 = arith.cmpi ne, %convert_element_type3A_454, %cond3A_455 : i32
      scf.if %cond3A_456 {
        %eq3A = vector.broadcast %get3A_448 : i32 to vector<16x128xi32>
        %eq3A_488 = arith.cmpi eq, %iota3A, %eq3A : vector<16x128xi32>
        %sub3A_489 = arith.subi %sub3A_446, %mul3A_0 : i32
        %get3A_490 = arith.constant 0 : index
        %get3A_491 = arith.index_cast %sub3A_489 : i32 to index
        %get3A_492 = arith.constant 0 : index
        %get3A_493 = arith.constant 0 : index
        %get3A_494 = vector.load %arg7[%get3A_490, %get3A_491, %get3A_492, %get3A_493] : memref<1x256x16x128xf32, #tpu.memory_space<vmem>>, vector<1x1x16x128xf32>
        %get3A_495 = vector.shape_cast %get3A_494 : vector<1x1x16x128xf32> to vector<16x128xf32>
        %get3A_496 = arith.constant 0 : index
        %get3A_497 = arith.index_cast %scan3A_442 : i32 to index
        %get3A_498 = arith.constant 0 : index
        %get3A_499 = vector.load %arg6[%get3A_496, %get3A_497, %get3A_498] : memref<1x32x128xf32, #tpu.memory_space<vmem>>, vector<1x1x128xf32>
        %get3A_500 = vector.shape_cast %get3A_499 : vector<1x1x128xf32> to vector<128xf32>
        %broadcast_in_dim3A = vector.shape_cast %get3A_500 : vector<128xf32> to vector<1x128xf32>
        %broadcast_in_dim3A_501 = vector.shape_cast %broadcast_in_dim3A : vector<1x128xf32> to vector<1x128xf32>
        %broadcast_in_dim3A_502 = vector.broadcast %broadcast_in_dim3A_501 : vector<1x128xf32> to vector<16x128xf32>
        %select_n3A = arith.select %eq3A_488, %broadcast_in_dim3A_502, %get3A_495 : vector<16x128xi1>, vector<16x128xf32>
        %swap3A_503 = arith.constant 0 : index
        %swap3A_504 = arith.index_cast %sub3A_489 : i32 to index
        %swap3A_505 = arith.constant 0 : index
        %swap3A_506 = arith.constant 0 : index
        %swap3A_507 = vector.load %arg7[%swap3A_503, %swap3A_504, %swap3A_505, %swap3A_506] : memref<1x256x16x128xf32, #tpu.memory_space<vmem>>, vector<1x1x16x128xf32>
        %swap3A_508 = vector.shape_cast %swap3A_507 : vector<1x1x16x128xf32> to vector<16x128xf32>
        %swap3A_509 = vector.shape_cast %select_n3A : vector<16x128xf32> to vector<1x1x16x128xf32>
        tpu.vector_store %arg7[%swap3A_503, %swap3A_504, %swap3A_505, %swap3A_506], %swap3A_509 {strides = array<i32>} : memref<1x256x16x128xf32, #tpu.memory_space<vmem>>, vector<1x1x16x128xf32>,
      } else {
      }
      %scan3A_457 = arith.constant 30 : i32
      %get3A_458 = arith.index_cast %scan3A_457 : i32 to index
      %get3A_459 = memref.load %arg2[%get3A_458] : memref<32xi32, #tpu.memory_space<smem>>
      %sub3A_460 = arith.constant 1 : i32
      %sub3A_461 = arith.subi %get3A_459, %sub3A_460 : i32
      %get3A_462 = arith.index_cast %scan3A_457 : i32 to index
      %get3A_463 = memref.load %arg3[%get3A_462] : memref<32xi32, #tpu.memory_space<smem>>
      %ge3A_464 = arith.cmpi sge, %sub3A_461, %mul3A_0 : i32
      %add3A_465 = arith.constant 256 : i32
      %add3A_466 = arith.addi %mul3A_0, %add3A_465 : i32
      %lt3A_467 = arith.cmpi slt, %sub3A_461, %add3A_466 : i32
      %and3A_468 = arith.andi %ge3A_464, %lt3A_467 : i1
      %convert_element_type3A_469 = arith.extui %and3A_468 : i1 to i32
      %cond3A_470 = arith.constant 0 : i32
      %cond3A_471 = arith.cmpi ne, %convert_element_type3A_469, %cond3A_470 : i32
      scf.if %cond3A_471 {
        %eq3A = vector.broadcast %get3A_463 : i32 to vector<16x128xi32>
        %eq3A_488 = arith.cmpi eq, %iota3A, %eq3A : vector<16x128xi32>
        %sub3A_489 = arith.subi %sub3A_461, %mul3A_0 : i32
        %get3A_490 = arith.constant 0 : index
        %get3A_491 = arith.index_cast %sub3A_489 : i32 to index
        %get3A_492 = arith.constant 0 : index
        %get3A_493 = arith.constant 0 : index
        %get3A_494 = vector.load %arg7[%get3A_490, %get3A_491, %get3A_492, %get3A_493] : memref<1x256x16x128xf32, #tpu.memory_space<vmem>>, vector<1x1x16x128xf32>
        %get3A_495 = vector.shape_cast %get3A_494 : vector<1x1x16x128xf32> to vector<16x128xf32>
        %get3A_496 = arith.constant 0 : index
        %get3A_497 = arith.index_cast %scan3A_457 : i32 to index
        %get3A_498 = arith.constant 0 : index
        %get3A_499 = vector.load %arg6[%get3A_496, %get3A_497, %get3A_498] : memref<1x32x128xf32, #tpu.memory_space<vmem>>, vector<1x1x128xf32>
        %get3A_500 = vector.shape_cast %get3A_499 : vector<1x1x128xf32> to vector<128xf32>
        %broadcast_in_dim3A = vector.shape_cast %get3A_500 : vector<128xf32> to vector<1x128xf32>
        %broadcast_in_dim3A_501 = vector.shape_cast %broadcast_in_dim3A : vector<1x128xf32> to vector<1x128xf32>
        %broadcast_in_dim3A_502 = vector.broadcast %broadcast_in_dim3A_501 : vector<1x128xf32> to vector<16x128xf32>
        %select_n3A = arith.select %eq3A_488, %broadcast_in_dim3A_502, %get3A_495 : vector<16x128xi1>, vector<16x128xf32>
        %swap3A_503 = arith.constant 0 : index
        %swap3A_504 = arith.index_cast %sub3A_489 : i32 to index
        %swap3A_505 = arith.constant 0 : index
        %swap3A_506 = arith.constant 0 : index
        %swap3A_507 = vector.load %arg7[%swap3A_503, %swap3A_504, %swap3A_505, %swap3A_506] : memref<1x256x16x128xf32, #tpu.memory_space<vmem>>, vector<1x1x16x128xf32>
        %swap3A_508 = vector.shape_cast %swap3A_507 : vector<1x1x16x128xf32> to vector<16x128xf32>
        %swap3A_509 = vector.shape_cast %select_n3A : vector<16x128xf32> to vector<1x1x16x128xf32>
        tpu.vector_store %arg7[%swap3A_503, %swap3A_504, %swap3A_505, %swap3A_506], %swap3A_509 {strides = array<i32>} : memref<1x256x16x128xf32, #tpu.memory_space<vmem>>, vector<1x1x16x128xf32>,
      } else {
      }
      %scan3A_472 = arith.constant 31 : i32
      %get3A_473 = arith.index_cast %scan3A_472 : i32 to index
      %get3A_474 = memref.load %arg2[%get3A_473] : memref<32xi32, #tpu.memory_space<smem>>
      %sub3A_475 = arith.constant 1 : i32
      %sub3A_476 = arith.subi %get3A_474, %sub3A_475 : i32
      %get3A_477 = arith.index_cast %scan3A_472 : i32 to index
      %get3A_478 = memref.load %arg3[%get3A_477] : memref<32xi32, #tpu.memory_space<smem>>
      %ge3A_479 = arith.cmpi sge, %sub3A_476, %mul3A_0 : i32
      %add3A_480 = arith.constant 256 : i32
      %add3A_481 = arith.addi %mul3A_0, %add3A_480 : i32
      %lt3A_482 = arith.cmpi slt, %sub3A_476, %add3A_481 : i32
      %and3A_483 = arith.andi %ge3A_479, %lt3A_482 : i1
      %convert_element_type3A_484 = arith.extui %and3A_483 : i1 to i32
      %cond3A_485 = arith.constant 0 : i32
      %cond3A_486 = arith.cmpi ne, %convert_element_type3A_484, %cond3A_485 : i32
      scf.if %cond3A_486 {
        %eq3A = vector.broadcast %get3A_478 : i32 to vector<16x128xi32>
        %eq3A_488 = arith.cmpi eq, %iota3A, %eq3A : vector<16x128xi32>
        %sub3A_489 = arith.subi %sub3A_476, %mul3A_0 : i32
        %get3A_490 = arith.constant 0 : index
        %get3A_491 = arith.index_cast %sub3A_489 : i32 to index
        %get3A_492 = arith.constant 0 : index
        %get3A_493 = arith.constant 0 : index
        %get3A_494 = vector.load %arg7[%get3A_490, %get3A_491, %get3A_492, %get3A_493] : memref<1x256x16x128xf32, #tpu.memory_space<vmem>>, vector<1x1x16x128xf32>
        %get3A_495 = vector.shape_cast %get3A_494 : vector<1x1x16x128xf32> to vector<16x128xf32>
        %get3A_496 = arith.constant 0 : index
        %get3A_497 = arith.index_cast %scan3A_472 : i32 to index
        %get3A_498 = arith.constant 0 : index
        %get3A_499 = vector.load %arg6[%get3A_496, %get3A_497, %get3A_498] : memref<1x32x128xf32, #tpu.memory_space<vmem>>, vector<1x1x128xf32>
        %get3A_500 = vector.shape_cast %get3A_499 : vector<1x1x128xf32> to vector<128xf32>
        %broadcast_in_dim3A = vector.shape_cast %get3A_500 : vector<128xf32> to vector<1x128xf32>
        %broadcast_in_dim3A_501 = vector.shape_cast %broadcast_in_dim3A : vector<1x128xf32> to vector<1x128xf32>
        %broadcast_in_dim3A_502 = vector.broadcast %broadcast_in_dim3A_501 : vector<1x128xf32> to vector<16x128xf32>
        %select_n3A = arith.select %eq3A_488, %broadcast_in_dim3A_502, %get3A_495 : vector<16x128xi1>, vector<16x128xf32>
        %swap3A_503 = arith.constant 0 : index
        %swap3A_504 = arith.index_cast %sub3A_489 : i32 to index
        %swap3A_505 = arith.constant 0 : index
        %swap3A_506 = arith.constant 0 : index
        %swap3A_507 = vector.load %arg7[%swap3A_503, %swap3A_504, %swap3A_505, %swap3A_506] : memref<1x256x16x128xf32, #tpu.memory_space<vmem>>, vector<1x1x16x128xf32>
        %swap3A_508 = vector.shape_cast %swap3A_507 : vector<1x1x16x128xf32> to vector<16x128xf32>
        %swap3A_509 = vector.shape_cast %select_n3A : vector<16x128xf32> to vector<1x1x16x128xf32>
        tpu.vector_store %arg7[%swap3A_503, %swap3A_504, %swap3A_505, %swap3A_506], %swap3A_509 {strides = array<i32>} : memref<1x256x16x128xf32, #tpu.memory_space<vmem>>, vector<1x1x16x128xf32>,
      } else {
      }
      %scan3A_487 = arith.constant 32 : i32
    } else {
    }
    return
  }
  func.func @transform_0(%arg0: i32, %arg1: i32) -> i32 {
    %c0_i32 = arith.constant 0 : i32
    %c0_i32_0 = arith.constant 0 : i32
    return %c0_i32 : i32
  }
  func.func @transform_1(%arg0: i32, %arg1: i32) -> i32 {
    %c0_i32 = arith.constant 0 : i32
    %c0_i32_0 = arith.constant 0 : i32
    return %c0_i32 : i32
  }
  func.func @transform_2(%arg0: i32, %arg1: i32) -> i32 {
    %c0_i32 = arith.constant 0 : i32
    %c0_i32_0 = arith.constant 0 : i32
    return %c0_i32 : i32
  }
  func.func @transform_3(%arg0: i32, %arg1: i32) -> (i32, i32, i32, i32) {
    %c0_i32 = arith.constant 0 : i32
    %c0_i32_0 = arith.constant 0 : i32
    %c0_i32_1 = arith.constant 0 : i32
    return %arg0, %arg1, %c0_i32, %c0_i32_0 : i32, i32, i32, i32
  }
  func.func @transform_4(%arg0: i32, %arg1: i32) -> (i32, i32, i32) {
    %c0_i32 = arith.constant 0 : i32
    %c0_i32_0 = arith.constant 0 : i32
    %c0_i32_1 = arith.constant 0 : i32
    return %arg0, %c0_i32, %c0_i32_0 : i32, i32, i32
  }
  func.func @transform_5(%arg0: i32, %arg1: i32) -> (i32, i32, i32, i32) {
    %c0_i32 = arith.constant 0 : i32
    %c0_i32_0 = arith.constant 0 : i32
    %c0_i32_1 = arith.constant 0 : i32
    return %arg0, %arg1, %c0_i32, %c0_i32_0 : i32, i32, i32, i32
  }
}

</mosaic_0001>

<sc_bundles>
// kernel: kernel.4.cloned.1.call-start
scs
__scs_entry_jumppad:
0x0: {  	(pc) =	sbr.rel $0x88, $3  }
0x1: {  	(tag) =	ssettag $0x0;
	lr =	simm.s32 $0x1  }
0x2: {  	[smem:$0x3F9B] =	sst lr;
	_ =	strace $0xD0000000  }
0x3: {  	_ = 	snop  }
0x4: {  	_ = 	snop  }
0x5: {  	_ = 	snop  }
0x6: {  	_ = 	snop  }
0x7: {  	_ = 	snop  }
__scs_overlays_trampoline_lowered:
0x8: {  	[smem:$0x3FAA] =	sst s0  }
0x9: {  	[smem:$0x3FAB] =	sst s1  }
0xa: {  	[smem:$0x3FAC] =	sst s2  }
0xb: {  	[smem:$0x3FAD] =	sst s3  }
0xc: {  	[smem:$0x3FAE] =	sst s4  }
0xd: {  	[smem:$0x3FAF] =	sst s5  }
0xe: {  	[smem:$0x3FB0] =	sst s6  }
0xf: {  	[smem:$0x3FB1] =	sst s7  }
0x10: {  	[smem:$0x3FB2] =	sst s8  }
0x11: {  	[smem:$0x3FB3] =	sst s9;
	s0 =	simm.s32 @!p0 $0x0  }
0x12: {  	s1 =	sld [smem:$0x3F99];
	s0 =	simm.s32 @p0 $0x1  }
0x13: {  	[smem:$0x3FB4] =	sst s0;
	s0 =	simm.s32 @!p1 $0x0  }
0x14: {  	s2 =	sld [smem:$0x3F98];
	s0 =	simm.s32 @p1 $0x1  }
0x15: {  	[smem:$0x3FB5] =	sst s0;
	s0 =	simm.s32 @!p2 $0x0  }
0x16: {  	s3 =	sld [smem:$0x3FDB];
	s0 =	simm.s32 @p2 $0x1  }
0x17: {  	s4 =	simm.s32 $0x1BF5;
	[smem:$0x3FB7] =	sst s0  }
0x18: {  	s0 =	sld [smem:$0x3F9A];
	_ =	swait.ge [sflag:s4], $0x0  }
0x19: {  	s7 =	sld [smem:$0x3F9B]  }
0x1a: {  	s8 =	sadd.s32 $0xFFFFE003, lr  }
0x1b: {  	s9 =	sadd.s32 $0xFFFFFEF7, lr;
	s5 =	simm.s32 $0xFFFFFFFF;
	p2 =	slt.u32 s8, $0xFFFFF086  }
0x1c: {  	p1 =	slt.u32 s9, $0xF7A;
	s5 =	simm.s32 @!p2 $0x0  }
0x1d: {  	s5 =	simm.s32 @p1 $0x1;
	p0 =	seq.s32 s7, s2  }
0x1e: {  	s7 =	smul.u32 @!p0 $0xF7A, s2;
	p2 =	seq.s32 @!p0 s5, $0x0  }
0x1f: {  	s9 =	smul.u32 $0xF7A, s1;
	s8 =	simm.s32 @!p0 $0x1BF5;
	p2 =	por !p2, p0  }
0x20: {  	[sflag:s8] =	ssyncset.s32 @!p0 $0xFFFFF086;
	s6 =	sadd.s32 @!p0 s3, s7;
	s7 =	simm.s32 @!p0 $0x108  }
0x21: {  	s3 =	sadd.s32 s3, s9;
	s6 =	sadd.s32 @!p0 $0x88, s6;
	s7 =	simm.s32 @p2 $0x1082  }
0x22: {  	[simem:s7], [sflag:s8] =	dma.local @!p0 [hbm:s6], $0xF7A  }
0x23: {  	s9 =	sor.u32 $0xD0000000, s2;
	s6 =	simm.s32 $0x108;
	_ =	swait.ge @!p0 [sflag:s8], $0x0  }
0x24: {  	s3 =	sadd.s32 $0x88, s3;
	s6 =	simm.s32 @!p1 $0x1082;
	[sflag:s4] =	ssyncset.s32 $0xFFFFF086  }
0x25: {  	[simem:s6], [sflag:s4] =	dma.local [hbm:s3], $0xF7A  }
0x26: {  	[smem:$0x3F9B] =	sst s1;
	(tag) =	ssettag s2;
	_ =	strace s9  }
0x27: {  	s1 =	sld [smem:$0x3FAB]  }
0x28: {  	s2 =	sld [smem:$0x3FAC]  }
0x29: {  	s4 =	sld [smem:$0x3FAE]  }
0x2a: {  	p0 =	seq.s32 s5, $0x0;
	s5 =	sld [smem:$0x3FAF]  }
0x2b: {  	s6 =	sld [smem:$0x3FB0]  }
0x2c: {  	s7 =	sld [smem:$0x3FB1]  }
0x2d: {  	s3 =	simm.s32 $0x108;
	s8 =	sld [smem:$0x3FB2]  }
0x2e: {  	s3 =	simm.s32 @!p0 $0x1082;
	s9 =	sld [smem:$0x3FB3]  }
0x2f: {  	lr =	sadd.s32 s0, s3;
	s0 =	sld [smem:$0x3FAA]  }
0x30: {  	s3 =	sld [smem:$0x3FAD]  }
0x31: {  	[smem:$0x3FB6] =	sst s10  }
0x32: {  	s10 =	sld [smem:$0x3FB4];
	_ =	sdelay $0x3  }
0x33: {  	p0 =	seq.s32 s10, $0x1;
	s10 =	sld [smem:$0x3FB6];
	_ =	sdelay $0x3  }
0x34: {  	[smem:$0x3FB6] =	sst s10  }
0x35: {  	s10 =	sld [smem:$0x3FB5];
	_ =	sdelay $0x3  }
0x36: {  	p1 =	seq.s32 s10, $0x1;
	s10 =	sld [smem:$0x3FB6];
	_ =	sdelay $0x3  }
0x37: {  	[smem:$0x3FB6] =	sst s10  }
0x38: {  	s10 =	sld [smem:$0x3FB7]  }
0x39: {  	_ = 	snop;
	(pc) =	sbr.ind lr, $3  }
0x3a: {  	_ = 	snop  }
0x3b: {  	_ = 	snop  }
0x3c: {  	p2 =	seq.s32 s10, $0x1;
	s10 =	sld [smem:$0x3FB6]  }
0x3d: {  	_ =	shalt  }
0x3e: {  	_ =	shalt  }
0x3f: {  	_ =	shalt  }
0x40: {  	_ =	shalt  }
0x41: {  	_ =	shalt  }
0x42: {  	_ =	shalt  }
0x43: {  	_ =	shalt  }
0x44: {  	_ =	shalt  }
0x45: {  	_ =	shalt  }
0x46: {  	_ =	shalt  }
0x47: {  	_ =	shalt  }
0x48: {  	_ =	shalt  }
0x49: {  	_ =	shalt  }
0x4a: {  	_ =	shalt  }
0x4b: {  	_ =	shalt  }
0x4c: {  	_ =	shalt  }
0x4d: {  	_ =	shalt  }
0x4e: {  	_ =	shalt  }
0x4f: {  	_ =	shalt  }
0x50: {  	_ =	shalt  }
0x51: {  	_ =	shalt  }
0x52: {  	_ =	shalt  }
0x53: {  	_ =	shalt  }
0x54: {  	_ =	shalt  }
0x55: {  	_ =	shalt  }
0x56: {  	_ =	shalt  }
0x57: {  	_ =	shalt  }
0x58: {  	_ =	shalt  }
0x59: {  	_ =	shalt  }
0x5a: {  	_ =	shalt  }
0x5b: {  	_ =	shalt  }
0x5c: {  	_ =	shalt  }
0x5d: {  	_ =	shalt  }
0x5e: {  	_ =	shalt  }
0x5f: {  	_ =	shalt  }
0x60: {  	_ =	shalt  }
0x61: {  	_ =	shalt  }
0x62: {  	_ =	shalt  }
0x63: {  	_ =	shalt  }
0x64: {  	_ =	shalt  }
0x65: {  	_ =	shalt  }
0x66: {  	_ =	shalt  }
0x67: {  	_ =	shalt  }
0x68: {  	_ =	shalt  }
0x69: {  	_ =	shalt  }
0x6a: {  	_ =	shalt  }
0x6b: {  	_ =	shalt  }
0x6c: {  	_ =	shalt  }
0x6d: {  	_ =	shalt  }
0x6e: {  	_ =	shalt  }
0x6f: {  	_ =	shalt  }
0x70: {  	_ =	shalt  }
0x71: {  	_ =	shalt  }
0x72: {  	_ =	shalt  }
0x73: {  	_ =	shalt  }
0x74: {  	_ =	shalt  }
0x75: {  	_ =	shalt  }
0x76: {  	_ =	shalt  }
0x77: {  	_ =	shalt  }
0x78: {  	_ =	shalt  }
0x79: {  	_ =	shalt  }
0x7a: {  	_ =	shalt  }
0x7b: {  	_ =	shalt  }
0x7c: {  	_ =	shalt  }
0x7d: {  	_ =	shalt  }
0x7e: {  	_ =	shalt  }
0x7f: {  	_ =	shalt  }
0x80: {  	_ =	shalt  }
0x81: {  	_ =	shalt  }
0x82: {  	_ =	shalt  }
0x83: {  	_ =	shalt  }
0x84: {  	_ =	shalt  }
0x85: {  	_ =	shalt  }
0x86: {  	_ =	shalt  }
0x87: {  	_ =	shalt  }
.Lfunc_end0:
.L_simem_size_0:
called_computation_lowered:
.L_overlay_start_0:
0x88: {  	s2 =	sld [smem:$0x3FD9]  }
0x89: {  	s3 =	sld [smem:$0x3FFE];
	_ =	sdelay $0x1  }
0x8a: {  	s1 =	srdreg.scid  }
0x8b: {  	s0 =	sand.u32 $0x1, s1  }
0x8c: {  	s14 =	sshll.u32 s0, $0xA;
	s2 =	sadd.s32 s3, s2  }
0x8d: {  	s2 =	sadd.s32 s2, s14  }
0x8e: {  	[smem:$0x3FC2] =	sst s2  }
0x8f: {  	_ = 	snop  }
0x90: {  	s2 =	sld [smem:$0x3FD0];
	_ =	sdelay $0x1  }
0x91: {  	s15 =	sld [smem:$0x3FC8]  }
0x92: {  	s5 =	simm.s32 $0xA;
	s6 =	simm.s32 $0x10;
	s4 =	sld [smem:$0x3FC6]  }
0x93: {  	[smem:s6], [sflag:s5] =	dma.local [hbm:s2], $0x1  }
0x94: {  	_ =	swait.eq [sflag:s5], $0x1  }
0x95: {  	[sflag:s5] =	ssyncset.done $0x0  }
0x96: {  	[sflag:s5] =	ssyncadd.s32 $0xFFFFFFFF  }
0x97: {  	s16 =	sld [smem:$0x11];
	(tm) =	ssettm $0x1  }
0x98: {  	s17 =	sld [smem:$0x3FFB];
	_ =	sdelay $0x3  }
0x99: {  	_ =	strace s17  }
0x9a: {  	s5 =	sld [smem:$0x3FFC];
	_ =	sdelay $0x3  }
0x9b: {  	_ =	strace s5  }
0x9c: {  	s5 =	sld [smem:$0x3FFD];
	_ =	sdelay $0x3  }
0x9d: {  	_ =	strace s5  }
0x9e: {  	_ =	strace $0x8FFFFFFF  }
0x9f: {  	s18 =	sld [smem:$0x3FDB];
	_ =	sdelay $0x1  }
0xa0: {  	s19 =	simm.s32 $_scs_section_size  }
0xa1: {  	s7 =	simm.s32 $_size__tile_overlayer_lowered;
	s8 =	simm.s32 $_tile_overlayer_lowered  }
0xa2: {  	s22 =	simm.s32 $0x1BFF;
	s21 =	sshll.u32 s8, $0x1;
	s5 =	sadd.s32 s19, s18  }
0xa3: {  	s9 =	simm.s32 $0x0;
	s20 =	sshll.u32 s7, $0x1;
	s7 =	sadd.s32 s21, s5  }
0xa4: {  	[timem:s9], [sflag:s22] =	dma.local [hbm:s7], s20  }
0xa5: {  	_ =	swait.ge [sflag:s22], s20  }
0xa6: {  	s6 =	ssub.s32 $0x0, s20;
	[sflag:s22] =	ssyncset.done $0x0  }
0xa7: {  	[sflag:s22] =	ssyncadd.s32 s6;
	_ =	sdelay $0x1  }
0xa8: {  	s23 =	simm.s32 $0x1B8B  }
0xa9: {  	_ =	swait.ge [sflag:s23], $0x1  }
0xaa: {  	[sflag:s23] =	ssyncset.done $0x0  }
0xab: {  	s25 =	simm.s32 $0x1B8E;
	s24 =	sld [smem:$0x3FFE];
	[sflag:s23] =	ssyncadd.s32 $0xFFFFFFFF  }
0xac: {  	s26 =	simm.s32 $execute0_lowered;
	[smem:$0x3FD2] =	sst s25  }
0xad: {  	s7 =	sshll.u32 s26, $0x1;
	_ =	strace $0x80000046;
	[dreg:$0x1] =	wrdreg $0xFFFFFFFF  }
0xae: {  	s28 =	simm.s32 $_size_execute0_lowered;
	s5 =	sadd.s32 s5, s7;
	[dreg:$0x0] =	wrdreg $0x0  }
0xaf: {  	s7 =	sshll.u32 s28, $0x1;
	[dreg:$0x2] =	wrdreg s5  }
0xb0: {  	[dreg:$0x3] =	wrdreg s7  }
0xb1: {  	[dreg:$0x4] =	wrdreg $0xC0  }
0xb2: {  	_ =	task [dreg:s9], $0x5FFFF  }
0xb3: {  	[dreg:$0x1] =	wrdreg $0xFFFFFFFF  }
0xb4: {  	[dreg:$0x0] =	wrdreg $0x60  }
0xb5: {  	[dreg:$0x2] =	wrdreg s15  }
0xb6: {  	[dreg:$0x3] =	wrdreg s4  }
0xb7: {  	[dreg:$0x4] =	wrdreg s24  }
0xb8: {  	[dreg:$0x5] =	wrdreg s16  }
0xb9: {  	[dreg:$0x6] =	wrdreg $0x9  }
0xba: {  	_ =	task.clear_ibuf [dreg:s9], $0x7FFFF;
	_ =	strace $0x90000046  }
0xbb: {  	s29 =	simm.s32 $0x9;
	_ =	strace $0x80000048  }
0xbc: {  	_ =	swait.ge [sflag:s29], $0x1  }
0xbd: {  	[sflag:s29] =	ssyncadd.s32 $0xFFFFFFFF  }
0xbe: {  	_ =	strace $0x90000048  }
0xbf: {  	_ =	sfence  }
0xc0: {  	s30 =	sld [smem:$0x0];
	_ =	sdelay $0x2  }
0xc1: {  	s31 =	sshll.u32 s1, $0xD;
	s1 =	sshrl.u32 s1, $0x2  }
0xc2: {  	s3 =	sand.u32 $0x4000, s31;
	s1 =	sadd.s32 s1, s30  }
0xc3: {  	s0 =	sor.u32 s3, s0;
	s1 =	sshll.u32 s1, $0x11  }
0xc4: {  	s0 =	sor.u32 s1, s0  }
0xc5: {  	s0 =	sadd.s32 $0x8F2B, s0  }
0xc6: {  	[sflag:s0] =	ssyncadd.remote.s32 $0x1  }
0xc7: {  	_ =	sfence.sel $0xFFFF  }
0xc8: {  	[dreg:$0x0] =	wrdreg $0xFFFFFFFF;
	(pc) =	sbr.abs _section_cstart, $3  }
0xc9: {  	[dreg:$0x1] =	wrdreg $0xFFFFFFFF  }
0xca: {  	_ =	task.clear_ibuf [dreg:s9], $0x2FFFF;
	_ =	strace $0x9FFFFFFF  }
0xcb: {  	(tm) =	ssettm $0x7FFFFFFF  }
tec
execute0_lowered:
.L_overlay_start_1:
0x0: {  	(tag) =	ssettag $0x1  }
0x1: {  	s0 =	rddreg [dreg:$0x0]  }
0x2: {  	s1 =	rddreg [dreg:$0x1]  }
0x3: {  	s4 =	rddreg [dreg:$0x2]  }
0x4: {  	s25 =	stileid.u32;
	s26 =	srdreg.scid  }
0x5: {  	s28 =	rddreg [dreg:$0x3];
	s5 =	sand.u32 $0x1, s26;
	s29 =	sshll.u32 s25, $0x1  }
0x6: {  	s3 =	simm.s32 $0x0;
	[dreg:$0x5] =	wrdreg s1;
	s1 =	sor.u32 s5, s29  }
0x7: {  	[smem:$0x7FF] =	sst s3;
	s6 =	sshll.u32 s1, $0x10  }
0x8: {  	s26 =	rddreg [dreg:$0x4];
	_ =	strace $0x80000047;
	s2 =	sadd.s32 s0, s6  }
0x9: {  	s7 =	sor.u32 $0x800, s6;
	s11 =	sadd.s32 s28, s6;
	[dreg:$0x6] =	wrdreg s2  }
0xa: {  	s8 =	sor.u32 $0x1000, s6;
	s30 =	sadd.s32 s0, s7;
	[dreg:$0xa] =	wrdreg s11  }
0xb: {  	s9 =	sor.u32 $0x1800, s6;
	s31 =	sadd.s32 s0, s8;
	[dreg:$0x7] =	wrdreg s30  }
0xc: {  	s10 =	sadd.s32 s0, s9;
	[dreg:$0x8] =	wrdreg s31  }
0xd: {  	s14 =	sor.u32 $0x2800, s6;
	s13 =	sadd.s32 s28, s7;
	[dreg:$0x9] =	wrdreg s10  }
0xe: {  	s15 =	sadd.s32 s0, s14;
	[dreg:$0xc] =	wrdreg s13  }
0xf: {  	s17 =	sor.u32 $0x3000, s6;
	s16 =	sadd.s32 s28, s8;
	[dreg:$0xd] =	wrdreg s15  }
0x10: {  	s18 =	sadd.s32 s0, s17;
	[dreg:$0xe] =	wrdreg s16  }
0x11: {  	s20 =	sor.u32 $0x3800, s6;
	s19 =	sadd.s32 s28, s9;
	[dreg:$0xf] =	wrdreg s18  }
0x12: {  	s23 =	sor.u32 $0x4000, s6;
	s21 =	sadd.s32 s0, s20;
	[dreg:$0x10] =	wrdreg s19  }
0x13: {  	s24 =	sadd.s32 s0, s23;
	[dreg:$0x11] =	wrdreg s21  }
0x14: {  	s29 =	sadd.s32 s28, s14;
	[dreg:$0x13] =	wrdreg s24  }
0x15: {  	s8 =	sadd.s32 s28, s17;
	[dreg:$0x14] =	wrdreg s29  }
0x16: {  	s14 =	sor.u32 $0x5800, s6;
	[dreg:$0x16] =	wrdreg s8;
	s13 =	sadd.s32 s28, s20  }
0x17: {  	s15 =	sadd.s32 s0, s14;
	[dreg:$0x18] =	wrdreg s13  }
0x18: {  	s17 =	sor.u32 $0x6000, s6;
	s16 =	sadd.s32 s28, s23;
	[dreg:$0x19] =	wrdreg s15  }
0x19: {  	s18 =	sadd.s32 s0, s17;
	[dreg:$0x1a] =	wrdreg s16  }
0x1a: {  	s10 =	sor.u32 $0x2000, s6;
	s29 =	sadd.s32 s28, s14;
	[dreg:$0x1b] =	wrdreg s18  }
0x1b: {  	s12 =	sadd.s32 s0, s10;
	[smem:$0x7DA] =	sst s29  }
0x1c: {  	s30 =	sor.u32 $0x4800, s6;
	s22 =	sadd.s32 s28, s10;
	[dreg:$0xb] =	wrdreg s12  }
0x1d: {  	s31 =	sadd.s32 s0, s30;
	[dreg:$0x12] =	wrdreg s22  }
0x1e: {  	s20 =	sor.u32 $0x6800, s6;
	s19 =	sadd.s32 s28, s30;
	[dreg:$0x15] =	wrdreg s31  }
0x1f: {  	s23 =	sor.u32 $0x7000, s6;
	s21 =	sadd.s32 s0, s20;
	[dreg:$0x1c] =	wrdreg s19  }
0x20: {  	s24 =	sadd.s32 s0, s23;
	[dreg:$0x1d] =	wrdreg s21  }
0x21: {  	s10 =	sadd.s32 s28, s17;
	[dreg:$0x1f] =	wrdreg s24  }
0x22: {  	s14 =	sor.u32 $0x8800, s6;
	s13 =	sadd.s32 s28, s20;
	[smem:$0x7DC] =	sst s10  }
0x23: {  	p1 =	por $0x0, $0x0;
	s15 =	sadd.s32 s0, s14;
	[smem:$0x7DE] =	sst s13  }
0x24: {  	s11 =	sor.u32 $0x5000, s6;
	s16 =	sadd.s32 s28, s23;
	[smem:$0x7DF] =	sst s15  }
0x25: {  	s7 =	simm.s32 $0x7;
	s29 =	sadd.s32 s28, s14;
	[smem:$0x7E0] =	sst s16  }
0x26: {  	s30 =	sor.u32 $0x7800, s6;
	s12 =	sadd.s32 s0, s11;
	[smem:$0x7E6] =	sst s29  }
0x27: {  	s17 =	sor.u32 $0x9000, s6;
	s22 =	sadd.s32 s28, s11;
	[dreg:$0x17] =	wrdreg s12  }
0x28: {  	s20 =	sor.u32 $0x9800, s6;
	s31 =	sadd.s32 s0, s30;
	[dreg:$0x1e] =	wrdreg s22  }
0x29: {  	s23 =	sor.u32 $0xA000, s6;
	s18 =	sadd.s32 s0, s17;
	[smem:$0x7DB] =	sst s31  }
0x2a: {  	s11 =	sor.u32 $0x8000, s6;
	s19 =	sadd.s32 s28, s30;
	[smem:$0x7E1] =	sst s18  }
0x2b: {  	s21 =	sadd.s32 s0, s20;
	s24 =	sadd.s32 s0, s23;
	[smem:$0x7E2] =	sst s19  }
0x2c: {  	s30 =	sor.u32 $0xA800, s6;
	s14 =	sadd.s32 s28, s20;
	[smem:$0x7E3] =	sst s21  }
0x2d: {  	s15 =	sor.u32 $0xB800, s6;
	s10 =	simm.s32 $0x4000;
	[smem:$0x7E5] =	sst s24  }
0x2e: {  	s12 =	sadd.s32 s0, s11;
	s22 =	sadd.s32 s28, s11;
	[smem:$0x7EA] =	sst s14  }
0x2f: {  	s31 =	sadd.s32 s0, s30;
	s11 =	sadd.s32 s28, s17;
	[smem:$0x7DD] =	sst s12  }
0x30: {  	s16 =	sadd.s32 s0, s15;
	s17 =	sadd.s32 s28, s23;
	[smem:$0x7E4] =	sst s22  }
0x31: {  	s18 =	sor.u32 $0xC000, s6;
	s20 =	sadd.s32 s28, s30;
	[smem:$0x7E7] =	sst s31  }
0x32: {  	s21 =	sor.u32 $0xC800, s6;
	s24 =	sor.u32 $0xD000, s6;
	[smem:$0x7E8] =	sst s11  }
0x33: {  	s30 =	sadd.s32 s28, s15;
	s14 =	sor.u32 $0xE000, s6;
	[smem:$0x7EB] =	sst s16  }
0x34: {  	s12 =	sor.u32 $0xB000, s6;
	[smem:$0x7EC] =	sst s17;
	s19 =	sadd.s32 s0, s18  }
0x35: {  	[smem:$0x7EE] =	sst s20;
	s22 =	sadd.s32 s0, s21;
	s29 =	sadd.s32 s0, s24  }
0x36: {  	s31 =	sor.u32 $0xD800, s6;
	[smem:$0x7F2] =	sst s30;
	s15 =	sadd.s32 s0, s14  }
0x37: {  	s16 =	sadd.s32 s28, s21;
	s17 =	sor.u32 $0xE800, s6;
	[smem:$0x7ED] =	sst s19  }
0x38: {  	s11 =	sshll.u32 s25, $0x3;
	s20 =	sor.u32 $0xF000, s6;
	[smem:$0x7EF] =	sst s22  }
0x39: {  	s6 =	sor.u32 $0xF800, s6;
	s30 =	sand.u32 $0x3, s1;
	[smem:$0x7F1] =	sst s29  }
0x3a: {  	s13 =	sadd.s32 s0, s12;
	s23 =	sadd.s32 s28, s12;
	[smem:$0x7F5] =	sst s15  }
0x3b: {  	s12 =	sadd.s32 s0, s31;
	[smem:$0x7F6] =	sst s16;
	s19 =	sadd.s32 s28, s24  }
0x3c: {  	s11 =	sand.u32 $0x70, s11;
	s21 =	sadd.s32 s0, s20;
	s22 =	sadd.s32 s28, s31  }
0x3d: {  	s24 =	sadd.s32 s28, s14;
	s29 =	sadd.s32 s28, s17;
	[smem:$0x7E9] =	sst s13  }
0x3e: {  	s9 =	sadd.s32 s28, s20;
	s8 =	sadd.s32 s28, s6;
	[smem:$0x7F0] =	sst s23  }
0x3f: {  	p0 =	sne.s32 s30, $0x0;
	s20 =	simm.s32 $0xC000;
	[smem:$0x7F3] =	sst s12  }
0x40: {  	s14 =	simm.s32 $0x1;
	s15 =	simm.s32 $0x9;
	[smem:$0x7F8] =	sst s19  }
0x41: {  	s16 =	simm.s32 $0xA;
	[smem:$0x7F9] =	sst s21;
	s23 =	ssub.s32 $0x2, s5  }
0x42: {  	s13 =	sadd.s32 s28, s18;
	[smem:$0x7FA] =	sst s22;
	s5 =	sshrl.u32 s23, $0x1  }
0x43: {  	s18 =	sadd.s32 s0, s17;
	[smem:$0x7FC] =	sst s24;
	s2 =	ssub.s32 s23, s5  }
0x44: {  	s0 =	sadd.s32 s0, s6;
	[smem:$0x7FD] =	sst s29;
	s31 =	smax.u32 s2, $0x1  }
0x45: {  	s4 =	sadd.s32 s11, s4;
	[smem:$0x7FB] =	sst s0;
	s0 =	sadd.s32 $0xFFFFFFFF, s31  }
0x46: {  	s11 =	simm.s32 $0x2;
	s17 =	simm.s32 $0x14000;
	p2 =	sne.s32 s0, $0x0  }
.Ltmp0:
0x47: {  	s24 =	simm.s32 $0x3;
	s22 =	simm.s32 $0x4;
	(pc) =	sbr.rel @!p2 .LBB2_1-.Ltmp0, $4  }
0x48: {  	s6 =	simm.s32 $0x8;
	s21 =	simm.s32 $0x5;
	[smem:$0x7F4] =	sst s13  }
0x49: {  	s19 =	simm.s32 $0x6;
	s12 =	simm.s32 $0xC;
	[smem:$0x7F7] =	sst s18  }
0x4a: {  	s18 =	simm.s32 $0x10000;
	s13 =	simm.s32 $0xB;
	s5 =	sadd.s32 $0x600, s4  }
0x4b: {  	s4 =	sadd.s32 $0x800, s4;
	s23 =	simm.s32 $0x8000;
	s2 =	rddreg [dreg:$0x6]  }
0x4c: {  	[tilespmem:s3], [sflag:$0x1] =	stream.linear.gather [hbm4b:s2+s3], $0x4000, $0x38;
	[tilespmem:$0x19100] =	vst v63  }
0x4d: {  	s1 =	rddreg [dreg:$0x7]  }
0x4e: {  	[tilespmem:s10], [sflag:$0x2] =	stream.linear.gather [hbm4b:s1+s3], $0x4000, $0x38;
	[tilespmem:$0x19100] =	vst v63  }
0x4f: {  	s25 =	rddreg [dreg:$0x8]  }
0x50: {  	[tilespmem:s23], [sflag:$0x3] =	stream.linear.gather [hbm4b:s25+s3], $0x4000, $0x38;
	[tilespmem:$0x19100] =	vst v63  }
0x51: {  	s26 =	rddreg [dreg:$0x9]  }
0x52: {  	[tilespmem:s20], [sflag:$0x4] =	stream.linear.gather [hbm4b:s26+s3], $0x4000, $0x38;
	[tilespmem:$0x19100] =	vst v63  }
0x53: {  	_ =	swait.ge [sflag:s14], $0x4000  }
0x54: {  	[sflag:s14] =	ssyncset.done $0x0  }
0x55: {  	s25 =	rddreg [dreg:$0xa];
	[sflag:s14] =	ssyncadd.s32 $0xFFFFC000  }
0x56: {  	[hbm4b:s25+s3] =	stream.linear.scatter [tilespmem:s3], [sflag:$0x7], $0x4000, $0x38;
	[tilespmem:$0x19100] =	vst v63  }
0x57: {  	s26 =	rddreg [dreg:$0xb]  }
0x58: {  	[tilespmem:s18], [sflag:$0x5] =	stream.linear.gather [hbm4b:s26+s3], $0x4000, $0x38;
	[tilespmem:$0x19100] =	vst v63  }
0x59: {  	_ =	swait.ge [sflag:s11], $0x4000  }
0x5a: {  	[sflag:s11] =	ssyncset.done $0x0  }
0x5b: {  	s25 =	rddreg [dreg:$0xc];
	[sflag:s11] =	ssyncadd.s32 $0xFFFFC000  }
0x5c: {  	[hbm4b:s25+s3] =	stream.linear.scatter [tilespmem:s10], [sflag:$0x8], $0x4000, $0x38;
	[tilespmem:$0x19100] =	vst v63  }
0x5d: {  	s26 =	rddreg [dreg:$0xd]  }
0x5e: {  	[tilespmem:s17], [sflag:$0x6] =	stream.linear.gather [hbm4b:s26+s3], $0x4000, $0x38;
	[tilespmem:$0x19100] =	vst v63  }
0x5f: {  	_ =	swait.ge [sflag:s24], $0x4000  }
0x60: {  	[sflag:s24] =	ssyncset.done $0x0  }
0x61: {  	s2 =	rddreg [dreg:$0xe];
	[sflag:s24] =	ssyncadd.s32 $0xFFFFC000  }
0x62: {  	[hbm4b:s2+s3] =	stream.linear.scatter [tilespmem:s23], [sflag:$0x9], $0x4000, $0x38;
	[tilespmem:$0x19100] =	vst v63  }
0x63: {  	_ =	swait.ge [sflag:s7], $0x4000  }
0x64: {  	[sflag:s7] =	ssyncset.done $0x0  }
0x65: {  	s25 =	rddreg [dreg:$0xf];
	[sflag:s7] =	ssyncadd.s32 $0xFFFFC000  }
0x66: {  	[tilespmem:s3], [sflag:$0x1] =	stream.linear.gather [hbm4b:s25+s3], $0x4000, $0x38;
	[tilespmem:$0x19100] =	vst v63  }
0x67: {  	_ =	swait.ge [sflag:s22], $0x4000  }
0x68: {  	[sflag:s22] =	ssyncset.done $0x0  }
0x69: {  	s26 =	rddreg [dreg:$0x10];
	[sflag:s22] =	ssyncadd.s32 $0xFFFFC000  }
0x6a: {  	[hbm4b:s26+s3] =	stream.linear.scatter [tilespmem:s20], [sflag:$0xA], $0x4000, $0x38;
	[tilespmem:$0x19100] =	vst v63  }
0x6b: {  	_ =	swait.ge [sflag:s6], $0x4000  }
0x6c: {  	[sflag:s6] =	ssyncset.done $0x0  }
0x6d: {  	s2 =	rddreg [dreg:$0x11];
	[sflag:s6] =	ssyncadd.s32 $0xFFFFC000  }
0x6e: {  	[tilespmem:s10], [sflag:$0x2] =	stream.linear.gather [hbm4b:s2+s3], $0x4000, $0x38;
	[tilespmem:$0x19100] =	vst v63  }
0x6f: {  	_ =	swait.ge [sflag:s21], $0x4000  }
0x70: {  	[sflag:s21] =	ssyncset.done $0x0  }
0x71: {  	s25 =	rddreg [dreg:$0x12];
	[sflag:s21] =	ssyncadd.s32 $0xFFFFC000  }
0x72: {  	[hbm4b:s25+s3] =	stream.linear.scatter [tilespmem:s18], [sflag:$0xB], $0x4000, $0x38;
	[tilespmem:$0x19100] =	vst v63  }
0x73: {  	_ =	swait.ge [sflag:s15], $0x4000  }
0x74: {  	[sflag:s15] =	ssyncset.done $0x0  }
0x75: {  	s26 =	rddreg [dreg:$0x13];
	[sflag:s15] =	ssyncadd.s32 $0xFFFFC000  }
0x76: {  	[tilespmem:s23], [sflag:$0x3] =	stream.linear.gather [hbm4b:s26+s3], $0x4000, $0x38;
	[tilespmem:$0x19100] =	vst v63  }
0x77: {  	_ =	swait.ge [sflag:s19], $0x4000  }
0x78: {  	[sflag:s19] =	ssyncset.done $0x0  }
0x79: {  	s2 =	rddreg [dreg:$0x14];
	[sflag:s19] =	ssyncadd.s32 $0xFFFFC000  }
0x7a: {  	[hbm4b:s2+s3] =	stream.linear.scatter [tilespmem:s17], [sflag:$0xC], $0x4000, $0x38;
	[tilespmem:$0x19100] =	vst v63  }
0x7b: {  	_ =	swait.ge [sflag:s16], $0x4000  }
0x7c: {  	[sflag:s16] =	ssyncset.done $0x0  }
0x7d: {  	s25 =	rddreg [dreg:$0x15];
	[sflag:s16] =	ssyncadd.s32 $0xFFFFC000  }
0x7e: {  	[tilespmem:s20], [sflag:$0x4] =	stream.linear.gather [hbm4b:s25+s3], $0x4000, $0x38;
	[tilespmem:$0x19100] =	vst v63  }
0x7f: {  	_ =	swait.ge [sflag:s14], $0x4000  }
0x80: {  	[sflag:s14] =	ssyncset.done $0x0  }
0x81: {  	s26 =	rddreg [dreg:$0x16];
	[sflag:s14] =	ssyncadd.s32 $0xFFFFC000  }
0x82: {  	[hbm4b:s26+s3] =	stream.linear.scatter [tilespmem:s3], [sflag:$0x7], $0x4000, $0x38;
	[tilespmem:$0x19100] =	vst v63  }
0x83: {  	_ =	swait.ge [sflag:s13], $0x4000  }
0x84: {  	[sflag:s13] =	ssyncset.done $0x0  }
0x85: {  	s2 =	rddreg [dreg:$0x17];
	[sflag:s13] =	ssyncadd.s32 $0xFFFFC000  }
0x86: {  	[tilespmem:s18], [sflag:$0x5] =	stream.linear.gather [hbm4b:s2+s3], $0x4000, $0x38;
	[tilespmem:$0x19100] =	vst v63  }
0x87: {  	_ =	swait.ge [sflag:s11], $0x4000  }
0x88: {  	[sflag:s11] =	ssyncset.done $0x0  }
0x89: {  	s25 =	rddreg [dreg:$0x18];
	[sflag:s11] =	ssyncadd.s32 $0xFFFFC000  }
0x8a: {  	[hbm4b:s25+s3] =	stream.linear.scatter [tilespmem:s10], [sflag:$0x8], $0x4000, $0x38;
	[tilespmem:$0x19100] =	vst v63  }
0x8b: {  	_ =	swait.ge [sflag:s12], $0x4000  }
0x8c: {  	[sflag:s12] =	ssyncset.done $0x0  }
0x8d: {  	s26 =	rddreg [dreg:$0x19];
	[sflag:s12] =	ssyncadd.s32 $0xFFFFC000  }
0x8e: {  	[tilespmem:s17], [sflag:$0x6] =	stream.linear.gather [hbm4b:s26+s3], $0x4000, $0x38;
	[tilespmem:$0x19100] =	vst v63  }
0x8f: {  	_ =	swait.ge [sflag:s24], $0x4000  }
0x90: {  	[sflag:s24] =	ssyncset.done $0x0  }
0x91: {  	s2 =	rddreg [dreg:$0x1a];
	[sflag:s24] =	ssyncadd.s32 $0xFFFFC000  }
0x92: {  	[hbm4b:s2+s3] =	stream.linear.scatter [tilespmem:s23], [sflag:$0x9], $0x4000, $0x38;
	[tilespmem:$0x19100] =	vst v63  }
0x93: {  	_ =	swait.ge [sflag:s7], $0x4000  }
0x94: {  	[sflag:s7] =	ssyncset.done $0x0  }
0x95: {  	s25 =	rddreg [dreg:$0x1b];
	[sflag:s7] =	ssyncadd.s32 $0xFFFFC000  }
0x96: {  	[tilespmem:s3], [sflag:$0x1] =	stream.linear.gather [hbm4b:s25+s3], $0x4000, $0x38;
	[tilespmem:$0x19100] =	vst v63  }
0x97: {  	_ =	swait.ge [sflag:s22], $0x4000  }
0x98: {  	[sflag:s22] =	ssyncset.done $0x0  }
0x99: {  	s26 =	rddreg [dreg:$0x1c];
	[sflag:s22] =	ssyncadd.s32 $0xFFFFC000  }
0x9a: {  	[hbm4b:s26+s3] =	stream.linear.scatter [tilespmem:s20], [sflag:$0xA], $0x4000, $0x38;
	[tilespmem:$0x19100] =	vst v63  }
0x9b: {  	_ =	swait.ge [sflag:s6], $0x4000  }
0x9c: {  	[sflag:s6] =	ssyncset.done $0x0  }
0x9d: {  	s2 =	rddreg [dreg:$0x1d];
	[sflag:s6] =	ssyncadd.s32 $0xFFFFC000  }
0x9e: {  	[tilespmem:s10], [sflag:$0x2] =	stream.linear.gather [hbm4b:s2+s3], $0x4000, $0x38;
	[tilespmem:$0x19100] =	vst v63  }
0x9f: {  	_ =	swait.ge [sflag:s21], $0x4000  }
0xa0: {  	[sflag:s21] =	ssyncset.done $0x0  }
0xa1: {  	s25 =	rddreg [dreg:$0x1e];
	[sflag:s21] =	ssyncadd.s32 $0xFFFFC000  }
0xa2: {  	[hbm4b:s25+s3] =	stream.linear.scatter [tilespmem:s18], [sflag:$0xB], $0x4000, $0x38;
	[tilespmem:$0x19100] =	vst v63  }
0xa3: {  	_ =	swait.ge [sflag:s15], $0x4000  }
0xa4: {  	[sflag:s15] =	ssyncset.done $0x0  }
0xa5: {  	s26 =	rddreg [dreg:$0x1f];
	[sflag:s15] =	ssyncadd.s32 $0xFFFFC000  }
0xa6: {  	[tilespmem:s23], [sflag:$0x3] =	stream.linear.gather [hbm4b:s26+s3], $0x4000, $0x38;
	[tilespmem:$0x19100] =	vst v63  }
0xa7: {  	_ =	swait.ge [sflag:s19], $0x4000  }
0xa8: {  	s2 =	sld [smem:$0x7DA]  }
0xa9: {  	[sflag:s19] =	ssyncset.done $0x0  }
0xaa: {  	[sflag:s19] =	ssyncadd.s32 $0xFFFFC000  }
0xab: {  	[hbm4b:s2+s3] =	stream.linear.scatter [tilespmem:s17], [sflag:$0xC], $0x4000, $0x38;
	[tilespmem:$0x19100] =	vst v63  }
0xac: {  	_ =	swait.ge [sflag:s16], $0x4000  }
0xad: {  	s25 =	sld [smem:$0x7DB]  }
0xae: {  	[sflag:s16] =	ssyncset.done $0x0  }
0xaf: {  	[sflag:s16] =	ssyncadd.s32 $0xFFFFC000  }
0xb0: {  	[tilespmem:s20], [sflag:$0x4] =	stream.linear.gather [hbm4b:s25+s3], $0x4000, $0x38;
	[tilespmem:$0x19100] =	vst v63  }
0xb1: {  	_ =	swait.ge [sflag:s14], $0x4000  }
0xb2: {  	s26 =	sld [smem:$0x7DC]  }
0xb3: {  	[sflag:s14] =	ssyncset.done $0x0  }
0xb4: {  	[sflag:s14] =	ssyncadd.s32 $0xFFFFC000  }
0xb5: {  	[hbm4b:s26+s3] =	stream.linear.scatter [tilespmem:s3], [sflag:$0x7], $0x4000, $0x38;
	[tilespmem:$0x19100] =	vst v63  }
0xb6: {  	_ =	swait.ge [sflag:s13], $0x4000  }
0xb7: {  	s2 =	sld [smem:$0x7DD]  }
0xb8: {  	[sflag:s13] =	ssyncset.done $0x0  }
0xb9: {  	[sflag:s13] =	ssyncadd.s32 $0xFFFFC000  }
0xba: {  	[tilespmem:s18], [sflag:$0x5] =	stream.linear.gather [hbm4b:s2+s3], $0x4000, $0x38;
	[tilespmem:$0x19100] =	vst v63  }
0xbb: {  	_ =	swait.ge [sflag:s11], $0x4000  }
0xbc: {  	s25 =	sld [smem:$0x7DE]  }
0xbd: {  	[sflag:s11] =	ssyncset.done $0x0  }
0xbe: {  	[sflag:s11] =	ssyncadd.s32 $0xFFFFC000  }
0xbf: {  	[hbm4b:s25+s3] =	stream.linear.scatter [tilespmem:s10], [sflag:$0x8], $0x4000, $0x38;
	[tilespmem:$0x19100] =	vst v63  }
0xc0: {  	_ =	swait.ge [sflag:s12], $0x4000  }
0xc1: {  	s26 =	sld [smem:$0x7DF]  }
0xc2: {  	[sflag:s12] =	ssyncset.done $0x0  }
0xc3: {  	[sflag:s12] =	ssyncadd.s32 $0xFFFFC000  }
0xc4: {  	[tilespmem:s17], [sflag:$0x6] =	stream.linear.gather [hbm4b:s26+s3], $0x4000, $0x38;
	[tilespmem:$0x19100] =	vst v63  }
0xc5: {  	_ =	swait.ge [sflag:s24], $0x4000  }
0xc6: {  	s2 =	sld [smem:$0x7E0]  }
0xc7: {  	[sflag:s24] =	ssyncset.done $0x0  }
0xc8: {  	[sflag:s24] =	ssyncadd.s32 $0xFFFFC000  }
0xc9: {  	[hbm4b:s2+s3] =	stream.linear.scatter [tilespmem:s23], [sflag:$0x9], $0x4000, $0x38;
	[tilespmem:$0x19100] =	vst v63  }
0xca: {  	_ =	swait.ge [sflag:s7], $0x4000  }
0xcb: {  	s25 =	sld [smem:$0x7E1]  }
0xcc: {  	[sflag:s7] =	ssyncset.done $0x0  }
0xcd: {  	[sflag:s7] =	ssyncadd.s32 $0xFFFFC000  }
0xce: {  	[tilespmem:s3], [sflag:$0x1] =	stream.linear.gather [hbm4b:s25+s3], $0x4000, $0x38;
	[tilespmem:$0x19100] =	vst v63  }
0xcf: {  	_ =	swait.ge [sflag:s22], $0x4000  }
0xd0: {  	s26 =	sld [smem:$0x7E2]  }
0xd1: {  	[sflag:s22] =	ssyncset.done $0x0  }
0xd2: {  	[sflag:s22] =	ssyncadd.s32 $0xFFFFC000  }
0xd3: {  	[hbm4b:s26+s3] =	stream.linear.scatter [tilespmem:s20], [sflag:$0xA], $0x4000, $0x38;
	[tilespmem:$0x19100] =	vst v63  }
0xd4: {  	_ =	swait.ge [sflag:s6], $0x4000  }
0xd5: {  	s2 =	sld [smem:$0x7E3]  }
0xd6: {  	[sflag:s6] =	ssyncset.done $0x0  }
0xd7: {  	[sflag:s6] =	ssyncadd.s32 $0xFFFFC000  }
0xd8: {  	[tilespmem:s10], [sflag:$0x2] =	stream.linear.gather [hbm4b:s2+s3], $0x4000, $0x38;
	[tilespmem:$0x19100] =	vst v63  }
0xd9: {  	_ =	swait.ge [sflag:s21], $0x4000  }
0xda: {  	s25 =	sld [smem:$0x7E4]  }
0xdb: {  	[sflag:s21] =	ssyncset.done $0x0  }
0xdc: {  	[sflag:s21] =	ssyncadd.s32 $0xFFFFC000  }
0xdd: {  	[hbm4b:s25+s3] =	stream.linear.scatter [tilespmem:s18], [sflag:$0xB], $0x4000, $0x38;
	[tilespmem:$0x19100] =	vst v63  }
0xde: {  	_ =	swait.ge [sflag:s15], $0x4000  }
0xdf: {  	s26 =	sld [smem:$0x7E5]  }
0xe0: {  	[sflag:s15] =	ssyncset.done $0x0  }
0xe1: {  	[sflag:s15] =	ssyncadd.s32 $0xFFFFC000  }
0xe2: {  	[tilespmem:s23], [sflag:$0x3] =	stream.linear.gather [hbm4b:s26+s3], $0x4000, $0x38;
	[tilespmem:$0x19100] =	vst v63  }
0xe3: {  	_ =	swait.ge [sflag:s19], $0x4000  }
0xe4: {  	s2 =	sld [smem:$0x7E6]  }
0xe5: {  	[sflag:s19] =	ssyncset.done $0x0  }
0xe6: {  	[sflag:s19] =	ssyncadd.s32 $0xFFFFC000  }
0xe7: {  	[hbm4b:s2+s3] =	stream.linear.scatter [tilespmem:s17], [sflag:$0xC], $0x4000, $0x38;
	[tilespmem:$0x19100] =	vst v63  }
0xe8: {  	_ =	swait.ge [sflag:s16], $0x4000  }
0xe9: {  	s25 =	sld [smem:$0x7E7]  }
0xea: {  	[sflag:s16] =	ssyncset.done $0x0  }
0xeb: {  	[sflag:s16] =	ssyncadd.s32 $0xFFFFC000  }
0xec: {  	[tilespmem:s20], [sflag:$0x4] =	stream.linear.gather [hbm4b:s25+s3], $0x4000, $0x38;
	[tilespmem:$0x19100] =	vst v63  }
0xed: {  	_ =	swait.ge [sflag:s14], $0x4000  }
0xee: {  	s26 =	sld [smem:$0x7E8]  }
0xef: {  	[sflag:s14] =	ssyncset.done $0x0  }
0xf0: {  	[sflag:s14] =	ssyncadd.s32 $0xFFFFC000  }
0xf1: {  	[hbm4b:s26+s3] =	stream.linear.scatter [tilespmem:s3], [sflag:$0x7], $0x4000, $0x38;
	[tilespmem:$0x19100] =	vst v63  }
0xf2: {  	_ =	swait.ge [sflag:s13], $0x4000  }
0xf3: {  	s2 =	sld [smem:$0x7E9]  }
0xf4: {  	[sflag:s13] =	ssyncset.done $0x0  }
0xf5: {  	[sflag:s13] =	ssyncadd.s32 $0xFFFFC000  }
0xf6: {  	[tilespmem:s18], [sflag:$0x5] =	stream.linear.gather [hbm4b:s2+s3], $0x4000, $0x38;
	[tilespmem:$0x19100] =	vst v63  }
0xf7: {  	_ =	swait.ge [sflag:s11], $0x4000  }
0xf8: {  	s25 =	sld [smem:$0x7EA]  }
0xf9: {  	[sflag:s11] =	ssyncset.done $0x0  }
0xfa: {  	[sflag:s11] =	ssyncadd.s32 $0xFFFFC000  }
0xfb: {  	[hbm4b:s25+s3] =	stream.linear.scatter [tilespmem:s10], [sflag:$0x8], $0x4000, $0x38;
	[tilespmem:$0x19100] =	vst v63  }
0xfc: {  	_ =	swait.ge [sflag:s12], $0x4000  }
0xfd: {  	s26 =	sld [smem:$0x7EB]  }
0xfe: {  	[sflag:s12] =	ssyncset.done $0x0  }
0xff: {  	[sflag:s12] =	ssyncadd.s32 $0xFFFFC000  }
0x100: {  	[tilespmem:s17], [sflag:$0x6] =	stream.linear.gather [hbm4b:s26+s3], $0x4000, $0x38;
	[tilespmem:$0x19100] =	vst v63  }
0x101: {  	_ =	swait.ge [sflag:s24], $0x4000  }
0x102: {  	s2 =	sld [smem:$0x7EC]  }
0x103: {  	[sflag:s24] =	ssyncset.done $0x0  }
0x104: {  	[sflag:s24] =	ssyncadd.s32 $0xFFFFC000  }
0x105: {  	[hbm4b:s2+s3] =	stream.linear.scatter [tilespmem:s23], [sflag:$0x9], $0x4000, $0x38;
	[tilespmem:$0x19100] =	vst v63  }
0x106: {  	_ =	swait.ge [sflag:s7], $0x4000  }
0x107: {  	s25 =	sld [smem:$0x7ED]  }
0x108: {  	[sflag:s7] =	ssyncset.done $0x0  }
0x109: {  	[sflag:s7] =	ssyncadd.s32 $0xFFFFC000  }
0x10a: {  	[tilespmem:s3], [sflag:$0x1] =	stream.linear.gather [hbm4b:s25+s3], $0x4000, $0x38;
	[tilespmem:$0x19100] =	vst v63  }
0x10b: {  	_ =	swait.ge [sflag:s22], $0x4000  }
0x10c: {  	s26 =	sld [smem:$0x7EE]  }
0x10d: {  	[sflag:s22] =	ssyncset.done $0x0  }
0x10e: {  	[sflag:s22] =	ssyncadd.s32 $0xFFFFC000  }
0x10f: {  	[hbm4b:s26+s3] =	stream.linear.scatter [tilespmem:s20], [sflag:$0xA], $0x4000, $0x38;
	[tilespmem:$0x19100] =	vst v63  }
0x110: {  	_ =	swait.ge [sflag:s6], $0x4000  }
0x111: {  	s2 =	sld [smem:$0x7EF]  }
0x112: {  	[sflag:s6] =	ssyncset.done $0x0  }
0x113: {  	[sflag:s6] =	ssyncadd.s32 $0xFFFFC000  }
0x114: {  	[tilespmem:s10], [sflag:$0x2] =	stream.linear.gather [hbm4b:s2+s3], $0x4000, $0x38;
	[tilespmem:$0x19100] =	vst v63  }
0x115: {  	_ =	swait.ge [sflag:s21], $0x4000  }
0x116: {  	s25 =	sld [smem:$0x7F0]  }
0x117: {  	[sflag:s21] =	ssyncset.done $0x0  }
0x118: {  	[sflag:s21] =	ssyncadd.s32 $0xFFFFC000  }
0x119: {  	[hbm4b:s25+s3] =	stream.linear.scatter [tilespmem:s18], [sflag:$0xB], $0x4000, $0x38;
	[tilespmem:$0x19100] =	vst v63  }
0x11a: {  	_ =	swait.ge [sflag:s15], $0x4000  }
0x11b: {  	s26 =	sld [smem:$0x7F1]  }
0x11c: {  	[sflag:s15] =	ssyncset.done $0x0  }
0x11d: {  	[sflag:s15] =	ssyncadd.s32 $0xFFFFC000  }
0x11e: {  	[tilespmem:s23], [sflag:$0x3] =	stream.linear.gather [hbm4b:s26+s3], $0x4000, $0x38;
	[tilespmem:$0x19100] =	vst v63  }
0x11f: {  	_ =	swait.ge [sflag:s19], $0x4000  }
0x120: {  	s2 =	sld [smem:$0x7F2]  }
0x121: {  	[sflag:s19] =	ssyncset.done $0x0  }
0x122: {  	[sflag:s19] =	ssyncadd.s32 $0xFFFFC000  }
0x123: {  	[hbm4b:s2+s3] =	stream.linear.scatter [tilespmem:s17], [sflag:$0xC], $0x4000, $0x38;
	[tilespmem:$0x19100] =	vst v63  }
0x124: {  	_ =	swait.ge [sflag:s16], $0x4000  }
0x125: {  	s25 =	sld [smem:$0x7F3]  }
0x126: {  	[sflag:s16] =	ssyncset.done $0x0  }
0x127: {  	[sflag:s16] =	ssyncadd.s32 $0xFFFFC000  }
0x128: {  	[tilespmem:s20], [sflag:$0x4] =	stream.linear.gather [hbm4b:s25+s3], $0x4000, $0x38;
	[tilespmem:$0x19100] =	vst v63  }
0x129: {  	_ =	swait.ge [sflag:s14], $0x4000  }
0x12a: {  	s26 =	sld [smem:$0x7F4]  }
0x12b: {  	[sflag:s14] =	ssyncset.done $0x0  }
0x12c: {  	[sflag:s14] =	ssyncadd.s32 $0xFFFFC000  }
0x12d: {  	[hbm4b:s26+s3] =	stream.linear.scatter [tilespmem:s3], [sflag:$0x7], $0x4000, $0x38;
	[tilespmem:$0x19100] =	vst v63  }
0x12e: {  	_ =	swait.ge [sflag:s13], $0x4000  }
0x12f: {  	s2 =	sld [smem:$0x7F5]  }
0x130: {  	[sflag:s13] =	ssyncset.done $0x0  }
0x131: {  	[sflag:s13] =	ssyncadd.s32 $0xFFFFC000  }
0x132: {  	[tilespmem:s18], [sflag:$0x5] =	stream.linear.gather [hbm4b:s2+s3], $0x4000, $0x38;
	[tilespmem:$0x19100] =	vst v63  }
0x133: {  	_ =	swait.ge [sflag:s11], $0x4000  }
0x134: {  	s25 =	sld [smem:$0x7F6]  }
0x135: {  	[sflag:s11] =	ssyncset.done $0x0  }
0x136: {  	[sflag:s11] =	ssyncadd.s32 $0xFFFFC000  }
0x137: {  	[hbm4b:s25+s3] =	stream.linear.scatter [tilespmem:s10], [sflag:$0x8], $0x4000, $0x38;
	[tilespmem:$0x19100] =	vst v63  }
0x138: {  	_ =	swait.ge [sflag:s12], $0x4000  }
0x139: {  	s26 =	sld [smem:$0x7F7]  }
0x13a: {  	[sflag:s12] =	ssyncset.done $0x0  }
0x13b: {  	[sflag:s12] =	ssyncadd.s32 $0xFFFFC000  }
0x13c: {  	[tilespmem:s17], [sflag:$0x6] =	stream.linear.gather [hbm4b:s26+s3], $0x4000, $0x38;
	[tilespmem:$0x19100] =	vst v63  }
0x13d: {  	_ =	swait.ge [sflag:s24], $0x4000  }
0x13e: {  	s2 =	sld [smem:$0x7F8]  }
0x13f: {  	[sflag:s24] =	ssyncset.done $0x0  }
0x140: {  	[sflag:s24] =	ssyncadd.s32 $0xFFFFC000  }
0x141: {  	[hbm4b:s2+s3] =	stream.linear.scatter [tilespmem:s23], [sflag:$0x9], $0x4000, $0x38;
	[tilespmem:$0x19100] =	vst v63  }
0x142: {  	_ =	swait.ge [sflag:s7], $0x4000  }
0x143: {  	s25 =	sld [smem:$0x7F9]  }
0x144: {  	[sflag:s7] =	ssyncset.done $0x0  }
0x145: {  	[sflag:s7] =	ssyncadd.s32 $0xFFFFC000  }
0x146: {  	[tilespmem:s3], [sflag:$0x1] =	stream.linear.gather [hbm4b:s25+s3], $0x4000, $0x38;
	[tilespmem:$0x19100] =	vst v63  }
0x147: {  	_ =	swait.ge [sflag:s22], $0x4000  }
0x148: {  	s26 =	sld [smem:$0x7FA]  }
0x149: {  	[sflag:s22] =	ssyncset.done $0x0  }
0x14a: {  	[sflag:s22] =	ssyncadd.s32 $0xFFFFC000  }
0x14b: {  	[hbm4b:s26+s3] =	stream.linear.scatter [tilespmem:s20], [sflag:$0xA], $0x4000, $0x38;
	[tilespmem:$0x19100] =	vst v63  }
0x14c: {  	_ =	swait.ge [sflag:s6], $0x4000  }
0x14d: {  	s2 =	sld [smem:$0x7FB]  }
0x14e: {  	[sflag:s6] =	ssyncset.done $0x0  }
0x14f: {  	[sflag:s6] =	ssyncadd.s32 $0xFFFFC000  }
0x150: {  	[tilespmem:s10], [sflag:$0x2] =	stream.linear.gather [hbm4b:s2+s3], $0x4000, $0x38;
	[tilespmem:$0x19100] =	vst v63  }
0x151: {  	_ =	swait.ge [sflag:s21], $0x4000  }
0x152: {  	s25 =	sld [smem:$0x7FC]  }
0x153: {  	[sflag:s21] =	ssyncset.done $0x0  }
0x154: {  	[sflag:s21] =	ssyncadd.s32 $0xFFFFC000  }
0x155: {  	[hbm4b:s25+s3] =	stream.linear.scatter [tilespmem:s18], [sflag:$0xB], $0x4000, $0x38;
	[tilespmem:$0x19100] =	vst v63  }
0x156: {  	_ =	swait.ge [sflag:s19], $0x4000  }
0x157: {  	s26 =	sld [smem:$0x7FD]  }
0x158: {  	[sflag:s19] =	ssyncset.done $0x0  }
0x159: {  	[sflag:s19] =	ssyncadd.s32 $0xFFFFC000  }
0x15a: {  	[hbm4b:s26+s3] =	stream.linear.scatter [tilespmem:s17], [sflag:$0xC], $0x4000, $0x38;
	[tilespmem:$0x19100] =	vst v63  }
0x15b: {  	_ =	swait.ge [sflag:s14], $0x4000  }
0x15c: {  	[sflag:s14] =	ssyncset.done $0x0  }
0x15d: {  	[sflag:s14] =	ssyncadd.s32 $0xFFFFC000  }
0x15e: {  	[hbm4b:s9+s3] =	stream.linear.scatter [tilespmem:s3], [sflag:$0x7], $0x4000, $0x38;
	[tilespmem:$0x19100] =	vst v63  }
0x15f: {  	_ =	swait.ge [sflag:s11], $0x4000  }
0x160: {  	[sflag:s11] =	ssyncset.done $0x0  }
0x161: {  	[sflag:s11] =	ssyncadd.s32 $0xFFFFC000  }
0x162: {  	[hbm4b:s8+s3] =	stream.linear.scatter [tilespmem:s10], [sflag:$0x8], $0x4000, $0x38;
	[tilespmem:$0x19100] =	vst v63  }
0x163: {  	_ =	swait.ge [sflag:s15], $0x4000  }
0x164: {  	[sflag:s15] =	ssyncset.done $0x0  }
0x165: {  	[sflag:s15] =	ssyncadd.s32 $0xFFFFC000  }
0x166: {  	_ =	swait.ge [sflag:s16], $0x4000  }
0x167: {  	[sflag:s16] =	ssyncset.done $0x0  }
0x168: {  	[sflag:s16] =	ssyncadd.s32 $0xFFFFC000  }
0x169: {  	_ =	swait.ge [sflag:s13], $0x4000  }
0x16a: {  	[sflag:s13] =	ssyncset.done $0x0  }
0x16b: {  	[sflag:s13] =	ssyncadd.s32 $0xFFFFC000  }
0x16c: {  	_ =	swait.ge [sflag:s12], $0x4000  }
0x16d: {  	[sflag:s12] =	ssyncset.done $0x0  }
0x16e: {  	[sflag:s12] =	ssyncadd.s32 $0xFFFFC000  }
0x16f: {  	_ =	swait.ge [sflag:s7], $0x4000  }
0x170: {  	[sflag:s7] =	ssyncset.done $0x0  }
0x171: {  	[sflag:s7] =	ssyncadd.s32 $0xFFFFC000  }
0x172: {  	_ =	swait.ge [sflag:s6], $0x4000  }
0x173: {  	s1 =	simm.s32 @!p0 $0x0;
	s25 =	simm.s32 @!p0 $0xE;
	[sflag:s6] =	ssyncset.done $0x0  }
0x174: {  	s26 =	smov.u32 s28;
	s28 =	simm.s32 @!p0 $0x19000;
	[sflag:s6] =	ssyncadd.s32 $0xFFFFC000  }
0x175: {  	[tilespmem:s28], [sflag:$0xE] =	stream.linear.gather @!p0 [hbm4b:s5+s1], $0x80, $0x38;
	[tilespmem:$0x19100] =	vst v63  }
0x176: {  	_ =	swait.ge @!p0 [sflag:s25], $0x80  }
0x177: {  	[sflag:s25] =	ssyncset.done @!p0 $0x0  }
0x178: {  	s30 =	simm.s32 @!p0 $0x19080;
	[sflag:s25] =	ssyncadd.s32 @!p0 $0xFFFFFF80  }
0x179: {  	[tilespmem:s30], [sflag:$0xE] =	stream.linear.gather @!p0 [hbm4b:s4+s1], $0x80, $0x38;
	[tilespmem:$0x19100] =	vst v63  }
0x17a: {  	s29 =	simm.s32 @!p0 $0xD;
	_ =	swait.ge @!p0 [sflag:s25], $0x80  }
0x17b: {  	s31 =	simm.s32 @!p0 $0x20;
	s0 =	sadd.s32 $0xFFFFFFFF, s0;
	[sflag:s25] =	ssyncset.done @!p0 $0x0  }
0x17c: {  	s1 =	simm.s32 @!p0 $0x18000;
	s2 =	rddreg [dreg:$0x5];
	[sflag:s25] =	ssyncadd.s32 @!p0 $0xFFFFFF80  }
0x17d: {  	[tilespmem:s1], [sflag:$0xD] =	stream.indirect.gather @!p0 [hbm4b:s2+s31], $0x80, s28, s31, $0xb8;
	[tilespmem:$0x19100] =	vst v63  }
0x17e: {  	p2 =	sne.s32 s0, $0x0;
	_ =	swait.ge @!p0 [sflag:s29], $0x1000  }
.Ltmp1:
0x17f: {  	[sflag:s29] =	ssyncset.done @!p0 $0x0;
	(pc) =	sbr.rel @!p2 .LBB2_3-.Ltmp1, $4  }
0x180: {  	[sflag:s29] =	ssyncadd.s32 @!p0 $0xFFFFF000  }
0x181: {  	[hbm4b:s26+s31] =	stream.indirect.scatter @!p0 [tilespmem:s1], [sflag:$0xD], $0x80, s30, s31, $0xb8;
	[tilespmem:$0x19100] =	vst v63  }
0x182: {  	_ =	swait.ge @!p0 [sflag:s29], $0x1000  }
0x183: {  	p1 =	por $0x1, $0x1;
	s2 =	rddreg [dreg:$0x6];
	[sflag:s29] =	ssyncset.done @!p0 $0x0  }
.LBB2_4:
0x184: {  	[sflag:s29] =	ssyncadd.s32 @!p0 $0xFFFFF000;
	s26 =	smov.u32 s9;
	s9 =	smov.u32 s8  }
0x185: {  	[tilespmem:s3], [sflag:$0x1] =	stream.linear.gather [hbm4b:s2+s3], $0x4000, $0x38;
	[tilespmem:$0x19100] =	vst v63  }
0x186: {  	s8 =	smov.u32 s5;
	s5 =	smov.u32 s4;
	s4 =	rddreg [dreg:$0x7]  }
0x187: {  	[tilespmem:s10], [sflag:$0x2] =	stream.linear.gather [hbm4b:s4+s3], $0x4000, $0x38;
	[tilespmem:$0x19100] =	vst v63  }
0x188: {  	s2 =	rddreg [dreg:$0x8]  }
0x189: {  	[tilespmem:s23], [sflag:$0x3] =	stream.linear.gather [hbm4b:s2+s3], $0x4000, $0x38;
	[tilespmem:$0x19100] =	vst v63  }
0x18a: {  	s4 =	rddreg [dreg:$0x9]  }
0x18b: {  	[tilespmem:s20], [sflag:$0x4] =	stream.linear.gather [hbm4b:s4+s3], $0x4000, $0x38;
	[tilespmem:$0x19100] =	vst v63  }
0x18c: {  	_ =	swait.ge [sflag:s14], $0x4000  }
0x18d: {  	[sflag:s14] =	ssyncset.done $0x0  }
0x18e: {  	s2 =	rddreg [dreg:$0xa];
	[sflag:s14] =	ssyncadd.s32 $0xFFFFC000  }
0x18f: {  	[hbm4b:s2+s3] =	stream.linear.scatter [tilespmem:s3], [sflag:$0x7], $0x4000, $0x38;
	[tilespmem:$0x19100] =	vst v63  }
0x190: {  	s4 =	rddreg [dreg:$0xb]  }
0x191: {  	[tilespmem:s18], [sflag:$0x5] =	stream.linear.gather [hbm4b:s4+s3], $0x4000, $0x38;
	[tilespmem:$0x19100] =	vst v63  }
0x192: {  	_ =	swait.ge [sflag:s11], $0x4000  }
0x193: {  	[sflag:s11] =	ssyncset.done $0x0  }
0x194: {  	s2 =	rddreg [dreg:$0xc];
	[sflag:s11] =	ssyncadd.s32 $0xFFFFC000  }
0x195: {  	[hbm4b:s2+s3] =	stream.linear.scatter [tilespmem:s10], [sflag:$0x8], $0x4000, $0x38;
	[tilespmem:$0x19100] =	vst v63  }
0x196: {  	s4 =	rddreg [dreg:$0xd]  }
0x197: {  	[tilespmem:s17], [sflag:$0x6] =	stream.linear.gather [hbm4b:s4+s3], $0x4000, $0x38;
	[tilespmem:$0x19100] =	vst v63  }
0x198: {  	_ =	swait.ge [sflag:s24], $0x4000  }
0x199: {  	[sflag:s24] =	ssyncset.done $0x0  }
0x19a: {  	s2 =	rddreg [dreg:$0xe];
	[sflag:s24] =	ssyncadd.s32 $0xFFFFC000  }
0x19b: {  	[hbm4b:s2+s3] =	stream.linear.scatter [tilespmem:s23], [sflag:$0x9], $0x4000, $0x38;
	[tilespmem:$0x19100] =	vst v63  }
0x19c: {  	_ =	swait.ge [sflag:s7], $0x4000  }
0x19d: {  	[sflag:s7] =	ssyncset.done $0x0  }
0x19e: {  	s2 =	rddreg [dreg:$0xf];
	[sflag:s7] =	ssyncadd.s32 $0xFFFFC000  }
0x19f: {  	[tilespmem:s3], [sflag:$0x1] =	stream.linear.gather [hbm4b:s2+s3], $0x4000, $0x38;
	[tilespmem:$0x19100] =	vst v63  }
0x1a0: {  	_ =	swait.ge [sflag:s22], $0x4000  }
0x1a1: {  	[sflag:s22] =	ssyncset.done $0x0  }
0x1a2: {  	s2 =	rddreg [dreg:$0x10];
	[sflag:s22] =	ssyncadd.s32 $0xFFFFC000  }
0x1a3: {  	[hbm4b:s2+s3] =	stream.linear.scatter [tilespmem:s20], [sflag:$0xA], $0x4000, $0x38;
	[tilespmem:$0x19100] =	vst v63  }
0x1a4: {  	_ =	swait.ge [sflag:s6], $0x4000  }
0x1a5: {  	[sflag:s6] =	ssyncset.done $0x0  }
0x1a6: {  	s2 =	rddreg [dreg:$0x11];
	[sflag:s6] =	ssyncadd.s32 $0xFFFFC000  }
0x1a7: {  	[tilespmem:s10], [sflag:$0x2] =	stream.linear.gather [hbm4b:s2+s3], $0x4000, $0x38;
	[tilespmem:$0x19100] =	vst v63  }
0x1a8: {  	_ =	swait.ge [sflag:s21], $0x4000  }
0x1a9: {  	[sflag:s21] =	ssyncset.done $0x0  }
0x1aa: {  	s2 =	rddreg [dreg:$0x12];
	[sflag:s21] =	ssyncadd.s32 $0xFFFFC000  }
0x1ab: {  	[hbm4b:s2+s3] =	stream.linear.scatter [tilespmem:s18], [sflag:$0xB], $0x4000, $0x38;
	[tilespmem:$0x19100] =	vst v63  }
0x1ac: {  	_ =	swait.ge [sflag:s15], $0x4000  }
0x1ad: {  	[sflag:s15] =	ssyncset.done $0x0  }
0x1ae: {  	s2 =	rddreg [dreg:$0x13];
	[sflag:s15] =	ssyncadd.s32 $0xFFFFC000  }
0x1af: {  	[tilespmem:s23], [sflag:$0x3] =	stream.linear.gather [hbm4b:s2+s3], $0x4000, $0x38;
	[tilespmem:$0x19100] =	vst v63  }
0x1b0: {  	_ =	swait.ge [sflag:s19], $0x4000  }
0x1b1: {  	[sflag:s19] =	ssyncset.done $0x0  }
0x1b2: {  	s2 =	rddreg [dreg:$0x14];
	[sflag:s19] =	ssyncadd.s32 $0xFFFFC000  }
0x1b3: {  	[hbm4b:s2+s3] =	stream.linear.scatter [tilespmem:s17], [sflag:$0xC], $0x4000, $0x38;
	[tilespmem:$0x19100] =	vst v63  }
0x1b4: {  	_ =	swait.ge [sflag:s16], $0x4000  }
0x1b5: {  	[sflag:s16] =	ssyncset.done $0x0  }
0x1b6: {  	s2 =	rddreg [dreg:$0x15];
	[sflag:s16] =	ssyncadd.s32 $0xFFFFC000  }
0x1b7: {  	[tilespmem:s20], [sflag:$0x4] =	stream.linear.gather [hbm4b:s2+s3], $0x4000, $0x38;
	[tilespmem:$0x19100] =	vst v63  }
0x1b8: {  	_ =	swait.ge [sflag:s14], $0x4000  }
0x1b9: {  	[sflag:s14] =	ssyncset.done $0x0  }
0x1ba: {  	s2 =	rddreg [dreg:$0x16];
	[sflag:s14] =	ssyncadd.s32 $0xFFFFC000  }
0x1bb: {  	[hbm4b:s2+s3] =	stream.linear.scatter [tilespmem:s3], [sflag:$0x7], $0x4000, $0x38;
	[tilespmem:$0x19100] =	vst v63  }
0x1bc: {  	_ =	swait.ge [sflag:s13], $0x4000  }
0x1bd: {  	[sflag:s13] =	ssyncset.done $0x0  }
0x1be: {  	s2 =	rddreg [dreg:$0x17];
	[sflag:s13] =	ssyncadd.s32 $0xFFFFC000  }
0x1bf: {  	[tilespmem:s18], [sflag:$0x5] =	stream.linear.gather [hbm4b:s2+s3], $0x4000, $0x38;
	[tilespmem:$0x19100] =	vst v63  }
0x1c0: {  	_ =	swait.ge [sflag:s11], $0x4000  }
0x1c1: {  	[sflag:s11] =	ssyncset.done $0x0  }
0x1c2: {  	s2 =	rddreg [dreg:$0x18];
	[sflag:s11] =	ssyncadd.s32 $0xFFFFC000  }
0x1c3: {  	[hbm4b:s2+s3] =	stream.linear.scatter [tilespmem:s10], [sflag:$0x8], $0x4000, $0x38;
	[tilespmem:$0x19100] =	vst v63  }
0x1c4: {  	_ =	swait.ge [sflag:s12], $0x4000  }
0x1c5: {  	[sflag:s12] =	ssyncset.done $0x0  }
0x1c6: {  	s2 =	rddreg [dreg:$0x19];
	[sflag:s12] =	ssyncadd.s32 $0xFFFFC000  }
0x1c7: {  	[tilespmem:s17], [sflag:$0x6] =	stream.linear.gather [hbm4b:s2+s3], $0x4000, $0x38;
	[tilespmem:$0x19100] =	vst v63  }
0x1c8: {  	_ =	swait.ge [sflag:s24], $0x4000  }
0x1c9: {  	[sflag:s24] =	ssyncset.done $0x0  }
0x1ca: {  	s2 =	rddreg [dreg:$0x1a];
	[sflag:s24] =	ssyncadd.s32 $0xFFFFC000  }
0x1cb: {  	[hbm4b:s2+s3] =	stream.linear.scatter [tilespmem:s23], [sflag:$0x9], $0x4000, $0x38;
	[tilespmem:$0x19100] =	vst v63  }
0x1cc: {  	_ =	swait.ge [sflag:s7], $0x4000  }
0x1cd: {  	[sflag:s7] =	ssyncset.done $0x0  }
0x1ce: {  	s2 =	rddreg [dreg:$0x1b];
	[sflag:s7] =	ssyncadd.s32 $0xFFFFC000  }
0x1cf: {  	[tilespmem:s3], [sflag:$0x1] =	stream.linear.gather [hbm4b:s2+s3], $0x4000, $0x38;
	[tilespmem:$0x19100] =	vst v63  }
0x1d0: {  	_ =	swait.ge [sflag:s22], $0x4000  }
0x1d1: {  	[sflag:s22] =	ssyncset.done $0x0  }
0x1d2: {  	s2 =	rddreg [dreg:$0x1c];
	[sflag:s22] =	ssyncadd.s32 $0xFFFFC000  }
0x1d3: {  	[hbm4b:s2+s3] =	stream.linear.scatter [tilespmem:s20], [sflag:$0xA], $0x4000, $0x38;
	[tilespmem:$0x19100] =	vst v63  }
0x1d4: {  	_ =	swait.ge [sflag:s6], $0x4000  }
0x1d5: {  	[sflag:s6] =	ssyncset.done $0x0  }
0x1d6: {  	s2 =	rddreg [dreg:$0x1d];
	[sflag:s6] =	ssyncadd.s32 $0xFFFFC000  }
0x1d7: {  	[tilespmem:s10], [sflag:$0x2] =	stream.linear.gather [hbm4b:s2+s3], $0x4000, $0x38;
	[tilespmem:$0x19100] =	vst v63  }
0x1d8: {  	_ =	swait.ge [sflag:s21], $0x4000  }
0x1d9: {  	[sflag:s21] =	ssyncset.done $0x0  }
0x1da: {  	s2 =	rddreg [dreg:$0x1e];
	[sflag:s21] =	ssyncadd.s32 $0xFFFFC000  }
0x1db: {  	[hbm4b:s2+s3] =	stream.linear.scatter [tilespmem:s18], [sflag:$0xB], $0x4000, $0x38;
	[tilespmem:$0x19100] =	vst v63  }
0x1dc: {  	_ =	swait.ge [sflag:s15], $0x4000  }
0x1dd: {  	[sflag:s15] =	ssyncset.done $0x0  }
0x1de: {  	s2 =	rddreg [dreg:$0x1f];
	[sflag:s15] =	ssyncadd.s32 $0xFFFFC000  }
0x1df: {  	[tilespmem:s23], [sflag:$0x3] =	stream.linear.gather [hbm4b:s2+s3], $0x4000, $0x38;
	[tilespmem:$0x19100] =	vst v63  }
0x1e0: {  	_ =	swait.ge [sflag:s19], $0x4000  }
0x1e1: {  	s2 =	sld [smem:$0x7DA]  }
0x1e2: {  	[sflag:s19] =	ssyncset.done $0x0  }
0x1e3: {  	[sflag:s19] =	ssyncadd.s32 $0xFFFFC000  }
0x1e4: {  	[hbm4b:s2+s3] =	stream.linear.scatter [tilespmem:s17], [sflag:$0xC], $0x4000, $0x38;
	[tilespmem:$0x19100] =	vst v63  }
0x1e5: {  	_ =	swait.ge [sflag:s16], $0x4000  }
0x1e6: {  	s2 =	sld [smem:$0x7DB]  }
0x1e7: {  	[sflag:s16] =	ssyncset.done $0x0  }
0x1e8: {  	[sflag:s16] =	ssyncadd.s32 $0xFFFFC000  }
0x1e9: {  	[tilespmem:s20], [sflag:$0x4] =	stream.linear.gather [hbm4b:s2+s3], $0x4000, $0x38;
	[tilespmem:$0x19100] =	vst v63  }
0x1ea: {  	_ =	swait.ge [sflag:s14], $0x4000  }
0x1eb: {  	s2 =	sld [smem:$0x7DC]  }
0x1ec: {  	[sflag:s14] =	ssyncset.done $0x0  }
0x1ed: {  	[sflag:s14] =	ssyncadd.s32 $0xFFFFC000  }
0x1ee: {  	[hbm4b:s2+s3] =	stream.linear.scatter [tilespmem:s3], [sflag:$0x7], $0x4000, $0x38;
	[tilespmem:$0x19100] =	vst v63  }
0x1ef: {  	_ =	swait.ge [sflag:s13], $0x4000  }
0x1f0: {  	s2 =	sld [smem:$0x7DD]  }
0x1f1: {  	[sflag:s13] =	ssyncset.done $0x0  }
0x1f2: {  	[sflag:s13] =	ssyncadd.s32 $0xFFFFC000  }
0x1f3: {  	[tilespmem:s18], [sflag:$0x5] =	stream.linear.gather [hbm4b:s2+s3], $0x4000, $0x38;
	[tilespmem:$0x19100] =	vst v63  }
0x1f4: {  	_ =	swait.ge [sflag:s11], $0x4000  }
0x1f5: {  	s2 =	sld [smem:$0x7DE]  }
0x1f6: {  	[sflag:s11] =	ssyncset.done $0x0  }
0x1f7: {  	[sflag:s11] =	ssyncadd.s32 $0xFFFFC000  }
0x1f8: {  	[hbm4b:s2+s3] =	stream.linear.scatter [tilespmem:s10], [sflag:$0x8], $0x4000, $0x38;
	[tilespmem:$0x19100] =	vst v63  }
0x1f9: {  	_ =	swait.ge [sflag:s12], $0x4000  }
0x1fa: {  	s2 =	sld [smem:$0x7DF]  }
0x1fb: {  	[sflag:s12] =	ssyncset.done $0x0  }
0x1fc: {  	[sflag:s12] =	ssyncadd.s32 $0xFFFFC000  }
0x1fd: {  	[tilespmem:s17], [sflag:$0x6] =	stream.linear.gather [hbm4b:s2+s3], $0x4000, $0x38;
	[tilespmem:$0x19100] =	vst v63  }
0x1fe: {  	_ =	swait.ge [sflag:s24], $0x4000  }
0x1ff: {  	s2 =	sld [smem:$0x7E0]  }
0x200: {  	[sflag:s24] =	ssyncset.done $0x0  }
0x201: {  	[sflag:s24] =	ssyncadd.s32 $0xFFFFC000  }
0x202: {  	[hbm4b:s2+s3] =	stream.linear.scatter [tilespmem:s23], [sflag:$0x9], $0x4000, $0x38;
	[tilespmem:$0x19100] =	vst v63  }
0x203: {  	_ =	swait.ge [sflag:s7], $0x4000  }
0x204: {  	s2 =	sld [smem:$0x7E1]  }
0x205: {  	[sflag:s7] =	ssyncset.done $0x0  }
0x206: {  	[sflag:s7] =	ssyncadd.s32 $0xFFFFC000  }
0x207: {  	[tilespmem:s3], [sflag:$0x1] =	stream.linear.gather [hbm4b:s2+s3], $0x4000, $0x38;
	[tilespmem:$0x19100] =	vst v63  }
0x208: {  	_ =	swait.ge [sflag:s22], $0x4000  }
0x209: {  	s2 =	sld [smem:$0x7E2]  }
0x20a: {  	[sflag:s22] =	ssyncset.done $0x0  }
0x20b: {  	[sflag:s22] =	ssyncadd.s32 $0xFFFFC000  }
0x20c: {  	[hbm4b:s2+s3] =	stream.linear.scatter [tilespmem:s20], [sflag:$0xA], $0x4000, $0x38;
	[tilespmem:$0x19100] =	vst v63  }
0x20d: {  	_ =	swait.ge [sflag:s6], $0x4000  }
0x20e: {  	s2 =	sld [smem:$0x7E3]  }
0x20f: {  	[sflag:s6] =	ssyncset.done $0x0  }
0x210: {  	[sflag:s6] =	ssyncadd.s32 $0xFFFFC000  }
0x211: {  	[tilespmem:s10], [sflag:$0x2] =	stream.linear.gather [hbm4b:s2+s3], $0x4000, $0x38;
	[tilespmem:$0x19100] =	vst v63  }
0x212: {  	_ =	swait.ge [sflag:s21], $0x4000  }
0x213: {  	s2 =	sld [smem:$0x7E4]  }
0x214: {  	[sflag:s21] =	ssyncset.done $0x0  }
0x215: {  	[sflag:s21] =	ssyncadd.s32 $0xFFFFC000  }
0x216: {  	[hbm4b:s2+s3] =	stream.linear.scatter [tilespmem:s18], [sflag:$0xB], $0x4000, $0x38;
	[tilespmem:$0x19100] =	vst v63  }
0x217: {  	_ =	swait.ge [sflag:s15], $0x4000  }
0x218: {  	s2 =	sld [smem:$0x7E5]  }
0x219: {  	[sflag:s15] =	ssyncset.done $0x0  }
0x21a: {  	[sflag:s15] =	ssyncadd.s32 $0xFFFFC000  }
0x21b: {  	[tilespmem:s23], [sflag:$0x3] =	stream.linear.gather [hbm4b:s2+s3], $0x4000, $0x38;
	[tilespmem:$0x19100] =	vst v63  }
0x21c: {  	_ =	swait.ge [sflag:s19], $0x4000  }
0x21d: {  	s2 =	sld [smem:$0x7E6]  }
0x21e: {  	[sflag:s19] =	ssyncset.done $0x0  }
0x21f: {  	[sflag:s19] =	ssyncadd.s32 $0xFFFFC000  }
0x220: {  	[hbm4b:s2+s3] =	stream.linear.scatter [tilespmem:s17], [sflag:$0xC], $0x4000, $0x38;
	[tilespmem:$0x19100] =	vst v63  }
0x221: {  	_ =	swait.ge [sflag:s16], $0x4000  }
0x222: {  	s2 =	sld [smem:$0x7E7]  }
0x223: {  	[sflag:s16] =	ssyncset.done $0x0  }
0x224: {  	[sflag:s16] =	ssyncadd.s32 $0xFFFFC000  }
0x225: {  	[tilespmem:s20], [sflag:$0x4] =	stream.linear.gather [hbm4b:s2+s3], $0x4000, $0x38;
	[tilespmem:$0x19100] =	vst v63  }
0x226: {  	_ =	swait.ge [sflag:s14], $0x4000  }
0x227: {  	s2 =	sld [smem:$0x7E8]  }
0x228: {  	[sflag:s14] =	ssyncset.done $0x0  }
0x229: {  	[sflag:s14] =	ssyncadd.s32 $0xFFFFC000  }
0x22a: {  	[hbm4b:s2+s3] =	stream.linear.scatter [tilespmem:s3], [sflag:$0x7], $0x4000, $0x38;
	[tilespmem:$0x19100] =	vst v63  }
0x22b: {  	_ =	swait.ge [sflag:s13], $0x4000  }
0x22c: {  	s2 =	sld [smem:$0x7E9]  }
0x22d: {  	[sflag:s13] =	ssyncset.done $0x0  }
0x22e: {  	[sflag:s13] =	ssyncadd.s32 $0xFFFFC000  }
0x22f: {  	[tilespmem:s18], [sflag:$0x5] =	stream.linear.gather [hbm4b:s2+s3], $0x4000, $0x38;
	[tilespmem:$0x19100] =	vst v63  }
0x230: {  	_ =	swait.ge [sflag:s11], $0x4000  }
0x231: {  	s2 =	sld [smem:$0x7EA]  }
0x232: {  	[sflag:s11] =	ssyncset.done $0x0  }
0x233: {  	[sflag:s11] =	ssyncadd.s32 $0xFFFFC000  }
0x234: {  	[hbm4b:s2+s3] =	stream.linear.scatter [tilespmem:s10], [sflag:$0x8], $0x4000, $0x38;
	[tilespmem:$0x19100] =	vst v63  }
0x235: {  	_ =	swait.ge [sflag:s12], $0x4000  }
0x236: {  	s2 =	sld [smem:$0x7EB]  }
0x237: {  	[sflag:s12] =	ssyncset.done $0x0  }
0x238: {  	[sflag:s12] =	ssyncadd.s32 $0xFFFFC000  }
0x239: {  	[tilespmem:s17], [sflag:$0x6] =	stream.linear.gather [hbm4b:s2+s3], $0x4000, $0x38;
	[tilespmem:$0x19100] =	vst v63  }
0x23a: {  	_ =	swait.ge [sflag:s24], $0x4000  }
0x23b: {  	s2 =	sld [smem:$0x7EC]  }
0x23c: {  	[sflag:s24] =	ssyncset.done $0x0  }
0x23d: {  	[sflag:s24] =	ssyncadd.s32 $0xFFFFC000  }
0x23e: {  	[hbm4b:s2+s3] =	stream.linear.scatter [tilespmem:s23], [sflag:$0x9], $0x4000, $0x38;
	[tilespmem:$0x19100] =	vst v63  }
0x23f: {  	_ =	swait.ge [sflag:s7], $0x4000  }
0x240: {  	s2 =	sld [smem:$0x7ED]  }
0x241: {  	[sflag:s7] =	ssyncset.done $0x0  }
0x242: {  	[sflag:s7] =	ssyncadd.s32 $0xFFFFC000  }
0x243: {  	[tilespmem:s3], [sflag:$0x1] =	stream.linear.gather [hbm4b:s2+s3], $0x4000, $0x38;
	[tilespmem:$0x19100] =	vst v63  }
0x244: {  	_ =	swait.ge [sflag:s22], $0x4000  }
0x245: {  	s2 =	sld [smem:$0x7EE]  }
0x246: {  	[sflag:s22] =	ssyncset.done $0x0  }
0x247: {  	[sflag:s22] =	ssyncadd.s32 $0xFFFFC000  }
0x248: {  	[hbm4b:s2+s3] =	stream.linear.scatter [tilespmem:s20], [sflag:$0xA], $0x4000, $0x38;
	[tilespmem:$0x19100] =	vst v63  }
0x249: {  	_ =	swait.ge [sflag:s6], $0x4000  }
0x24a: {  	s2 =	sld [smem:$0x7EF]  }
0x24b: {  	[sflag:s6] =	ssyncset.done $0x0  }
0x24c: {  	[sflag:s6] =	ssyncadd.s32 $0xFFFFC000  }
0x24d: {  	[tilespmem:s10], [sflag:$0x2] =	stream.linear.gather [hbm4b:s2+s3], $0x4000, $0x38;
	[tilespmem:$0x19100] =	vst v63  }
0x24e: {  	_ =	swait.ge [sflag:s21], $0x4000  }
0x24f: {  	s2 =	sld [smem:$0x7F0]  }
0x250: {  	[sflag:s21] =	ssyncset.done $0x0  }
0x251: {  	[sflag:s21] =	ssyncadd.s32 $0xFFFFC000  }
0x252: {  	[hbm4b:s2+s3] =	stream.linear.scatter [tilespmem:s18], [sflag:$0xB], $0x4000, $0x38;
	[tilespmem:$0x19100] =	vst v63  }
0x253: {  	_ =	swait.ge [sflag:s15], $0x4000  }
0x254: {  	s2 =	sld [smem:$0x7F1]  }
0x255: {  	[sflag:s15] =	ssyncset.done $0x0  }
0x256: {  	[sflag:s15] =	ssyncadd.s32 $0xFFFFC000  }
0x257: {  	[tilespmem:s23], [sflag:$0x3] =	stream.linear.gather [hbm4b:s2+s3], $0x4000, $0x38;
	[tilespmem:$0x19100] =	vst v63  }
0x258: {  	_ =	swait.ge [sflag:s19], $0x4000  }
0x259: {  	s2 =	sld [smem:$0x7F2]  }
0x25a: {  	[sflag:s19] =	ssyncset.done $0x0  }
0x25b: {  	[sflag:s19] =	ssyncadd.s32 $0xFFFFC000  }
0x25c: {  	[hbm4b:s2+s3] =	stream.linear.scatter [tilespmem:s17], [sflag:$0xC], $0x4000, $0x38;
	[tilespmem:$0x19100] =	vst v63  }
0x25d: {  	_ =	swait.ge [sflag:s16], $0x4000  }
0x25e: {  	s2 =	sld [smem:$0x7F3]  }
0x25f: {  	[sflag:s16] =	ssyncset.done $0x0  }
0x260: {  	[sflag:s16] =	ssyncadd.s32 $0xFFFFC000  }
0x261: {  	[tilespmem:s20], [sflag:$0x4] =	stream.linear.gather [hbm4b:s2+s3], $0x4000, $0x38;
	[tilespmem:$0x19100] =	vst v63  }
0x262: {  	_ =	swait.ge [sflag:s14], $0x4000  }
0x263: {  	s2 =	sld [smem:$0x7F4]  }
0x264: {  	[sflag:s14] =	ssyncset.done $0x0  }
0x265: {  	[sflag:s14] =	ssyncadd.s32 $0xFFFFC000  }
0x266: {  	[hbm4b:s2+s3] =	stream.linear.scatter [tilespmem:s3], [sflag:$0x7], $0x4000, $0x38;
	[tilespmem:$0x19100] =	vst v63  }
0x267: {  	_ =	swait.ge [sflag:s13], $0x4000  }
0x268: {  	s2 =	sld [smem:$0x7F5]  }
0x269: {  	[sflag:s13] =	ssyncset.done $0x0  }
0x26a: {  	[sflag:s13] =	ssyncadd.s32 $0xFFFFC000  }
0x26b: {  	[tilespmem:s18], [sflag:$0x5] =	stream.linear.gather [hbm4b:s2+s3], $0x4000, $0x38;
	[tilespmem:$0x19100] =	vst v63  }
0x26c: {  	_ =	swait.ge [sflag:s11], $0x4000  }
0x26d: {  	s2 =	sld [smem:$0x7F6]  }
0x26e: {  	[sflag:s11] =	ssyncset.done $0x0  }
0x26f: {  	[sflag:s11] =	ssyncadd.s32 $0xFFFFC000  }
0x270: {  	[hbm4b:s2+s3] =	stream.linear.scatter [tilespmem:s10], [sflag:$0x8], $0x4000, $0x38;
	[tilespmem:$0x19100] =	vst v63  }
0x271: {  	_ =	swait.ge [sflag:s12], $0x4000  }
0x272: {  	s2 =	sld [smem:$0x7F7]  }
0x273: {  	[sflag:s12] =	ssyncset.done $0x0  }
0x274: {  	[sflag:s12] =	ssyncadd.s32 $0xFFFFC000  }
0x275: {  	[tilespmem:s17], [sflag:$0x6] =	stream.linear.gather [hbm4b:s2+s3], $0x4000, $0x38;
	[tilespmem:$0x19100] =	vst v63  }
0x276: {  	_ =	swait.ge [sflag:s24], $0x4000  }
0x277: {  	s2 =	sld [smem:$0x7F8]  }
0x278: {  	[sflag:s24] =	ssyncset.done $0x0  }
0x279: {  	[sflag:s24] =	ssyncadd.s32 $0xFFFFC000  }
0x27a: {  	[hbm4b:s2+s3] =	stream.linear.scatter [tilespmem:s23], [sflag:$0x9], $0x4000, $0x38;
	[tilespmem:$0x19100] =	vst v63  }
0x27b: {  	_ =	swait.ge [sflag:s7], $0x4000  }
0x27c: {  	s2 =	sld [smem:$0x7F9]  }
0x27d: {  	[sflag:s7] =	ssyncset.done $0x0  }
0x27e: {  	[sflag:s7] =	ssyncadd.s32 $0xFFFFC000  }
0x27f: {  	[tilespmem:s3], [sflag:$0x1] =	stream.linear.gather [hbm4b:s2+s3], $0x4000, $0x38;
	[tilespmem:$0x19100] =	vst v63  }
0x280: {  	_ =	swait.ge [sflag:s22], $0x4000  }
0x281: {  	s2 =	sld [smem:$0x7FA]  }
0x282: {  	[sflag:s22] =	ssyncset.done $0x0  }
0x283: {  	[sflag:s22] =	ssyncadd.s32 $0xFFFFC000  }
0x284: {  	[hbm4b:s2+s3] =	stream.linear.scatter [tilespmem:s20], [sflag:$0xA], $0x4000, $0x38;
	[tilespmem:$0x19100] =	vst v63  }
0x285: {  	_ =	swait.ge [sflag:s6], $0x4000  }
0x286: {  	s2 =	sld [smem:$0x7FB]  }
0x287: {  	[sflag:s6] =	ssyncset.done $0x0  }
0x288: {  	[sflag:s6] =	ssyncadd.s32 $0xFFFFC000  }
0x289: {  	[tilespmem:s10], [sflag:$0x2] =	stream.linear.gather [hbm4b:s2+s3], $0x4000, $0x38;
	[tilespmem:$0x19100] =	vst v63  }
0x28a: {  	_ =	swait.ge [sflag:s21], $0x4000  }
0x28b: {  	s2 =	sld [smem:$0x7FC]  }
0x28c: {  	[sflag:s21] =	ssyncset.done $0x0  }
0x28d: {  	[sflag:s21] =	ssyncadd.s32 $0xFFFFC000  }
0x28e: {  	[hbm4b:s2+s3] =	stream.linear.scatter [tilespmem:s18], [sflag:$0xB], $0x4000, $0x38;
	[tilespmem:$0x19100] =	vst v63  }
0x28f: {  	_ =	swait.ge [sflag:s19], $0x4000  }
0x290: {  	s2 =	sld [smem:$0x7FD]  }
0x291: {  	[sflag:s19] =	ssyncset.done $0x0  }
0x292: {  	[sflag:s19] =	ssyncadd.s32 $0xFFFFC000  }
0x293: {  	[hbm4b:s2+s3] =	stream.linear.scatter [tilespmem:s17], [sflag:$0xC], $0x4000, $0x38;
	[tilespmem:$0x19100] =	vst v63  }
0x294: {  	_ =	swait.ge [sflag:s14], $0x4000  }
0x295: {  	[sflag:s14] =	ssyncset.done $0x0  }
0x296: {  	[sflag:s14] =	ssyncadd.s32 $0xFFFFC000  }
0x297: {  	[hbm4b:s26+s3] =	stream.linear.scatter [tilespmem:s3], [sflag:$0x7], $0x4000, $0x38;
	[tilespmem:$0x19100] =	vst v63  }
0x298: {  	_ =	swait.ge [sflag:s11], $0x4000  }
0x299: {  	s4 =	smov.u32 s5;
	[sflag:s11] =	ssyncset.done $0x0  }
0x29a: {  	s5 =	smov.u32 s8;
	s8 =	smov.u32 s9;
	[sflag:s11] =	ssyncadd.s32 $0xFFFFC000  }
0x29b: {  	[hbm4b:s8+s3] =	stream.linear.scatter [tilespmem:s10], [sflag:$0x8], $0x4000, $0x38;
	[tilespmem:$0x19100] =	vst v63  }
0x29c: {  	_ =	swait.ge [sflag:s15], $0x4000  }
0x29d: {  	[sflag:s15] =	ssyncset.done $0x0  }
0x29e: {  	[sflag:s15] =	ssyncadd.s32 $0xFFFFC000  }
0x29f: {  	_ =	swait.ge [sflag:s16], $0x4000  }
0x2a0: {  	[sflag:s16] =	ssyncset.done $0x0  }
0x2a1: {  	[sflag:s16] =	ssyncadd.s32 $0xFFFFC000  }
0x2a2: {  	_ =	swait.ge [sflag:s13], $0x4000  }
0x2a3: {  	[sflag:s13] =	ssyncset.done $0x0  }
0x2a4: {  	[sflag:s13] =	ssyncadd.s32 $0xFFFFC000  }
0x2a5: {  	_ =	swait.ge [sflag:s12], $0x4000  }
0x2a6: {  	[sflag:s12] =	ssyncset.done $0x0  }
0x2a7: {  	[sflag:s12] =	ssyncadd.s32 $0xFFFFC000  }
0x2a8: {  	_ =	swait.ge [sflag:s7], $0x4000  }
0x2a9: {  	[sflag:s7] =	ssyncset.done $0x0  }
0x2aa: {  	[sflag:s7] =	ssyncadd.s32 $0xFFFFC000  }
0x2ab: {  	_ =	swait.ge [sflag:s6], $0x4000  }
0x2ac: {  	[sflag:s6] =	ssyncset.done $0x0  }
0x2ad: {  	s2 =	simm.s32 @!p0 $0x0;
	[sflag:s6] =	ssyncadd.s32 $0xFFFFC000  }
0x2ae: {  	[tilespmem:s28], [sflag:$0xE] =	stream.linear.gather @!p0 [hbm4b:s5+s2], $0x80, $0x38;
	[tilespmem:$0x19100] =	vst v63  }
0x2af: {  	_ =	swait.ge @!p0 [sflag:s25], $0x80  }
0x2b0: {  	[sflag:s25] =	ssyncset.done @!p0 $0x0  }
0x2b1: {  	[sflag:s25] =	ssyncadd.s32 @!p0 $0xFFFFFF80  }
0x2b2: {  	[tilespmem:s30], [sflag:$0xE] =	stream.linear.gather @!p0 [hbm4b:s4+s2], $0x80, $0x38;
	[tilespmem:$0x19100] =	vst v63  }
0x2b3: {  	_ =	swait.ge @!p0 [sflag:s25], $0x80  }
0x2b4: {  	[sflag:s25] =	ssyncset.done @!p0 $0x0  }
0x2b5: {  	s2 =	rddreg [dreg:$0x5];
	[sflag:s25] =	ssyncadd.s32 @!p0 $0xFFFFFF80  }
0x2b6: {  	[tilespmem:s1], [sflag:$0xD] =	stream.indirect.gather @!p0 [hbm4b:s2+s31], $0x80, s28, s31, $0xb8;
	[tilespmem:$0x19100] =	vst v63  }
0x2b7: {  	s0 =	sadd.s32 $0xFFFFFFFF, s0;
	_ =	swait.ge @!p0 [sflag:s29], $0x1000  }
0x2b8: {  	p2 =	sne.s32 s0, $0x0;
	[sflag:s29] =	ssyncset.done @!p0 $0x0  }
.Ltmp2:
0x2b9: {  	[sflag:s29] =	ssyncadd.s32 @!p0 $0xFFFFF000;
	(pc) =	sbr.rel @p2 .LBB2_4-.Ltmp2, $4  }
0x2ba: {  	s2 =	rddreg [dreg:$0x3]  }
0x2bb: {  	[hbm4b:s2+s31] =	stream.indirect.scatter @!p0 [tilespmem:s1], [sflag:$0xD], $0x80, s30, s31, $0xb8;
	[tilespmem:$0x19100] =	vst v63  }
0x2bc: {  	_ =	swait.ge @!p0 [sflag:s29], $0x1000  }
0x2bd: {  	s9 =	smov.u32 s26;
	s2 =	rddreg [dreg:$0x6];
	[sflag:s29] =	ssyncset.done @!p0 $0x0  }
0x2be: {  	s26 =	rddreg [dreg:$0x4]  }
0x2bf: {  	s25 =	stileid.u32;
	s28 =	rddreg [dreg:$0x3]  }
.LBB2_6:
0x2c0: {  	p1 =	por p0, !p1  }
0x2c1: {  	[sflag:s29] =	ssyncadd.s32 @!p1 $0xFFFFF000  }
0x2c2: {  	[tilespmem:s3], [sflag:$0x1] =	stream.linear.gather [hbm4b:s2+s3], $0x4000, $0x38;
	[tilespmem:$0x19100] =	vst v63  }
0x2c3: {  	s0 =	rddreg [dreg:$0x7]  }
0x2c4: {  	[tilespmem:s10], [sflag:$0x2] =	stream.linear.gather [hbm4b:s0+s3], $0x4000, $0x38;
	[tilespmem:$0x19100] =	vst v63  }
0x2c5: {  	s1 =	rddreg [dreg:$0x8]  }
0x2c6: {  	[tilespmem:s23], [sflag:$0x3] =	stream.linear.gather [hbm4b:s1+s3], $0x4000, $0x38;
	[tilespmem:$0x19100] =	vst v63  }
0x2c7: {  	s29 =	rddreg [dreg:$0x9]  }
0x2c8: {  	[tilespmem:s20], [sflag:$0x4] =	stream.linear.gather [hbm4b:s29+s3], $0x4000, $0x38;
	[tilespmem:$0x19100] =	vst v63  }
0x2c9: {  	_ =	swait.ge [sflag:s14], $0x4000  }
0x2ca: {  	[sflag:s14] =	ssyncset.done $0x0  }
0x2cb: {  	s30 =	rddreg [dreg:$0xa];
	[sflag:s14] =	ssyncadd.s32 $0xFFFFC000  }
0x2cc: {  	[hbm4b:s30+s3] =	stream.linear.scatter [tilespmem:s3], [sflag:$0x7], $0x4000, $0x38;
	[tilespmem:$0x19100] =	vst v63  }
0x2cd: {  	s31 =	rddreg [dreg:$0xb]  }
0x2ce: {  	[tilespmem:s18], [sflag:$0x5] =	stream.linear.gather [hbm4b:s31+s3], $0x4000, $0x38;
	[tilespmem:$0x19100] =	vst v63  }
0x2cf: {  	_ =	swait.ge [sflag:s11], $0x4000  }
0x2d0: {  	[sflag:s11] =	ssyncset.done $0x0  }
0x2d1: {  	s2 =	rddreg [dreg:$0xc];
	[sflag:s11] =	ssyncadd.s32 $0xFFFFC000  }
0x2d2: {  	[hbm4b:s2+s3] =	stream.linear.scatter [tilespmem:s10], [sflag:$0x8], $0x4000, $0x38;
	[tilespmem:$0x19100] =	vst v63  }
0x2d3: {  	s29 =	rddreg [dreg:$0xd]  }
0x2d4: {  	[tilespmem:s17], [sflag:$0x6] =	stream.linear.gather [hbm4b:s29+s3], $0x4000, $0x38;
	[tilespmem:$0x19100] =	vst v63  }
0x2d5: {  	_ =	swait.ge [sflag:s24], $0x4000  }
0x2d6: {  	[sflag:s24] =	ssyncset.done $0x0  }
0x2d7: {  	s30 =	rddreg [dreg:$0xe];
	[sflag:s24] =	ssyncadd.s32 $0xFFFFC000  }
0x2d8: {  	[hbm4b:s30+s3] =	stream.linear.scatter [tilespmem:s23], [sflag:$0x9], $0x4000, $0x38;
	[tilespmem:$0x19100] =	vst v63  }
0x2d9: {  	_ =	swait.ge [sflag:s7], $0x4000  }
0x2da: {  	[sflag:s7] =	ssyncset.done $0x0  }
0x2db: {  	s31 =	rddreg [dreg:$0xf];
	[sflag:s7] =	ssyncadd.s32 $0xFFFFC000  }
0x2dc: {  	[tilespmem:s3], [sflag:$0x1] =	stream.linear.gather [hbm4b:s31+s3], $0x4000, $0x38;
	[tilespmem:$0x19100] =	vst v63  }
0x2dd: {  	_ =	swait.ge [sflag:s22], $0x4000  }
0x2de: {  	[sflag:s22] =	ssyncset.done $0x0  }
0x2df: {  	s1 =	rddreg [dreg:$0x10];
	[sflag:s22] =	ssyncadd.s32 $0xFFFFC000  }
0x2e0: {  	[hbm4b:s1+s3] =	stream.linear.scatter [tilespmem:s20], [sflag:$0xA], $0x4000, $0x38;
	[tilespmem:$0x19100] =	vst v63  }
0x2e1: {  	_ =	swait.ge [sflag:s6], $0x4000  }
0x2e2: {  	[sflag:s6] =	ssyncset.done $0x0  }
0x2e3: {  	s2 =	rddreg [dreg:$0x11];
	[sflag:s6] =	ssyncadd.s32 $0xFFFFC000  }
0x2e4: {  	[tilespmem:s10], [sflag:$0x2] =	stream.linear.gather [hbm4b:s2+s3], $0x4000, $0x38;
	[tilespmem:$0x19100] =	vst v63  }
0x2e5: {  	_ =	swait.ge [sflag:s21], $0x4000  }
0x2e6: {  	[sflag:s21] =	ssyncset.done $0x0  }
0x2e7: {  	s29 =	rddreg [dreg:$0x12];
	[sflag:s21] =	ssyncadd.s32 $0xFFFFC000  }
0x2e8: {  	[hbm4b:s29+s3] =	stream.linear.scatter [tilespmem:s18], [sflag:$0xB], $0x4000, $0x38;
	[tilespmem:$0x19100] =	vst v63  }
0x2e9: {  	_ =	swait.ge [sflag:s15], $0x4000  }
0x2ea: {  	[sflag:s15] =	ssyncset.done $0x0  }
0x2eb: {  	s30 =	rddreg [dreg:$0x13];
	[sflag:s15] =	ssyncadd.s32 $0xFFFFC000  }
0x2ec: {  	[tilespmem:s23], [sflag:$0x3] =	stream.linear.gather [hbm4b:s30+s3], $0x4000, $0x38;
	[tilespmem:$0x19100] =	vst v63  }
0x2ed: {  	_ =	swait.ge [sflag:s19], $0x4000  }
0x2ee: {  	[sflag:s19] =	ssyncset.done $0x0  }
0x2ef: {  	s31 =	rddreg [dreg:$0x14];
	[sflag:s19] =	ssyncadd.s32 $0xFFFFC000  }
0x2f0: {  	[hbm4b:s31+s3] =	stream.linear.scatter [tilespmem:s17], [sflag:$0xC], $0x4000, $0x38;
	[tilespmem:$0x19100] =	vst v63  }
0x2f1: {  	_ =	swait.ge [sflag:s16], $0x4000  }
0x2f2: {  	[sflag:s16] =	ssyncset.done $0x0  }
0x2f3: {  	s1 =	rddreg [dreg:$0x15];
	[sflag:s16] =	ssyncadd.s32 $0xFFFFC000  }
0x2f4: {  	[tilespmem:s20], [sflag:$0x4] =	stream.linear.gather [hbm4b:s1+s3], $0x4000, $0x38;
	[tilespmem:$0x19100] =	vst v63  }
0x2f5: {  	_ =	swait.ge [sflag:s14], $0x4000  }
0x2f6: {  	[sflag:s14] =	ssyncset.done $0x0  }
0x2f7: {  	s2 =	rddreg [dreg:$0x16];
	[sflag:s14] =	ssyncadd.s32 $0xFFFFC000  }
0x2f8: {  	[hbm4b:s2+s3] =	stream.linear.scatter [tilespmem:s3], [sflag:$0x7], $0x4000, $0x38;
	[tilespmem:$0x19100] =	vst v63  }
0x2f9: {  	_ =	swait.ge [sflag:s13], $0x4000  }
0x2fa: {  	[sflag:s13] =	ssyncset.done $0x0  }
0x2fb: {  	s29 =	rddreg [dreg:$0x17];
	[sflag:s13] =	ssyncadd.s32 $0xFFFFC000  }
0x2fc: {  	[tilespmem:s18], [sflag:$0x5] =	stream.linear.gather [hbm4b:s29+s3], $0x4000, $0x38;
	[tilespmem:$0x19100] =	vst v63  }
0x2fd: {  	_ =	swait.ge [sflag:s11], $0x4000  }
0x2fe: {  	[sflag:s11] =	ssyncset.done $0x0  }
0x2ff: {  	s30 =	rddreg [dreg:$0x18];
	[sflag:s11] =	ssyncadd.s32 $0xFFFFC000  }
0x300: {  	[hbm4b:s30+s3] =	stream.linear.scatter [tilespmem:s10], [sflag:$0x8], $0x4000, $0x38;
	[tilespmem:$0x19100] =	vst v63  }
0x301: {  	_ =	swait.ge [sflag:s12], $0x4000  }
0x302: {  	[sflag:s12] =	ssyncset.done $0x0  }
0x303: {  	s31 =	rddreg [dreg:$0x19];
	[sflag:s12] =	ssyncadd.s32 $0xFFFFC000  }
0x304: {  	[tilespmem:s17], [sflag:$0x6] =	stream.linear.gather [hbm4b:s31+s3], $0x4000, $0x38;
	[tilespmem:$0x19100] =	vst v63  }
0x305: {  	_ =	swait.ge [sflag:s24], $0x4000  }
0x306: {  	[sflag:s24] =	ssyncset.done $0x0  }
0x307: {  	s1 =	rddreg [dreg:$0x1a];
	[sflag:s24] =	ssyncadd.s32 $0xFFFFC000  }
0x308: {  	[hbm4b:s1+s3] =	stream.linear.scatter [tilespmem:s23], [sflag:$0x9], $0x4000, $0x38;
	[tilespmem:$0x19100] =	vst v63  }
0x309: {  	_ =	swait.ge [sflag:s7], $0x4000  }
0x30a: {  	[sflag:s7] =	ssyncset.done $0x0  }
0x30b: {  	s2 =	rddreg [dreg:$0x1b];
	[sflag:s7] =	ssyncadd.s32 $0xFFFFC000  }
0x30c: {  	[tilespmem:s3], [sflag:$0x1] =	stream.linear.gather [hbm4b:s2+s3], $0x4000, $0x38;
	[tilespmem:$0x19100] =	vst v63  }
0x30d: {  	_ =	swait.ge [sflag:s22], $0x4000  }
0x30e: {  	[sflag:s22] =	ssyncset.done $0x0  }
0x30f: {  	s29 =	rddreg [dreg:$0x1c];
	[sflag:s22] =	ssyncadd.s32 $0xFFFFC000  }
0x310: {  	[hbm4b:s29+s3] =	stream.linear.scatter [tilespmem:s20], [sflag:$0xA], $0x4000, $0x38;
	[tilespmem:$0x19100] =	vst v63  }
0x311: {  	_ =	swait.ge [sflag:s6], $0x4000  }
0x312: {  	[sflag:s6] =	ssyncset.done $0x0  }
0x313: {  	s30 =	rddreg [dreg:$0x1d];
	[sflag:s6] =	ssyncadd.s32 $0xFFFFC000  }
0x314: {  	[tilespmem:s10], [sflag:$0x2] =	stream.linear.gather [hbm4b:s30+s3], $0x4000, $0x38;
	[tilespmem:$0x19100] =	vst v63  }
0x315: {  	_ =	swait.ge [sflag:s21], $0x4000  }
0x316: {  	[sflag:s21] =	ssyncset.done $0x0  }
0x317: {  	s31 =	rddreg [dreg:$0x1e];
	[sflag:s21] =	ssyncadd.s32 $0xFFFFC000  }
0x318: {  	[hbm4b:s31+s3] =	stream.linear.scatter [tilespmem:s18], [sflag:$0xB], $0x4000, $0x38;
	[tilespmem:$0x19100] =	vst v63  }
0x319: {  	_ =	swait.ge [sflag:s15], $0x4000  }
0x31a: {  	[sflag:s15] =	ssyncset.done $0x0  }
0x31b: {  	s1 =	rddreg [dreg:$0x1f];
	[sflag:s15] =	ssyncadd.s32 $0xFFFFC000  }
0x31c: {  	[tilespmem:s23], [sflag:$0x3] =	stream.linear.gather [hbm4b:s1+s3], $0x4000, $0x38;
	[tilespmem:$0x19100] =	vst v63  }
0x31d: {  	_ =	swait.ge [sflag:s19], $0x4000  }
0x31e: {  	s2 =	sld [smem:$0x7DA]  }
0x31f: {  	[sflag:s19] =	ssyncset.done $0x0  }
0x320: {  	[sflag:s19] =	ssyncadd.s32 $0xFFFFC000  }
0x321: {  	[hbm4b:s2+s3] =	stream.linear.scatter [tilespmem:s17], [sflag:$0xC], $0x4000, $0x38;
	[tilespmem:$0x19100] =	vst v63  }
0x322: {  	_ =	swait.ge [sflag:s16], $0x4000  }
0x323: {  	s29 =	sld [smem:$0x7DB]  }
0x324: {  	[sflag:s16] =	ssyncset.done $0x0  }
0x325: {  	[sflag:s16] =	ssyncadd.s32 $0xFFFFC000  }
0x326: {  	[tilespmem:s20], [sflag:$0x4] =	stream.linear.gather [hbm4b:s29+s3], $0x4000, $0x38;
	[tilespmem:$0x19100] =	vst v63  }
0x327: {  	_ =	swait.ge [sflag:s14], $0x4000  }
0x328: {  	s30 =	sld [smem:$0x7DC]  }
0x329: {  	[sflag:s14] =	ssyncset.done $0x0  }
0x32a: {  	[sflag:s14] =	ssyncadd.s32 $0xFFFFC000  }
0x32b: {  	[hbm4b:s30+s3] =	stream.linear.scatter [tilespmem:s3], [sflag:$0x7], $0x4000, $0x38;
	[tilespmem:$0x19100] =	vst v63  }
0x32c: {  	_ =	swait.ge [sflag:s13], $0x4000  }
0x32d: {  	s31 =	sld [smem:$0x7DD]  }
0x32e: {  	[sflag:s13] =	ssyncset.done $0x0  }
0x32f: {  	[sflag:s13] =	ssyncadd.s32 $0xFFFFC000  }
0x330: {  	[tilespmem:s18], [sflag:$0x5] =	stream.linear.gather [hbm4b:s31+s3], $0x4000, $0x38;
	[tilespmem:$0x19100] =	vst v63  }
0x331: {  	_ =	swait.ge [sflag:s11], $0x4000  }
0x332: {  	s1 =	sld [smem:$0x7DE]  }
0x333: {  	[sflag:s11] =	ssyncset.done $0x0  }
0x334: {  	[sflag:s11] =	ssyncadd.s32 $0xFFFFC000  }
0x335: {  	[hbm4b:s1+s3] =	stream.linear.scatter [tilespmem:s10], [sflag:$0x8], $0x4000, $0x38;
	[tilespmem:$0x19100] =	vst v63  }
0x336: {  	_ =	swait.ge [sflag:s12], $0x4000  }
0x337: {  	s2 =	sld [smem:$0x7DF]  }
0x338: {  	[sflag:s12] =	ssyncset.done $0x0  }
0x339: {  	[sflag:s12] =	ssyncadd.s32 $0xFFFFC000  }
0x33a: {  	[tilespmem:s17], [sflag:$0x6] =	stream.linear.gather [hbm4b:s2+s3], $0x4000, $0x38;
	[tilespmem:$0x19100] =	vst v63  }
0x33b: {  	_ =	swait.ge [sflag:s24], $0x4000  }
0x33c: {  	s29 =	sld [smem:$0x7E0]  }
0x33d: {  	[sflag:s24] =	ssyncset.done $0x0  }
0x33e: {  	[sflag:s24] =	ssyncadd.s32 $0xFFFFC000  }
0x33f: {  	[hbm4b:s29+s3] =	stream.linear.scatter [tilespmem:s23], [sflag:$0x9], $0x4000, $0x38;
	[tilespmem:$0x19100] =	vst v63  }
0x340: {  	_ =	swait.ge [sflag:s7], $0x4000  }
0x341: {  	s30 =	sld [smem:$0x7E1]  }
0x342: {  	[sflag:s7] =	ssyncset.done $0x0  }
0x343: {  	[sflag:s7] =	ssyncadd.s32 $0xFFFFC000  }
0x344: {  	[tilespmem:s3], [sflag:$0x1] =	stream.linear.gather [hbm4b:s30+s3], $0x4000, $0x38;
	[tilespmem:$0x19100] =	vst v63  }
0x345: {  	_ =	swait.ge [sflag:s22], $0x4000  }
0x346: {  	s31 =	sld [smem:$0x7E2]  }
0x347: {  	[sflag:s22] =	ssyncset.done $0x0  }
0x348: {  	[sflag:s22] =	ssyncadd.s32 $0xFFFFC000  }
0x349: {  	[hbm4b:s31+s3] =	stream.linear.scatter [tilespmem:s20], [sflag:$0xA], $0x4000, $0x38;
	[tilespmem:$0x19100] =	vst v63  }
0x34a: {  	_ =	swait.ge [sflag:s6], $0x4000  }
0x34b: {  	s1 =	sld [smem:$0x7E3]  }
0x34c: {  	[sflag:s6] =	ssyncset.done $0x0  }
0x34d: {  	[sflag:s6] =	ssyncadd.s32 $0xFFFFC000  }
0x34e: {  	[tilespmem:s10], [sflag:$0x2] =	stream.linear.gather [hbm4b:s1+s3], $0x4000, $0x38;
	[tilespmem:$0x19100] =	vst v63  }
0x34f: {  	_ =	swait.ge [sflag:s21], $0x4000  }
0x350: {  	s2 =	sld [smem:$0x7E4]  }
0x351: {  	[sflag:s21] =	ssyncset.done $0x0  }
0x352: {  	[sflag:s21] =	ssyncadd.s32 $0xFFFFC000  }
0x353: {  	[hbm4b:s2+s3] =	stream.linear.scatter [tilespmem:s18], [sflag:$0xB], $0x4000, $0x38;
	[tilespmem:$0x19100] =	vst v63  }
0x354: {  	_ =	swait.ge [sflag:s15], $0x4000  }
0x355: {  	s29 =	sld [smem:$0x7E5]  }
0x356: {  	[sflag:s15] =	ssyncset.done $0x0  }
0x357: {  	[sflag:s15] =	ssyncadd.s32 $0xFFFFC000  }
0x358: {  	[tilespmem:s23], [sflag:$0x3] =	stream.linear.gather [hbm4b:s29+s3], $0x4000, $0x38;
	[tilespmem:$0x19100] =	vst v63  }
0x359: {  	_ =	swait.ge [sflag:s19], $0x4000  }
0x35a: {  	s30 =	sld [smem:$0x7E6]  }
0x35b: {  	[sflag:s19] =	ssyncset.done $0x0  }
0x35c: {  	[sflag:s19] =	ssyncadd.s32 $0xFFFFC000  }
0x35d: {  	[hbm4b:s30+s3] =	stream.linear.scatter [tilespmem:s17], [sflag:$0xC], $0x4000, $0x38;
	[tilespmem:$0x19100] =	vst v63  }
0x35e: {  	_ =	swait.ge [sflag:s16], $0x4000  }
0x35f: {  	s31 =	sld [smem:$0x7E7]  }
0x360: {  	[sflag:s16] =	ssyncset.done $0x0  }
0x361: {  	[sflag:s16] =	ssyncadd.s32 $0xFFFFC000  }
0x362: {  	[tilespmem:s20], [sflag:$0x4] =	stream.linear.gather [hbm4b:s31+s3], $0x4000, $0x38;
	[tilespmem:$0x19100] =	vst v63  }
0x363: {  	_ =	swait.ge [sflag:s14], $0x4000  }
0x364: {  	s1 =	sld [smem:$0x7E8]  }
0x365: {  	[sflag:s14] =	ssyncset.done $0x0  }
0x366: {  	[sflag:s14] =	ssyncadd.s32 $0xFFFFC000  }
0x367: {  	[hbm4b:s1+s3] =	stream.linear.scatter [tilespmem:s3], [sflag:$0x7], $0x4000, $0x38;
	[tilespmem:$0x19100] =	vst v63  }
0x368: {  	_ =	swait.ge [sflag:s13], $0x4000  }
0x369: {  	s2 =	sld [smem:$0x7E9]  }
0x36a: {  	[sflag:s13] =	ssyncset.done $0x0  }
0x36b: {  	[sflag:s13] =	ssyncadd.s32 $0xFFFFC000  }
0x36c: {  	[tilespmem:s18], [sflag:$0x5] =	stream.linear.gather [hbm4b:s2+s3], $0x4000, $0x38;
	[tilespmem:$0x19100] =	vst v63  }
0x36d: {  	_ =	swait.ge [sflag:s11], $0x4000  }
0x36e: {  	s29 =	sld [smem:$0x7EA]  }
0x36f: {  	[sflag:s11] =	ssyncset.done $0x0  }
0x370: {  	[sflag:s11] =	ssyncadd.s32 $0xFFFFC000  }
0x371: {  	[hbm4b:s29+s3] =	stream.linear.scatter [tilespmem:s10], [sflag:$0x8], $0x4000, $0x38;
	[tilespmem:$0x19100] =	vst v63  }
0x372: {  	_ =	swait.ge [sflag:s12], $0x4000  }
0x373: {  	s30 =	sld [smem:$0x7EB]  }
0x374: {  	[sflag:s12] =	ssyncset.done $0x0  }
0x375: {  	[sflag:s12] =	ssyncadd.s32 $0xFFFFC000  }
0x376: {  	[tilespmem:s17], [sflag:$0x6] =	stream.linear.gather [hbm4b:s30+s3], $0x4000, $0x38;
	[tilespmem:$0x19100] =	vst v63  }
0x377: {  	_ =	swait.ge [sflag:s24], $0x4000  }
0x378: {  	s31 =	sld [smem:$0x7EC]  }
0x379: {  	[sflag:s24] =	ssyncset.done $0x0  }
0x37a: {  	[sflag:s24] =	ssyncadd.s32 $0xFFFFC000  }
0x37b: {  	[hbm4b:s31+s3] =	stream.linear.scatter [tilespmem:s23], [sflag:$0x9], $0x4000, $0x38;
	[tilespmem:$0x19100] =	vst v63  }
0x37c: {  	_ =	swait.ge [sflag:s7], $0x4000  }
0x37d: {  	s1 =	sld [smem:$0x7ED]  }
0x37e: {  	[sflag:s7] =	ssyncset.done $0x0  }
0x37f: {  	[sflag:s7] =	ssyncadd.s32 $0xFFFFC000  }
0x380: {  	[tilespmem:s3], [sflag:$0x1] =	stream.linear.gather [hbm4b:s1+s3], $0x4000, $0x38;
	[tilespmem:$0x19100] =	vst v63  }
0x381: {  	_ =	swait.ge [sflag:s22], $0x4000  }
0x382: {  	s2 =	sld [smem:$0x7EE]  }
0x383: {  	[sflag:s22] =	ssyncset.done $0x0  }
0x384: {  	[sflag:s22] =	ssyncadd.s32 $0xFFFFC000  }
0x385: {  	[hbm4b:s2+s3] =	stream.linear.scatter [tilespmem:s20], [sflag:$0xA], $0x4000, $0x38;
	[tilespmem:$0x19100] =	vst v63  }
0x386: {  	_ =	swait.ge [sflag:s6], $0x4000  }
0x387: {  	s29 =	sld [smem:$0x7EF]  }
0x388: {  	[sflag:s6] =	ssyncset.done $0x0  }
0x389: {  	[sflag:s6] =	ssyncadd.s32 $0xFFFFC000  }
0x38a: {  	[tilespmem:s10], [sflag:$0x2] =	stream.linear.gather [hbm4b:s29+s3], $0x4000, $0x38;
	[tilespmem:$0x19100] =	vst v63  }
0x38b: {  	_ =	swait.ge [sflag:s21], $0x4000  }
0x38c: {  	s30 =	sld [smem:$0x7F0]  }
0x38d: {  	[sflag:s21] =	ssyncset.done $0x0  }
0x38e: {  	[sflag:s21] =	ssyncadd.s32 $0xFFFFC000  }
0x38f: {  	[hbm4b:s30+s3] =	stream.linear.scatter [tilespmem:s18], [sflag:$0xB], $0x4000, $0x38;
	[tilespmem:$0x19100] =	vst v63  }
0x390: {  	_ =	swait.ge [sflag:s15], $0x4000  }
0x391: {  	s31 =	sld [smem:$0x7F1]  }
0x392: {  	[sflag:s15] =	ssyncset.done $0x0  }
0x393: {  	[sflag:s15] =	ssyncadd.s32 $0xFFFFC000  }
0x394: {  	[tilespmem:s23], [sflag:$0x3] =	stream.linear.gather [hbm4b:s31+s3], $0x4000, $0x38;
	[tilespmem:$0x19100] =	vst v63  }
0x395: {  	_ =	swait.ge [sflag:s19], $0x4000  }
0x396: {  	s1 =	sld [smem:$0x7F2]  }
0x397: {  	[sflag:s19] =	ssyncset.done $0x0  }
0x398: {  	[sflag:s19] =	ssyncadd.s32 $0xFFFFC000  }
0x399: {  	[hbm4b:s1+s3] =	stream.linear.scatter [tilespmem:s17], [sflag:$0xC], $0x4000, $0x38;
	[tilespmem:$0x19100] =	vst v63  }
0x39a: {  	_ =	swait.ge [sflag:s16], $0x4000  }
0x39b: {  	s2 =	sld [smem:$0x7F3]  }
0x39c: {  	[sflag:s16] =	ssyncset.done $0x0  }
0x39d: {  	[sflag:s16] =	ssyncadd.s32 $0xFFFFC000  }
0x39e: {  	[tilespmem:s20], [sflag:$0x4] =	stream.linear.gather [hbm4b:s2+s3], $0x4000, $0x38;
	[tilespmem:$0x19100] =	vst v63  }
0x39f: {  	_ =	swait.ge [sflag:s14], $0x4000  }
0x3a0: {  	s29 =	sld [smem:$0x7F4]  }
0x3a1: {  	[sflag:s14] =	ssyncset.done $0x0  }
0x3a2: {  	[sflag:s14] =	ssyncadd.s32 $0xFFFFC000  }
0x3a3: {  	[hbm4b:s29+s3] =	stream.linear.scatter [tilespmem:s3], [sflag:$0x7], $0x4000, $0x38;
	[tilespmem:$0x19100] =	vst v63  }
0x3a4: {  	_ =	swait.ge [sflag:s13], $0x4000  }
0x3a5: {  	s30 =	sld [smem:$0x7F5]  }
0x3a6: {  	[sflag:s13] =	ssyncset.done $0x0  }
0x3a7: {  	[sflag:s13] =	ssyncadd.s32 $0xFFFFC000  }
0x3a8: {  	[tilespmem:s18], [sflag:$0x5] =	stream.linear.gather [hbm4b:s30+s3], $0x4000, $0x38;
	[tilespmem:$0x19100] =	vst v63  }
0x3a9: {  	_ =	swait.ge [sflag:s11], $0x4000  }
0x3aa: {  	s31 =	sld [smem:$0x7F6]  }
0x3ab: {  	[sflag:s11] =	ssyncset.done $0x0  }
0x3ac: {  	[sflag:s11] =	ssyncadd.s32 $0xFFFFC000  }
0x3ad: {  	[hbm4b:s31+s3] =	stream.linear.scatter [tilespmem:s10], [sflag:$0x8], $0x4000, $0x38;
	[tilespmem:$0x19100] =	vst v63  }
0x3ae: {  	_ =	swait.ge [sflag:s12], $0x4000  }
0x3af: {  	s1 =	sld [smem:$0x7F7]  }
0x3b0: {  	[sflag:s12] =	ssyncset.done $0x0  }
0x3b1: {  	[sflag:s12] =	ssyncadd.s32 $0xFFFFC000  }
0x3b2: {  	[tilespmem:s17], [sflag:$0x6] =	stream.linear.gather [hbm4b:s1+s3], $0x4000, $0x38;
	[tilespmem:$0x19100] =	vst v63  }
0x3b3: {  	_ =	swait.ge [sflag:s24], $0x4000  }
0x3b4: {  	s2 =	sld [smem:$0x7F8]  }
0x3b5: {  	[sflag:s24] =	ssyncset.done $0x0  }
0x3b6: {  	[sflag:s24] =	ssyncadd.s32 $0xFFFFC000  }
0x3b7: {  	[hbm4b:s2+s3] =	stream.linear.scatter [tilespmem:s23], [sflag:$0x9], $0x4000, $0x38;
	[tilespmem:$0x19100] =	vst v63  }
0x3b8: {  	_ =	swait.ge [sflag:s7], $0x4000  }
0x3b9: {  	s23 =	sld [smem:$0x7F9]  }
0x3ba: {  	[sflag:s7] =	ssyncset.done $0x0  }
0x3bb: {  	[sflag:s7] =	ssyncadd.s32 $0xFFFFC000  }
0x3bc: {  	[tilespmem:s3], [sflag:$0x1] =	stream.linear.gather [hbm4b:s23+s3], $0x4000, $0x38;
	[tilespmem:$0x19100] =	vst v63  }
0x3bd: {  	_ =	swait.ge [sflag:s22], $0x4000  }
0x3be: {  	s24 =	sld [smem:$0x7FA]  }
0x3bf: {  	[sflag:s22] =	ssyncset.done $0x0  }
0x3c0: {  	[sflag:s22] =	ssyncadd.s32 $0xFFFFC000  }
0x3c1: {  	[hbm4b:s24+s3] =	stream.linear.scatter [tilespmem:s20], [sflag:$0xA], $0x4000, $0x38;
	[tilespmem:$0x19100] =	vst v63  }
0x3c2: {  	_ =	swait.ge [sflag:s6], $0x4000  }
0x3c3: {  	s29 =	sld [smem:$0x7FB]  }
0x3c4: {  	[sflag:s6] =	ssyncset.done $0x0  }
0x3c5: {  	[sflag:s6] =	ssyncadd.s32 $0xFFFFC000  }
0x3c6: {  	[tilespmem:s10], [sflag:$0x2] =	stream.linear.gather [hbm4b:s29+s3], $0x4000, $0x38;
	[tilespmem:$0x19100] =	vst v63  }
0x3c7: {  	_ =	swait.ge [sflag:s21], $0x4000  }
0x3c8: {  	s30 =	sld [smem:$0x7FC]  }
0x3c9: {  	[sflag:s21] =	ssyncset.done $0x0  }
0x3ca: {  	[sflag:s21] =	ssyncadd.s32 $0xFFFFC000  }
0x3cb: {  	[hbm4b:s30+s3] =	stream.linear.scatter [tilespmem:s18], [sflag:$0xB], $0x4000, $0x38;
	[tilespmem:$0x19100] =	vst v63  }
0x3cc: {  	_ =	swait.ge [sflag:s19], $0x4000  }
0x3cd: {  	s31 =	sld [smem:$0x7FD]  }
0x3ce: {  	[sflag:s19] =	ssyncset.done $0x0  }
0x3cf: {  	[sflag:s19] =	ssyncadd.s32 $0xFFFFC000  }
0x3d0: {  	[hbm4b:s31+s3] =	stream.linear.scatter [tilespmem:s17], [sflag:$0xC], $0x4000, $0x38;
	[tilespmem:$0x19100] =	vst v63  }
0x3d1: {  	_ =	swait.ge [sflag:s14], $0x4000  }
0x3d2: {  	[sflag:s14] =	ssyncset.done $0x0  }
0x3d3: {  	[sflag:s14] =	ssyncadd.s32 $0xFFFFC000  }
0x3d4: {  	[hbm4b:s9+s3] =	stream.linear.scatter [tilespmem:s3], [sflag:$0x7], $0x4000, $0x38;
	[tilespmem:$0x19100] =	vst v63  }
0x3d5: {  	_ =	swait.ge [sflag:s11], $0x4000  }
0x3d6: {  	[sflag:s11] =	ssyncset.done $0x0  }
0x3d7: {  	[sflag:s11] =	ssyncadd.s32 $0xFFFFC000  }
0x3d8: {  	[hbm4b:s8+s3] =	stream.linear.scatter [tilespmem:s10], [sflag:$0x8], $0x4000, $0x38;
	[tilespmem:$0x19100] =	vst v63  }
0x3d9: {  	_ =	swait.ge [sflag:s15], $0x4000  }
0x3da: {  	[sflag:s15] =	ssyncset.done $0x0  }
0x3db: {  	[sflag:s15] =	ssyncadd.s32 $0xFFFFC000  }
0x3dc: {  	_ =	swait.ge [sflag:s16], $0x4000  }
0x3dd: {  	[sflag:s16] =	ssyncset.done $0x0  }
0x3de: {  	[sflag:s16] =	ssyncadd.s32 $0xFFFFC000  }
0x3df: {  	_ =	swait.ge [sflag:s13], $0x4000  }
0x3e0: {  	[sflag:s13] =	ssyncset.done $0x0  }
0x3e1: {  	[sflag:s13] =	ssyncadd.s32 $0xFFFFC000  }
0x3e2: {  	_ =	swait.ge [sflag:s12], $0x4000  }
0x3e3: {  	[sflag:s12] =	ssyncset.done $0x0  }
0x3e4: {  	[sflag:s12] =	ssyncadd.s32 $0xFFFFC000  }
0x3e5: {  	_ =	swait.ge [sflag:s7], $0x4000  }
0x3e6: {  	[sflag:s7] =	ssyncset.done $0x0  }
0x3e7: {  	[sflag:s7] =	ssyncadd.s32 $0xFFFFC000  }
0x3e8: {  	_ =	swait.ge [sflag:s6], $0x4000  }
0x3e9: {  	s0 =	simm.s32 @!p0 $0xE;
	[sflag:s6] =	ssyncset.done $0x0  }
0x3ea: {  	s1 =	simm.s32 @!p0 $0x0;
	s2 =	simm.s32 @!p0 $0x19000;
	[sflag:s6] =	ssyncadd.s32 $0xFFFFC000  }
0x3eb: {  	[tilespmem:s2], [sflag:$0xE] =	stream.linear.gather @!p0 [hbm4b:s5+s1], $0x80, $0x38;
	[tilespmem:$0x19100] =	vst v63  }
0x3ec: {  	_ =	swait.ge @!p0 [sflag:s0], $0x80  }
0x3ed: {  	[sflag:s0] =	ssyncset.done @!p0 $0x0  }
0x3ee: {  	s3 =	simm.s32 @!p0 $0x19080;
	[sflag:s0] =	ssyncadd.s32 @!p0 $0xFFFFFF80  }
0x3ef: {  	[tilespmem:s3], [sflag:$0xE] =	stream.linear.gather @!p0 [hbm4b:s4+s1], $0x80, $0x38;
	[tilespmem:$0x19100] =	vst v63  }
0x3f0: {  	_ =	swait.ge @!p0 [sflag:s0], $0x80  }
0x3f1: {  	s4 =	simm.s32 @!p0 $0x18000;
	[sflag:s0] =	ssyncset.done @!p0 $0x0  }
0x3f2: {  	s1 =	rddreg [dreg:$0x5];
	[sflag:s0] =	ssyncadd.s32 @!p0 $0xFFFFFF80;
	s0 =	simm.s32 @!p0 $0x20  }
0x3f3: {  	[tilespmem:s4], [sflag:$0xD] =	stream.indirect.gather @!p0 [hbm4b:s1+s0], $0x80, s2, s0, $0xb8;
	[tilespmem:$0x19100] =	vst v63  }
0x3f4: {  	s1 =	simm.s32 @!p0 $0xD  }
0x3f5: {  	_ =	swait.ge @!p0 [sflag:s1], $0x1000  }
0x3f6: {  	[sflag:s1] =	ssyncset.done @!p0 $0x0  }
0x3f7: {  	[sflag:s1] =	ssyncadd.s32 @!p0 $0xFFFFF000  }
0x3f8: {  	[hbm4b:s28+s0] =	stream.indirect.scatter @!p0 [tilespmem:s4], [sflag:$0xD], $0x80, s3, s0, $0xb8;
	[tilespmem:$0x19100] =	vst v63  }
0x3f9: {  	_ =	swait.ge @!p0 [sflag:s1], $0x1000  }
0x3fa: {  	[sflag:s1] =	ssyncset.done @!p0 $0x0  }
0x3fb: {  	[sflag:s1] =	ssyncadd.s32 @!p0 $0xFFFFF000  }
0x3fc: {  	_ =	sfence.sel $0x180000  }
0x3fd: {  	[bflag:$0x0] =	sbarrier.arrive $0xFFFF  }
0x3fe: {  	p0 =	sne.s32 s25, $0x0;
	_ =	strace $0x90000047  }
0x3ff: {  	s0 =	sadd.s32 @!p0 $0x100000, s26;
	[bflag:$0x2] =	sbarrier.arrive $0xFFFF  }
0x400: {  	[sflag:s0] =	ssyncadd.tile.s32 @!p0 $0x1;
	_ =	shalt  }
.LBB2_1:
.Ltmp3:
0x401: {  	(pc) =	sbr.rel .LBB2_6-.Ltmp3, $2  }
0x402: {  	_ =	sdelay $0x2  }
0x403: {  	_ = 	snop  }
.LBB2_3:
.Ltmp4:
0x404: {  	(pc) =	sbr.rel .LBB2_6-.Ltmp4, $3  }
0x405: {  	_ =	sdelay $0x1  }
0x406: {  	s26 =	rddreg [dreg:$0x4]  }
0x407: {  	s25 =	stileid.u32;
	s28 =	rddreg [dreg:$0x3]  }
.Lfunc_end2:
_tile_overlayer_lowered:
.L_overlay_start_2:
0x408: {  	(tag) =	ssettag $0x2  }
0x409: {  	s0 =	rddreg [dreg:$0x0];
	s2 =	stileid.u32  }
0x40a: {  	s1 =	rddreg [dreg:$0x1];
	p0 =	sne.s32 s2, $0x0  }
0x40b: {  	s3 =	rddreg [dreg:$0x2];
	[bflag:$0x3] =	sbarrier.arrive $0xFFFF;
	s2 =	simm.s32 @!p0 $0x1C0E  }
0x40c: {  	[timem:s3], [sflag:s2] =	dma.local @!p0 [hbm:s0], s1  }
0x40d: {  	s0 =	simm.s32 @!p0 $0xE  }
0x40e: {  	_ =	swait.ge @!p0 [sflag:s0], s1  }
0x40f: {  	s1 =	ssub.s32 @!p0 $0x0, s1;
	[sflag:s0] =	ssyncset.done @!p0 $0x0  }
0x410: {  	[sflag:s0] =	ssyncadd.s32 @!p0 s1  }
0x411: {  	[bflag:$0x3] =	sbarrier.arrive $0xFFFF  }
0x412: {  	_ =	shalt  }

</sc_bundles>
